<compile_context>
chip_gen: v7x
topology: tpu7x:2x2x1
jax: 0.10.2.dev20260603
libtpu: 0.0.44.dev20260713+nightly
codegen_flags: <defaults>
</compile_context>

<pallas_src>
import functools

import jax
import jax.numpy as jnp
from jax import lax
from jax.experimental import pallas as pl
from jax.experimental.pallas import tpu as pltpu
from jax.experimental.pallas import tpu_sc as plsc



def _sc_gather(table, flat_ids):
    bs = flat_ids.shape[0]
    d = table.shape[1]
    info = plsc.get_sparse_core_info()
    nw = info.num_cores * info.num_subcores
    per_w = bs // nw
    chunk = next(c for c in (80, 64, 32, 16, 8, 4, 2, 1) if per_w % c == 0)
    n_chunks = per_w // chunk
    mesh = plsc.VectorSubcoreMesh(core_axis_name="c", subcore_axis_name="s")

    @functools.partial(
        pl.kernel,
        mesh=mesh,
        out_type=jax.ShapeDtypeStruct((bs, d), jnp.float32),
        scratch_types=[
            pltpu.VMEM((per_w,), jnp.int32),
            pltpu.VMEM((chunk, d), jnp.float32),
            pltpu.VMEM((chunk, d), jnp.float32),
            pltpu.SemaphoreType.DMA,
            pltpu.SemaphoreType.DMA,
        ],
    )
    def k(ids_hbm, table_hbm, out_hbm, idx_v, rows0, rows1, sem0, sem1):
        wid = lax.axis_index("s") * info.num_cores + lax.axis_index("c")
        base = wid * per_w
        pltpu.sync_copy(ids_hbm.at[pl.ds(base, per_w)], idx_v)
        rows = (rows0, rows1)
        sems = (sem0, sem1)
        pltpu.async_copy(table_hbm.at[idx_v.at[pl.ds(0, chunk)]], rows[0], sems[0])
        for c in range(n_chunks):
            if c + 1 < n_chunks:
                pltpu.async_copy(
                    table_hbm.at[idx_v.at[pl.ds((c + 1) * chunk, chunk)]],
                    rows[(c + 1) % 2], sems[(c + 1) % 2])
            pltpu.make_async_copy(
                table_hbm.at[idx_v.at[pl.ds(c * chunk, chunk)]],
                rows[c % 2], sems[c % 2]).wait()
            pltpu.sync_copy(rows[c % 2], out_hbm.at[pl.ds(base + c * chunk, chunk)])

    return k(flat_ids, table)



def _tc_compute(g_ref, pos_ref, seg_ref, type_ref, gamma_ref, beta_ref,
                w_ref, b_ref, out_ref):
    t0 = type_ref[0, :][None, :]
    t1 = type_ref[1, :][None, :]
    sf = seg_ref[0, 0, :][:, None]
    emb = g_ref[...] + pos_ref[...].astype(jnp.float32) + (t0 + sf * (t1 - t0))
    mu = jnp.mean(emb, axis=1, keepdims=True)
    xc = emb - mu
    var = jnp.mean(xc * xc, axis=1, keepdims=True)
    y = xc * lax.rsqrt(var + 1e-12) * gamma_ref[0, :] + beta_ref[0, :]
    out_ref[...] = jnp.dot(y.astype(jnp.bfloat16), w_ref[...],
                           preferred_element_type=jnp.float32) + b_ref[0, :]


def _tc_body(g_ref, pos_ref, seg_ref, type_ref, gamma_ref, beta_ref,
             w_ref, b_ref, out_ref):
    _tc_compute(g_ref, pos_ref, seg_ref, type_ref, gamma_ref, beta_ref,
                w_ref, b_ref, out_ref)


def _tc_body_alias(g_ref, pos_ref, seg_ref, type_ref, gamma_ref, beta_ref,
                   w_ref, b_ref, prev_ref, out_ref):
    _tc_compute(g_ref, pos_ref, seg_ref, type_ref, gamma_ref, beta_ref,
                w_ref, b_ref, out_ref)


def _tc_fuse_slice(gathered, pos_emb, segf, type_emb, gamma, beta, w, b,
                   prev, base_seq, total_rows):
    bs_k, d = gathered.shape
    nseq_k, _, s = segf.shape
    ins = [gathered, pos_emb, segf, type_emb, gamma, beta, w, b]
    in_specs = [
        pl.BlockSpec((s, d), lambda i: (i, 0)),
        pl.BlockSpec((s, d), lambda i: (0, 0)),
        pl.BlockSpec((1, 1, s), lambda i: (i, 0, 0)),
        pl.BlockSpec((2, d), lambda i: (0, 0)),
        pl.BlockSpec((1, d), lambda i: (0, 0)),
        pl.BlockSpec((1, d), lambda i: (0, 0)),
        pl.BlockSpec((d, d), lambda i: (0, 0)),
        pl.BlockSpec((1, d), lambda i: (0, 0)),
    ]
    kwargs = {}
    body = _tc_body
    if prev is not None:
        ins.append(prev)
        in_specs.append(pl.BlockSpec(memory_space=pl.ANY))
        kwargs["input_output_aliases"] = {8: 0}
        body = _tc_body_alias
    return pl.pallas_call(
        body,
        grid=(nseq_k,),
        in_specs=in_specs,
        out_specs=pl.BlockSpec((s, d), lambda i, b=base_seq: (i + b, 0)),
        out_shape=jax.ShapeDtypeStruct((total_rows, d), jnp.float32),
        **kwargs,
    )(*ins)


def kernel(input_ids, segment_ids, word_emb, pos_emb, type_emb,
           ln_gamma, ln_beta, W_proj, b_proj):
    nb, s = input_ids.shape
    d = word_emb.shape[1]
    flat_ids = input_ids.reshape(-1)
    blk = 2 if nb % 2 == 0 else 1
    segf = segment_ids.astype(jnp.float32).reshape(nb // blk, 1, blk * s)
    pos2 = jnp.concatenate([pos_emb] * blk, axis=0).astype(jnp.bfloat16)
    gamma2 = ln_gamma.reshape(1, d)
    beta2 = ln_beta.reshape(1, d)
    w_bf = W_proj.astype(jnp.bfloat16)
    b2 = b_proj.reshape(1, d)

    if nb == 64:
        slice_seqs = [8, 16, 20, 20]
    else:
        slice_seqs = [nb]
    out = None
    base = 0
    for sl in slice_seqs:
        ids_k = lax.slice(flat_ids, (base * s,), ((base + sl) * s,))
        g_k = _sc_gather(word_emb, ids_k)
        segf_k = lax.slice(segf, (base // blk, 0, 0),
                           ((base + sl) // blk, 1, blk * s))
        out = _tc_fuse_slice(g_k, pos2, segf_k, type_emb,
                             gamma2, beta2, w_bf, b2,
                             out, base // blk, nb * s)
        base += sl
    return out.reshape(nb, s, d)

# --- scband reference (transcript-rebuilt; emitter-appended) ---
"""Pipeline reference for scband-vi-lttext-embedding-10642928959665 (READ-ONLY COPY).

The authoritative reference and input builder live on the scoring server;
editing this copy changes nothing except your own understanding.
"""

import jax, jax.numpy as jnp
import numpy as np

VOCAB = 30522
MAX_POS = 512
TYPE_VOCAB = 2
HIDDEN = 768
PROJ = 768
B, S = 64, 512

def setup_inputs(seed: int = 0) -> dict:
    key = jax.random.key(seed)
    ks = jax.random.split(key, 10)
    input_ids = jax.random.randint(ks[0], (B, S), 0, VOCAB, dtype=jnp.int64 if jax.config.jax_enable_x64 else jnp.int32).astype(jnp.int32)
    segment_ids = jax.random.randint(ks[1], (B, S), 0, TYPE_VOCAB).astype(jnp.int32)
    word_emb = jax.random.normal(ks[2], (VOCAB, HIDDEN), dtype=jnp.float32) * 0.02
    pos_emb = jax.random.normal(ks[3], (MAX_POS, HIDDEN), dtype=jnp.float32) * 0.02
    type_emb = jax.random.normal(ks[4], (TYPE_VOCAB, HIDDEN), dtype=jnp.float32) * 0.02
    ln_gamma = jnp.ones((HIDDEN,), dtype=jnp.float32)
    ln_beta = jnp.zeros((HIDDEN,), dtype=jnp.float32)
    W_proj = jax.random.normal(ks[5], (HIDDEN, PROJ), dtype=jnp.float32) * (1.0 / np.sqrt(HIDDEN))
    b_proj = jnp.zeros((PROJ,), dtype=jnp.float32)
    return {"input_ids": input_ids, "segment_ids": segment_ids, "word_emb": word_emb, "pos_emb": pos_emb, "type_emb": type_emb, "ln_gamma": ln_gamma, "ln_beta": ln_beta, "W_proj": W_proj, "b_proj": b_proj}

def _layer_norm(x, gamma, beta, eps=1e-12):
    mu = jnp.mean(x, axis=-1, keepdims=True)
    var = jnp.mean(jnp.square(x - mu), axis=-1, keepdims=True)
    return (x - mu) * jax.lax.rsqrt(var + eps) * gamma + beta

def reference(input_ids, segment_ids, word_emb, pos_emb, type_emb, ln_gamma, ln_beta, W_proj, b_proj):
    # BERT embeddings: word + position + token_type, then LayerNorm (dropout is identity in eval)
    seq_len = input_ids.shape[1]
    w = jnp.take(word_emb, input_ids, axis=0)
    positions = jnp.arange(seq_len, dtype=jnp.int32)
    p = jnp.take(pos_emb, positions, axis=0)[None, :, :]
    t = jnp.take(type_emb, segment_ids, axis=0)
    emb = w + p + t
    emb = _layer_norm(emb, ln_gamma, ln_beta)
    # text_projection: Linear(hidden_size -> hidden_dim)
    out = jnp.einsum('bsh,hd->bsd', emb, W_proj) + b_proj
    return out

if __name__ == "__main__":
    import jax
    _d = setup_inputs()
    print(jax.jit(kernel)(*tuple(_d.values())))

</pallas_src>

<mosaic_0001>
#map = affine_map<(d0, d1) -> (0)>
#map1 = affine_map<(d0, d1) -> (0, 0)>
module attributes {stable_mosaic.version = 14 : i64} {
  func.func @k(%arg0: i32, %arg1: i32, %arg2: memref<10240xi32, #tpu.memory_space<hbm>>, %arg3: memref<30522x768xf32, #tpu.memory_space<hbm>>, %arg4: memref<10240x768xf32, #tpu.memory_space<hbm>>, %arg5: memref<320xi32, #tpu.memory_space<vmem>>, %arg6: memref<80x768xf32, #tpu.memory_space<vmem>>, %arg7: memref<80x768xf32, #tpu.memory_space<vmem>>, %arg8: memref<!tpu.dma_semaphore, #tpu.memory_space<semaphore_mem>>, %arg9: memref<!tpu.dma_semaphore, #tpu.memory_space<semaphore_mem>>) attributes {dimension_semantics = [#tpu.dimension_semantics<core_parallel>, #tpu.dimension_semantics<subcore_parallel>], iteration_bounds = array<i64: 2, 16>, scalar_prefetch = 0 : i64, scratch_operands = 5 : i64, tpu.core_type = #tpu.core_type<sc_vector_subcore>, window_params = [{transform_indices = #map}, {transform_indices = #map1}, {transform_indices = #map1}]} {
    %mul3A = arith.constant 2 : i32
    %mul3A_0 = arith.muli %arg1, %mul3A : i32
    %add3A = arith.addi %mul3A_0, %arg0 : i32
    %mul3A_1 = arith.constant 320 : i32
    %mul3A_2 = arith.muli %add3A, %mul3A_1 : i32
    "tpu.region"() ({
      %run_scoped3A = tpu.sem_alloc : memref<!tpu.dma_semaphore, #tpu.memory_space<semaphore_mem>>
      %dma_start3A_49 = tpu.memref_slice %arg2[%mul3A_2] : memref<10240xi32, #tpu.memory_space<hbm>> -> memref<320xi32, #tpu.memory_space<hbm>>
      %dma_start3A_50 = tpu.memref_slice %arg2[%mul3A_2] : memref<10240xi32, #tpu.memory_space<hbm>> -> memref<320xi32, #tpu.memory_space<hbm>>
      tpu.enqueue_dma source(%dma_start3A_50 : memref<320xi32, #tpu.memory_space<hbm>>) target(%arg5 : memref<320xi32, #tpu.memory_space<vmem>>) target_semaphore(%run_scoped3A : memref<!tpu.dma_semaphore, #tpu.memory_space<semaphore_mem>>)
      %dma_wait3A_51 = tpu.memref_slice %arg2[%mul3A_2] : memref<10240xi32, #tpu.memory_space<hbm>> -> memref<320xi32, #tpu.memory_space<hbm>>
      %dma_wait3A_52 = tpu.memref_slice %arg2[%mul3A_2] : memref<10240xi32, #tpu.memory_space<hbm>> -> memref<320xi32, #tpu.memory_space<hbm>>
      tpu.wait_dma2 semaphore(%run_scoped3A : memref<!tpu.dma_semaphore, #tpu.memory_space<semaphore_mem>>) src(%dma_wait3A_52 : memref<320xi32, #tpu.memory_space<hbm>>) dst(%arg5 : memref<320xi32, #tpu.memory_space<vmem>>)
      tpu.yield
    }) : () -> ()
    %dma_start3A = arith.constant 0 : i32
    %dma_start3A_3 = tpu.memref_slice %arg5[%dma_start3A] : memref<320xi32, #tpu.memory_space<vmem>> -> memref<80xi32, #tpu.memory_space<vmem>>
    %dma_start3A_4 = arith.constant 0 : i32
    %dma_start3A_5 = arith.constant 0 : i32
    %dma_start3A_6 = tpu.memref_slice %arg3[%dma_start3A_4, %dma_start3A_5] : memref<30522x768xf32, #tpu.memory_space<hbm>> -> memref<30522x768xf32, #tpu.memory_space<hbm>>
    tpu.enqueue_indirect_dma source(%dma_start3A_6 : memref<30522x768xf32, #tpu.memory_space<hbm>>) target(%arg6 : memref<80x768xf32, #tpu.memory_space<vmem>>) offsets(%dma_start3A_3 : memref<80xi32, #tpu.memory_space<vmem>>) semaphore(%arg8 : memref<!tpu.dma_semaphore, #tpu.memory_space<semaphore_mem>>)
    %dma_start3A_7 = arith.constant 80 : i32
    %dma_start3A_8 = tpu.memref_slice %arg5[%dma_start3A_7] : memref<320xi32, #tpu.memory_space<vmem>> -> memref<80xi32, #tpu.memory_space<vmem>>
    %dma_start3A_9 = arith.constant 0 : i32
    %dma_start3A_10 = arith.constant 0 : i32
    %dma_start3A_11 = tpu.memref_slice %arg3[%dma_start3A_9, %dma_start3A_10] : memref<30522x768xf32, #tpu.memory_space<hbm>> -> memref<30522x768xf32, #tpu.memory_space<hbm>>
    tpu.enqueue_indirect_dma source(%dma_start3A_11 : memref<30522x768xf32, #tpu.memory_space<hbm>>) target(%arg7 : memref<80x768xf32, #tpu.memory_space<vmem>>) offsets(%dma_start3A_8 : memref<80xi32, #tpu.memory_space<vmem>>) semaphore(%arg9 : memref<!tpu.dma_semaphore, #tpu.memory_space<semaphore_mem>>)
    %dma_wait3A = arith.constant 0 : i32
    %dma_wait3A_12 = tpu.memref_slice %arg5[%dma_wait3A] : memref<320xi32, #tpu.memory_space<vmem>> -> memref<80xi32, #tpu.memory_space<vmem>>
    %dma_wait3A_13 = arith.constant 0 : i32
    %dma_wait3A_14 = arith.constant 0 : i32
    %dma_wait3A_15 = tpu.memref_slice %arg3[%dma_wait3A_13, %dma_wait3A_14] : memref<30522x768xf32, #tpu.memory_space<hbm>> -> memref<30522x768xf32, #tpu.memory_space<hbm>>
    tpu.wait_indirect_dma semaphore(%arg8 : memref<!tpu.dma_semaphore, #tpu.memory_space<semaphore_mem>>) src(%dma_wait3A_15 : memref<30522x768xf32, #tpu.memory_space<hbm>>) dst(%arg6 : memref<80x768xf32, #tpu.memory_space<vmem>>)
    %add3A_16 = arith.constant 0 : i32
    %add3A_17 = arith.addi %mul3A_2, %add3A_16 : i32
    "tpu.region"() ({
      %run_scoped3A = tpu.sem_alloc : memref<!tpu.dma_semaphore, #tpu.memory_space<semaphore_mem>>
      %dma_start3A_49 = arith.constant 0 : i32
      %dma_start3A_50 = tpu.memref_slice %arg4[%add3A_17, %dma_start3A_49] : memref<10240x768xf32, #tpu.memory_space<hbm>> -> memref<80x768xf32, #tpu.memory_space<hbm>>
      %dma_start3A_51 = arith.constant 0 : i32
      %dma_start3A_52 = tpu.memref_slice %arg4[%add3A_17, %dma_start3A_51] : memref<10240x768xf32, #tpu.memory_space<hbm>> -> memref<80x768xf32, #tpu.memory_space<hbm>>
      tpu.enqueue_dma source(%arg6 : memref<80x768xf32, #tpu.memory_space<vmem>>) target(%dma_start3A_52 : memref<80x768xf32, #tpu.memory_space<hbm>>) target_semaphore(%run_scoped3A : memref<!tpu.dma_semaphore, #tpu.memory_space<semaphore_mem>>)
      %dma_wait3A_53 = arith.constant 0 : i32
      %dma_wait3A_54 = tpu.memref_slice %arg4[%add3A_17, %dma_wait3A_53] : memref<10240x768xf32, #tpu.memory_space<hbm>> -> memref<80x768xf32, #tpu.memory_space<hbm>>
      %dma_wait3A_55 = arith.constant 0 : i32
      %dma_wait3A_56 = tpu.memref_slice %arg4[%add3A_17, %dma_wait3A_55] : memref<10240x768xf32, #tpu.memory_space<hbm>> -> memref<80x768xf32, #tpu.memory_space<hbm>>
      tpu.wait_dma2 semaphore(%run_scoped3A : memref<!tpu.dma_semaphore, #tpu.memory_space<semaphore_mem>>) src(%arg6 : memref<80x768xf32, #tpu.memory_space<vmem>>) dst(%dma_wait3A_56 : memref<80x768xf32, #tpu.memory_space<hbm>>)
      tpu.yield
    }) : () -> ()
    %dma_start3A_18 = arith.constant 160 : i32
    %dma_start3A_19 = tpu.memref_slice %arg5[%dma_start3A_18] : memref<320xi32, #tpu.memory_space<vmem>> -> memref<80xi32, #tpu.memory_space<vmem>>
    %dma_start3A_20 = arith.constant 0 : i32
    %dma_start3A_21 = arith.constant 0 : i32
    %dma_start3A_22 = tpu.memref_slice %arg3[%dma_start3A_20, %dma_start3A_21] : memref<30522x768xf32, #tpu.memory_space<hbm>> -> memref<30522x768xf32, #tpu.memory_space<hbm>>
    tpu.enqueue_indirect_dma source(%dma_start3A_22 : memref<30522x768xf32, #tpu.memory_space<hbm>>) target(%arg6 : memref<80x768xf32, #tpu.memory_space<vmem>>) offsets(%dma_start3A_19 : memref<80xi32, #tpu.memory_space<vmem>>) semaphore(%arg8 : memref<!tpu.dma_semaphore, #tpu.memory_space<semaphore_mem>>)
    %dma_wait3A_23 = arith.constant 80 : i32
    %dma_wait3A_24 = tpu.memref_slice %arg5[%dma_wait3A_23] : memref<320xi32, #tpu.memory_space<vmem>> -> memref<80xi32, #tpu.memory_space<vmem>>
    %dma_wait3A_25 = arith.constant 0 : i32
    %dma_wait3A_26 = arith.constant 0 : i32
    %dma_wait3A_27 = tpu.memref_slice %arg3[%dma_wait3A_25, %dma_wait3A_26] : memref<30522x768xf32, #tpu.memory_space<hbm>> -> memref<30522x768xf32, #tpu.memory_space<hbm>>
    tpu.wait_indirect_dma semaphore(%arg9 : memref<!tpu.dma_semaphore, #tpu.memory_space<semaphore_mem>>) src(%dma_wait3A_27 : memref<30522x768xf32, #tpu.memory_space<hbm>>) dst(%arg7 : memref<80x768xf32, #tpu.memory_space<vmem>>)
    %add3A_28 = arith.constant 80 : i32
    %add3A_29 = arith.addi %mul3A_2, %add3A_28 : i32
    "tpu.region"() ({
      %run_scoped3A = tpu.sem_alloc : memref<!tpu.dma_semaphore, #tpu.memory_space<semaphore_mem>>
      %dma_start3A_49 = arith.constant 0 : i32
      %dma_start3A_50 = tpu.memref_slice %arg4[%add3A_29, %dma_start3A_49] : memref<10240x768xf32, #tpu.memory_space<hbm>> -> memref<80x768xf32, #tpu.memory_space<hbm>>
      %dma_start3A_51 = arith.constant 0 : i32
      %dma_start3A_52 = tpu.memref_slice %arg4[%add3A_29, %dma_start3A_51] : memref<10240x768xf32, #tpu.memory_space<hbm>> -> memref<80x768xf32, #tpu.memory_space<hbm>>
      tpu.enqueue_dma source(%arg7 : memref<80x768xf32, #tpu.memory_space<vmem>>) target(%dma_start3A_52 : memref<80x768xf32, #tpu.memory_space<hbm>>) target_semaphore(%run_scoped3A : memref<!tpu.dma_semaphore, #tpu.memory_space<semaphore_mem>>)
      %dma_wait3A_53 = arith.constant 0 : i32
      %dma_wait3A_54 = tpu.memref_slice %arg4[%add3A_29, %dma_wait3A_53] : memref<10240x768xf32, #tpu.memory_space<hbm>> -> memref<80x768xf32, #tpu.memory_space<hbm>>
      %dma_wait3A_55 = arith.constant 0 : i32
      %dma_wait3A_56 = tpu.memref_slice %arg4[%add3A_29, %dma_wait3A_55] : memref<10240x768xf32, #tpu.memory_space<hbm>> -> memref<80x768xf32, #tpu.memory_space<hbm>>
      tpu.wait_dma2 semaphore(%run_scoped3A : memref<!tpu.dma_semaphore, #tpu.memory_space<semaphore_mem>>) src(%arg7 : memref<80x768xf32, #tpu.memory_space<vmem>>) dst(%dma_wait3A_56 : memref<80x768xf32, #tpu.memory_space<hbm>>)
      tpu.yield
    }) : () -> ()
    %dma_start3A_30 = arith.constant 240 : i32
    %dma_start3A_31 = tpu.memref_slice %arg5[%dma_start3A_30] : memref<320xi32, #tpu.memory_space<vmem>> -> memref<80xi32, #tpu.memory_space<vmem>>
    %dma_start3A_32 = arith.constant 0 : i32
    %dma_start3A_33 = arith.constant 0 : i32
    %dma_start3A_34 = tpu.memref_slice %arg3[%dma_start3A_32, %dma_start3A_33] : memref<30522x768xf32, #tpu.memory_space<hbm>> -> memref<30522x768xf32, #tpu.memory_space<hbm>>
    tpu.enqueue_indirect_dma source(%dma_start3A_34 : memref<30522x768xf32, #tpu.memory_space<hbm>>) target(%arg7 : memref<80x768xf32, #tpu.memory_space<vmem>>) offsets(%dma_start3A_31 : memref<80xi32, #tpu.memory_space<vmem>>) semaphore(%arg9 : memref<!tpu.dma_semaphore, #tpu.memory_space<semaphore_mem>>)
    %dma_wait3A_35 = arith.constant 160 : i32
    %dma_wait3A_36 = tpu.memref_slice %arg5[%dma_wait3A_35] : memref<320xi32, #tpu.memory_space<vmem>> -> memref<80xi32, #tpu.memory_space<vmem>>
    %dma_wait3A_37 = arith.constant 0 : i32
    %dma_wait3A_38 = arith.constant 0 : i32
    %dma_wait3A_39 = tpu.memref_slice %arg3[%dma_wait3A_37, %dma_wait3A_38] : memref<30522x768xf32, #tpu.memory_space<hbm>> -> memref<30522x768xf32, #tpu.memory_space<hbm>>
    tpu.wait_indirect_dma semaphore(%arg8 : memref<!tpu.dma_semaphore, #tpu.memory_space<semaphore_mem>>) src(%dma_wait3A_39 : memref<30522x768xf32, #tpu.memory_space<hbm>>) dst(%arg6 : memref<80x768xf32, #tpu.memory_space<vmem>>)
    %add3A_40 = arith.constant 160 : i32
    %add3A_41 = arith.addi %mul3A_2, %add3A_40 : i32
    "tpu.region"() ({
      %run_scoped3A = tpu.sem_alloc : memref<!tpu.dma_semaphore, #tpu.memory_space<semaphore_mem>>
      %dma_start3A_49 = arith.constant 0 : i32
      %dma_start3A_50 = tpu.memref_slice %arg4[%add3A_41, %dma_start3A_49] : memref<10240x768xf32, #tpu.memory_space<hbm>> -> memref<80x768xf32, #tpu.memory_space<hbm>>
      %dma_start3A_51 = arith.constant 0 : i32
      %dma_start3A_52 = tpu.memref_slice %arg4[%add3A_41, %dma_start3A_51] : memref<10240x768xf32, #tpu.memory_space<hbm>> -> memref<80x768xf32, #tpu.memory_space<hbm>>
      tpu.enqueue_dma source(%arg6 : memref<80x768xf32, #tpu.memory_space<vmem>>) target(%dma_start3A_52 : memref<80x768xf32, #tpu.memory_space<hbm>>) target_semaphore(%run_scoped3A : memref<!tpu.dma_semaphore, #tpu.memory_space<semaphore_mem>>)
      %dma_wait3A_53 = arith.constant 0 : i32
      %dma_wait3A_54 = tpu.memref_slice %arg4[%add3A_41, %dma_wait3A_53] : memref<10240x768xf32, #tpu.memory_space<hbm>> -> memref<80x768xf32, #tpu.memory_space<hbm>>
      %dma_wait3A_55 = arith.constant 0 : i32
      %dma_wait3A_56 = tpu.memref_slice %arg4[%add3A_41, %dma_wait3A_55] : memref<10240x768xf32, #tpu.memory_space<hbm>> -> memref<80x768xf32, #tpu.memory_space<hbm>>
      tpu.wait_dma2 semaphore(%run_scoped3A : memref<!tpu.dma_semaphore, #tpu.memory_space<semaphore_mem>>) src(%arg6 : memref<80x768xf32, #tpu.memory_space<vmem>>) dst(%dma_wait3A_56 : memref<80x768xf32, #tpu.memory_space<hbm>>)
      tpu.yield
    }) : () -> ()
    %dma_wait3A_42 = arith.constant 240 : i32
    %dma_wait3A_43 = tpu.memref_slice %arg5[%dma_wait3A_42] : memref<320xi32, #tpu.memory_space<vmem>> -> memref<80xi32, #tpu.memory_space<vmem>>
    %dma_wait3A_44 = arith.constant 0 : i32
    %dma_wait3A_45 = arith.constant 0 : i32
    %dma_wait3A_46 = tpu.memref_slice %arg3[%dma_wait3A_44, %dma_wait3A_45] : memref<30522x768xf32, #tpu.memory_space<hbm>> -> memref<30522x768xf32, #tpu.memory_space<hbm>>
    tpu.wait_indirect_dma semaphore(%arg9 : memref<!tpu.dma_semaphore, #tpu.memory_space<semaphore_mem>>) src(%dma_wait3A_46 : memref<30522x768xf32, #tpu.memory_space<hbm>>) dst(%arg7 : memref<80x768xf32, #tpu.memory_space<vmem>>)
    %add3A_47 = arith.constant 240 : i32
    %add3A_48 = arith.addi %mul3A_2, %add3A_47 : i32
    "tpu.region"() ({
      %run_scoped3A = tpu.sem_alloc : memref<!tpu.dma_semaphore, #tpu.memory_space<semaphore_mem>>
      %dma_start3A_49 = arith.constant 0 : i32
      %dma_start3A_50 = tpu.memref_slice %arg4[%add3A_48, %dma_start3A_49] : memref<10240x768xf32, #tpu.memory_space<hbm>> -> memref<80x768xf32, #tpu.memory_space<hbm>>
      %dma_start3A_51 = arith.constant 0 : i32
      %dma_start3A_52 = tpu.memref_slice %arg4[%add3A_48, %dma_start3A_51] : memref<10240x768xf32, #tpu.memory_space<hbm>> -> memref<80x768xf32, #tpu.memory_space<hbm>>
      tpu.enqueue_dma source(%arg7 : memref<80x768xf32, #tpu.memory_space<vmem>>) target(%dma_start3A_52 : memref<80x768xf32, #tpu.memory_space<hbm>>) target_semaphore(%run_scoped3A : memref<!tpu.dma_semaphore, #tpu.memory_space<semaphore_mem>>)
      %dma_wait3A_53 = arith.constant 0 : i32
      %dma_wait3A_54 = tpu.memref_slice %arg4[%add3A_48, %dma_wait3A_53] : memref<10240x768xf32, #tpu.memory_space<hbm>> -> memref<80x768xf32, #tpu.memory_space<hbm>>
      %dma_wait3A_55 = arith.constant 0 : i32
      %dma_wait3A_56 = tpu.memref_slice %arg4[%add3A_48, %dma_wait3A_55] : memref<10240x768xf32, #tpu.memory_space<hbm>> -> memref<80x768xf32, #tpu.memory_space<hbm>>
      tpu.wait_dma2 semaphore(%run_scoped3A : memref<!tpu.dma_semaphore, #tpu.memory_space<semaphore_mem>>) src(%arg7 : memref<80x768xf32, #tpu.memory_space<vmem>>) dst(%dma_wait3A_56 : memref<80x768xf32, #tpu.memory_space<hbm>>)
      tpu.yield
    }) : () -> ()
    return
  }
}

#map = affine_map<(d0, d1) -> (0)>
#map1 = affine_map<(d0, d1) -> (0, 0)>
module attributes {stable_mosaic.version = 14 : i64} {
  func.func @k(%arg0: i32, %arg1: i32, %arg2: memref<8192xi32, #tpu.memory_space<hbm>>, %arg3: memref<30522x768xf32, #tpu.memory_space<hbm>>, %arg4: memref<8192x768xf32, #tpu.memory_space<hbm>>, %arg5: memref<256xi32, #tpu.memory_space<vmem>>, %arg6: memref<64x768xf32, #tpu.memory_space<vmem>>, %arg7: memref<64x768xf32, #tpu.memory_space<vmem>>, %arg8: memref<!tpu.dma_semaphore, #tpu.memory_space<semaphore_mem>>, %arg9: memref<!tpu.dma_semaphore, #tpu.memory_space<semaphore_mem>>) attributes {dimension_semantics = [#tpu.dimension_semantics<core_parallel>, #tpu.dimension_semantics<subcore_parallel>], iteration_bounds = array<i64: 2, 16>, scalar_prefetch = 0 : i64, scratch_operands = 5 : i64, tpu.core_type = #tpu.core_type<sc_vector_subcore>, window_params = [{transform_indices = #map}, {transform_indices = #map1}, {transform_indices = #map1}]} {
    %mul3A = arith.constant 2 : i32
    %mul3A_0 = arith.muli %arg1, %mul3A : i32
    %add3A = arith.addi %mul3A_0, %arg0 : i32
    %mul3A_1 = arith.constant 256 : i32
    %mul3A_2 = arith.muli %add3A, %mul3A_1 : i32
    "tpu.region"() ({
      %run_scoped3A = tpu.sem_alloc : memref<!tpu.dma_semaphore, #tpu.memory_space<semaphore_mem>>
      %dma_start3A_49 = tpu.memref_slice %arg2[%mul3A_2] : memref<8192xi32, #tpu.memory_space<hbm>> -> memref<256xi32, #tpu.memory_space<hbm>>
      %dma_start3A_50 = tpu.memref_slice %arg2[%mul3A_2] : memref<8192xi32, #tpu.memory_space<hbm>> -> memref<256xi32, #tpu.memory_space<hbm>>
      tpu.enqueue_dma source(%dma_start3A_50 : memref<256xi32, #tpu.memory_space<hbm>>) target(%arg5 : memref<256xi32, #tpu.memory_space<vmem>>) target_semaphore(%run_scoped3A : memref<!tpu.dma_semaphore, #tpu.memory_space<semaphore_mem>>)
      %dma_wait3A_51 = tpu.memref_slice %arg2[%mul3A_2] : memref<8192xi32, #tpu.memory_space<hbm>> -> memref<256xi32, #tpu.memory_space<hbm>>
      %dma_wait3A_52 = tpu.memref_slice %arg2[%mul3A_2] : memref<8192xi32, #tpu.memory_space<hbm>> -> memref<256xi32, #tpu.memory_space<hbm>>
      tpu.wait_dma2 semaphore(%run_scoped3A : memref<!tpu.dma_semaphore, #tpu.memory_space<semaphore_mem>>) src(%dma_wait3A_52 : memref<256xi32, #tpu.memory_space<hbm>>) dst(%arg5 : memref<256xi32, #tpu.memory_space<vmem>>)
      tpu.yield
    }) : () -> ()
    %dma_start3A = arith.constant 0 : i32
    %dma_start3A_3 = tpu.memref_slice %arg5[%dma_start3A] : memref<256xi32, #tpu.memory_space<vmem>> -> memref<64xi32, #tpu.memory_space<vmem>>
    %dma_start3A_4 = arith.constant 0 : i32
    %dma_start3A_5 = arith.constant 0 : i32
    %dma_start3A_6 = tpu.memref_slice %arg3[%dma_start3A_4, %dma_start3A_5] : memref<30522x768xf32, #tpu.memory_space<hbm>> -> memref<30522x768xf32, #tpu.memory_space<hbm>>
    tpu.enqueue_indirect_dma source(%dma_start3A_6 : memref<30522x768xf32, #tpu.memory_space<hbm>>) target(%arg6 : memref<64x768xf32, #tpu.memory_space<vmem>>) offsets(%dma_start3A_3 : memref<64xi32, #tpu.memory_space<vmem>>) semaphore(%arg8 : memref<!tpu.dma_semaphore, #tpu.memory_space<semaphore_mem>>)
    %dma_start3A_7 = arith.constant 64 : i32
    %dma_start3A_8 = tpu.memref_slice %arg5[%dma_start3A_7] : memref<256xi32, #tpu.memory_space<vmem>> -> memref<64xi32, #tpu.memory_space<vmem>>
    %dma_start3A_9 = arith.constant 0 : i32
    %dma_start3A_10 = arith.constant 0 : i32
    %dma_start3A_11 = tpu.memref_slice %arg3[%dma_start3A_9, %dma_start3A_10] : memref<30522x768xf32, #tpu.memory_space<hbm>> -> memref<30522x768xf32, #tpu.memory_space<hbm>>
    tpu.enqueue_indirect_dma source(%dma_start3A_11 : memref<30522x768xf32, #tpu.memory_space<hbm>>) target(%arg7 : memref<64x768xf32, #tpu.memory_space<vmem>>) offsets(%dma_start3A_8 : memref<64xi32, #tpu.memory_space<vmem>>) semaphore(%arg9 : memref<!tpu.dma_semaphore, #tpu.memory_space<semaphore_mem>>)
    %dma_wait3A = arith.constant 0 : i32
    %dma_wait3A_12 = tpu.memref_slice %arg5[%dma_wait3A] : memref<256xi32, #tpu.memory_space<vmem>> -> memref<64xi32, #tpu.memory_space<vmem>>
    %dma_wait3A_13 = arith.constant 0 : i32
    %dma_wait3A_14 = arith.constant 0 : i32
    %dma_wait3A_15 = tpu.memref_slice %arg3[%dma_wait3A_13, %dma_wait3A_14] : memref<30522x768xf32, #tpu.memory_space<hbm>> -> memref<30522x768xf32, #tpu.memory_space<hbm>>
    tpu.wait_indirect_dma semaphore(%arg8 : memref<!tpu.dma_semaphore, #tpu.memory_space<semaphore_mem>>) src(%dma_wait3A_15 : memref<30522x768xf32, #tpu.memory_space<hbm>>) dst(%arg6 : memref<64x768xf32, #tpu.memory_space<vmem>>)
    %add3A_16 = arith.constant 0 : i32
    %add3A_17 = arith.addi %mul3A_2, %add3A_16 : i32
    "tpu.region"() ({
      %run_scoped3A = tpu.sem_alloc : memref<!tpu.dma_semaphore, #tpu.memory_space<semaphore_mem>>
      %dma_start3A_49 = arith.constant 0 : i32
      %dma_start3A_50 = tpu.memref_slice %arg4[%add3A_17, %dma_start3A_49] : memref<8192x768xf32, #tpu.memory_space<hbm>> -> memref<64x768xf32, #tpu.memory_space<hbm>>
      %dma_start3A_51 = arith.constant 0 : i32
      %dma_start3A_52 = tpu.memref_slice %arg4[%add3A_17, %dma_start3A_51] : memref<8192x768xf32, #tpu.memory_space<hbm>> -> memref<64x768xf32, #tpu.memory_space<hbm>>
      tpu.enqueue_dma source(%arg6 : memref<64x768xf32, #tpu.memory_space<vmem>>) target(%dma_start3A_52 : memref<64x768xf32, #tpu.memory_space<hbm>>) target_semaphore(%run_scoped3A : memref<!tpu.dma_semaphore, #tpu.memory_space<semaphore_mem>>)
      %dma_wait3A_53 = arith.constant 0 : i32
      %dma_wait3A_54 = tpu.memref_slice %arg4[%add3A_17, %dma_wait3A_53] : memref<8192x768xf32, #tpu.memory_space<hbm>> -> memref<64x768xf32, #tpu.memory_space<hbm>>
      %dma_wait3A_55 = arith.constant 0 : i32
      %dma_wait3A_56 = tpu.memref_slice %arg4[%add3A_17, %dma_wait3A_55] : memref<8192x768xf32, #tpu.memory_space<hbm>> -> memref<64x768xf32, #tpu.memory_space<hbm>>
      tpu.wait_dma2 semaphore(%run_scoped3A : memref<!tpu.dma_semaphore, #tpu.memory_space<semaphore_mem>>) src(%arg6 : memref<64x768xf32, #tpu.memory_space<vmem>>) dst(%dma_wait3A_56 : memref<64x768xf32, #tpu.memory_space<hbm>>)
      tpu.yield
    }) : () -> ()
    %dma_start3A_18 = arith.constant 128 : i32
    %dma_start3A_19 = tpu.memref_slice %arg5[%dma_start3A_18] : memref<256xi32, #tpu.memory_space<vmem>> -> memref<64xi32, #tpu.memory_space<vmem>>
    %dma_start3A_20 = arith.constant 0 : i32
    %dma_start3A_21 = arith.constant 0 : i32
    %dma_start3A_22 = tpu.memref_slice %arg3[%dma_start3A_20, %dma_start3A_21] : memref<30522x768xf32, #tpu.memory_space<hbm>> -> memref<30522x768xf32, #tpu.memory_space<hbm>>
    tpu.enqueue_indirect_dma source(%dma_start3A_22 : memref<30522x768xf32, #tpu.memory_space<hbm>>) target(%arg6 : memref<64x768xf32, #tpu.memory_space<vmem>>) offsets(%dma_start3A_19 : memref<64xi32, #tpu.memory_space<vmem>>) semaphore(%arg8 : memref<!tpu.dma_semaphore, #tpu.memory_space<semaphore_mem>>)
    %dma_wait3A_23 = arith.constant 64 : i32
    %dma_wait3A_24 = tpu.memref_slice %arg5[%dma_wait3A_23] : memref<256xi32, #tpu.memory_space<vmem>> -> memref<64xi32, #tpu.memory_space<vmem>>
    %dma_wait3A_25 = arith.constant 0 : i32
    %dma_wait3A_26 = arith.constant 0 : i32
    %dma_wait3A_27 = tpu.memref_slice %arg3[%dma_wait3A_25, %dma_wait3A_26] : memref<30522x768xf32, #tpu.memory_space<hbm>> -> memref<30522x768xf32, #tpu.memory_space<hbm>>
    tpu.wait_indirect_dma semaphore(%arg9 : memref<!tpu.dma_semaphore, #tpu.memory_space<semaphore_mem>>) src(%dma_wait3A_27 : memref<30522x768xf32, #tpu.memory_space<hbm>>) dst(%arg7 : memref<64x768xf32, #tpu.memory_space<vmem>>)
    %add3A_28 = arith.constant 64 : i32
    %add3A_29 = arith.addi %mul3A_2, %add3A_28 : i32
    "tpu.region"() ({
      %run_scoped3A = tpu.sem_alloc : memref<!tpu.dma_semaphore, #tpu.memory_space<semaphore_mem>>
      %dma_start3A_49 = arith.constant 0 : i32
      %dma_start3A_50 = tpu.memref_slice %arg4[%add3A_29, %dma_start3A_49] : memref<8192x768xf32, #tpu.memory_space<hbm>> -> memref<64x768xf32, #tpu.memory_space<hbm>>
      %dma_start3A_51 = arith.constant 0 : i32
      %dma_start3A_52 = tpu.memref_slice %arg4[%add3A_29, %dma_start3A_51] : memref<8192x768xf32, #tpu.memory_space<hbm>> -> memref<64x768xf32, #tpu.memory_space<hbm>>
      tpu.enqueue_dma source(%arg7 : memref<64x768xf32, #tpu.memory_space<vmem>>) target(%dma_start3A_52 : memref<64x768xf32, #tpu.memory_space<hbm>>) target_semaphore(%run_scoped3A : memref<!tpu.dma_semaphore, #tpu.memory_space<semaphore_mem>>)
      %dma_wait3A_53 = arith.constant 0 : i32
      %dma_wait3A_54 = tpu.memref_slice %arg4[%add3A_29, %dma_wait3A_53] : memref<8192x768xf32, #tpu.memory_space<hbm>> -> memref<64x768xf32, #tpu.memory_space<hbm>>
      %dma_wait3A_55 = arith.constant 0 : i32
      %dma_wait3A_56 = tpu.memref_slice %arg4[%add3A_29, %dma_wait3A_55] : memref<8192x768xf32, #tpu.memory_space<hbm>> -> memref<64x768xf32, #tpu.memory_space<hbm>>
      tpu.wait_dma2 semaphore(%run_scoped3A : memref<!tpu.dma_semaphore, #tpu.memory_space<semaphore_mem>>) src(%arg7 : memref<64x768xf32, #tpu.memory_space<vmem>>) dst(%dma_wait3A_56 : memref<64x768xf32, #tpu.memory_space<hbm>>)
      tpu.yield
    }) : () -> ()
    %dma_start3A_30 = arith.constant 192 : i32
    %dma_start3A_31 = tpu.memref_slice %arg5[%dma_start3A_30] : memref<256xi32, #tpu.memory_space<vmem>> -> memref<64xi32, #tpu.memory_space<vmem>>
    %dma_start3A_32 = arith.constant 0 : i32
    %dma_start3A_33 = arith.constant 0 : i32
    %dma_start3A_34 = tpu.memref_slice %arg3[%dma_start3A_32, %dma_start3A_33] : memref<30522x768xf32, #tpu.memory_space<hbm>> -> memref<30522x768xf32, #tpu.memory_space<hbm>>
    tpu.enqueue_indirect_dma source(%dma_start3A_34 : memref<30522x768xf32, #tpu.memory_space<hbm>>) target(%arg7 : memref<64x768xf32, #tpu.memory_space<vmem>>) offsets(%dma_start3A_31 : memref<64xi32, #tpu.memory_space<vmem>>) semaphore(%arg9 : memref<!tpu.dma_semaphore, #tpu.memory_space<semaphore_mem>>)
    %dma_wait3A_35 = arith.constant 128 : i32
    %dma_wait3A_36 = tpu.memref_slice %arg5[%dma_wait3A_35] : memref<256xi32, #tpu.memory_space<vmem>> -> memref<64xi32, #tpu.memory_space<vmem>>
    %dma_wait3A_37 = arith.constant 0 : i32
    %dma_wait3A_38 = arith.constant 0 : i32
    %dma_wait3A_39 = tpu.memref_slice %arg3[%dma_wait3A_37, %dma_wait3A_38] : memref<30522x768xf32, #tpu.memory_space<hbm>> -> memref<30522x768xf32, #tpu.memory_space<hbm>>
    tpu.wait_indirect_dma semaphore(%arg8 : memref<!tpu.dma_semaphore, #tpu.memory_space<semaphore_mem>>) src(%dma_wait3A_39 : memref<30522x768xf32, #tpu.memory_space<hbm>>) dst(%arg6 : memref<64x768xf32, #tpu.memory_space<vmem>>)
    %add3A_40 = arith.constant 128 : i32
    %add3A_41 = arith.addi %mul3A_2, %add3A_40 : i32
    "tpu.region"() ({
      %run_scoped3A = tpu.sem_alloc : memref<!tpu.dma_semaphore, #tpu.memory_space<semaphore_mem>>
      %dma_start3A_49 = arith.constant 0 : i32
      %dma_start3A_50 = tpu.memref_slice %arg4[%add3A_41, %dma_start3A_49] : memref<8192x768xf32, #tpu.memory_space<hbm>> -> memref<64x768xf32, #tpu.memory_space<hbm>>
      %dma_start3A_51 = arith.constant 0 : i32
      %dma_start3A_52 = tpu.memref_slice %arg4[%add3A_41, %dma_start3A_51] : memref<8192x768xf32, #tpu.memory_space<hbm>> -> memref<64x768xf32, #tpu.memory_space<hbm>>
      tpu.enqueue_dma source(%arg6 : memref<64x768xf32, #tpu.memory_space<vmem>>) target(%dma_start3A_52 : memref<64x768xf32, #tpu.memory_space<hbm>>) target_semaphore(%run_scoped3A : memref<!tpu.dma_semaphore, #tpu.memory_space<semaphore_mem>>)
      %dma_wait3A_53 = arith.constant 0 : i32
      %dma_wait3A_54 = tpu.memref_slice %arg4[%add3A_41, %dma_wait3A_53] : memref<8192x768xf32, #tpu.memory_space<hbm>> -> memref<64x768xf32, #tpu.memory_space<hbm>>
      %dma_wait3A_55 = arith.constant 0 : i32
      %dma_wait3A_56 = tpu.memref_slice %arg4[%add3A_41, %dma_wait3A_55] : memref<8192x768xf32, #tpu.memory_space<hbm>> -> memref<64x768xf32, #tpu.memory_space<hbm>>
      tpu.wait_dma2 semaphore(%run_scoped3A : memref<!tpu.dma_semaphore, #tpu.memory_space<semaphore_mem>>) src(%arg6 : memref<64x768xf32, #tpu.memory_space<vmem>>) dst(%dma_wait3A_56 : memref<64x768xf32, #tpu.memory_space<hbm>>)
      tpu.yield
    }) : () -> ()
    %dma_wait3A_42 = arith.constant 192 : i32
    %dma_wait3A_43 = tpu.memref_slice %arg5[%dma_wait3A_42] : memref<256xi32, #tpu.memory_space<vmem>> -> memref<64xi32, #tpu.memory_space<vmem>>
    %dma_wait3A_44 = arith.constant 0 : i32
    %dma_wait3A_45 = arith.constant 0 : i32
    %dma_wait3A_46 = tpu.memref_slice %arg3[%dma_wait3A_44, %dma_wait3A_45] : memref<30522x768xf32, #tpu.memory_space<hbm>> -> memref<30522x768xf32, #tpu.memory_space<hbm>>
    tpu.wait_indirect_dma semaphore(%arg9 : memref<!tpu.dma_semaphore, #tpu.memory_space<semaphore_mem>>) src(%dma_wait3A_46 : memref<30522x768xf32, #tpu.memory_space<hbm>>) dst(%arg7 : memref<64x768xf32, #tpu.memory_space<vmem>>)
    %add3A_47 = arith.constant 192 : i32
    %add3A_48 = arith.addi %mul3A_2, %add3A_47 : i32
    "tpu.region"() ({
      %run_scoped3A = tpu.sem_alloc : memref<!tpu.dma_semaphore, #tpu.memory_space<semaphore_mem>>
      %dma_start3A_49 = arith.constant 0 : i32
      %dma_start3A_50 = tpu.memref_slice %arg4[%add3A_48, %dma_start3A_49] : memref<8192x768xf32, #tpu.memory_space<hbm>> -> memref<64x768xf32, #tpu.memory_space<hbm>>
      %dma_start3A_51 = arith.constant 0 : i32
      %dma_start3A_52 = tpu.memref_slice %arg4[%add3A_48, %dma_start3A_51] : memref<8192x768xf32, #tpu.memory_space<hbm>> -> memref<64x768xf32, #tpu.memory_space<hbm>>
      tpu.enqueue_dma source(%arg7 : memref<64x768xf32, #tpu.memory_space<vmem>>) target(%dma_start3A_52 : memref<64x768xf32, #tpu.memory_space<hbm>>) target_semaphore(%run_scoped3A : memref<!tpu.dma_semaphore, #tpu.memory_space<semaphore_mem>>)
      %dma_wait3A_53 = arith.constant 0 : i32
      %dma_wait3A_54 = tpu.memref_slice %arg4[%add3A_48, %dma_wait3A_53] : memref<8192x768xf32, #tpu.memory_space<hbm>> -> memref<64x768xf32, #tpu.memory_space<hbm>>
      %dma_wait3A_55 = arith.constant 0 : i32
      %dma_wait3A_56 = tpu.memref_slice %arg4[%add3A_48, %dma_wait3A_55] : memref<8192x768xf32, #tpu.memory_space<hbm>> -> memref<64x768xf32, #tpu.memory_space<hbm>>
      tpu.wait_dma2 semaphore(%run_scoped3A : memref<!tpu.dma_semaphore, #tpu.memory_space<semaphore_mem>>) src(%arg7 : memref<64x768xf32, #tpu.memory_space<vmem>>) dst(%dma_wait3A_56 : memref<64x768xf32, #tpu.memory_space<hbm>>)
      tpu.yield
    }) : () -> ()
    return
  }
}

#map = affine_map<(d0, d1) -> (0)>
#map1 = affine_map<(d0, d1) -> (0, 0)>
module attributes {stable_mosaic.version = 14 : i64} {
  func.func @k(%arg0: i32, %arg1: i32, %arg2: memref<10240xi32, #tpu.memory_space<hbm>>, %arg3: memref<30522x768xf32, #tpu.memory_space<hbm>>, %arg4: memref<10240x768xf32, #tpu.memory_space<hbm>>, %arg5: memref<320xi32, #tpu.memory_space<vmem>>, %arg6: memref<80x768xf32, #tpu.memory_space<vmem>>, %arg7: memref<80x768xf32, #tpu.memory_space<vmem>>, %arg8: memref<!tpu.dma_semaphore, #tpu.memory_space<semaphore_mem>>, %arg9: memref<!tpu.dma_semaphore, #tpu.memory_space<semaphore_mem>>) attributes {dimension_semantics = [#tpu.dimension_semantics<core_parallel>, #tpu.dimension_semantics<subcore_parallel>], iteration_bounds = array<i64: 2, 16>, scalar_prefetch = 0 : i64, scratch_operands = 5 : i64, tpu.core_type = #tpu.core_type<sc_vector_subcore>, window_params = [{transform_indices = #map}, {transform_indices = #map1}, {transform_indices = #map1}]} {
    %mul3A = arith.constant 2 : i32
    %mul3A_0 = arith.muli %arg1, %mul3A : i32
    %add3A = arith.addi %mul3A_0, %arg0 : i32
    %mul3A_1 = arith.constant 320 : i32
    %mul3A_2 = arith.muli %add3A, %mul3A_1 : i32
    "tpu.region"() ({
      %run_scoped3A = tpu.sem_alloc : memref<!tpu.dma_semaphore, #tpu.memory_space<semaphore_mem>>
      %dma_start3A_49 = tpu.memref_slice %arg2[%mul3A_2] : memref<10240xi32, #tpu.memory_space<hbm>> -> memref<320xi32, #tpu.memory_space<hbm>>
      %dma_start3A_50 = tpu.memref_slice %arg2[%mul3A_2] : memref<10240xi32, #tpu.memory_space<hbm>> -> memref<320xi32, #tpu.memory_space<hbm>>
      tpu.enqueue_dma source(%dma_start3A_50 : memref<320xi32, #tpu.memory_space<hbm>>) target(%arg5 : memref<320xi32, #tpu.memory_space<vmem>>) target_semaphore(%run_scoped3A : memref<!tpu.dma_semaphore, #tpu.memory_space<semaphore_mem>>)
      %dma_wait3A_51 = tpu.memref_slice %arg2[%mul3A_2] : memref<10240xi32, #tpu.memory_space<hbm>> -> memref<320xi32, #tpu.memory_space<hbm>>
      %dma_wait3A_52 = tpu.memref_slice %arg2[%mul3A_2] : memref<10240xi32, #tpu.memory_space<hbm>> -> memref<320xi32, #tpu.memory_space<hbm>>
      tpu.wait_dma2 semaphore(%run_scoped3A : memref<!tpu.dma_semaphore, #tpu.memory_space<semaphore_mem>>) src(%dma_wait3A_52 : memref<320xi32, #tpu.memory_space<hbm>>) dst(%arg5 : memref<320xi32, #tpu.memory_space<vmem>>)
      tpu.yield
    }) : () -> ()
    %dma_start3A = arith.constant 0 : i32
    %dma_start3A_3 = tpu.memref_slice %arg5[%dma_start3A] : memref<320xi32, #tpu.memory_space<vmem>> -> memref<80xi32, #tpu.memory_space<vmem>>
    %dma_start3A_4 = arith.constant 0 : i32
    %dma_start3A_5 = arith.constant 0 : i32
    %dma_start3A_6 = tpu.memref_slice %arg3[%dma_start3A_4, %dma_start3A_5] : memref<30522x768xf32, #tpu.memory_space<hbm>> -> memref<30522x768xf32, #tpu.memory_space<hbm>>
    tpu.enqueue_indirect_dma source(%dma_start3A_6 : memref<30522x768xf32, #tpu.memory_space<hbm>>) target(%arg6 : memref<80x768xf32, #tpu.memory_space<vmem>>) offsets(%dma_start3A_3 : memref<80xi32, #tpu.memory_space<vmem>>) semaphore(%arg8 : memref<!tpu.dma_semaphore, #tpu.memory_space<semaphore_mem>>)
    %dma_start3A_7 = arith.constant 80 : i32
    %dma_start3A_8 = tpu.memref_slice %arg5[%dma_start3A_7] : memref<320xi32, #tpu.memory_space<vmem>> -> memref<80xi32, #tpu.memory_space<vmem>>
    %dma_start3A_9 = arith.constant 0 : i32
    %dma_start3A_10 = arith.constant 0 : i32
    %dma_start3A_11 = tpu.memref_slice %arg3[%dma_start3A_9, %dma_start3A_10] : memref<30522x768xf32, #tpu.memory_space<hbm>> -> memref<30522x768xf32, #tpu.memory_space<hbm>>
    tpu.enqueue_indirect_dma source(%dma_start3A_11 : memref<30522x768xf32, #tpu.memory_space<hbm>>) target(%arg7 : memref<80x768xf32, #tpu.memory_space<vmem>>) offsets(%dma_start3A_8 : memref<80xi32, #tpu.memory_space<vmem>>) semaphore(%arg9 : memref<!tpu.dma_semaphore, #tpu.memory_space<semaphore_mem>>)
    %dma_wait3A = arith.constant 0 : i32
    %dma_wait3A_12 = tpu.memref_slice %arg5[%dma_wait3A] : memref<320xi32, #tpu.memory_space<vmem>> -> memref<80xi32, #tpu.memory_space<vmem>>
    %dma_wait3A_13 = arith.constant 0 : i32
    %dma_wait3A_14 = arith.constant 0 : i32
    %dma_wait3A_15 = tpu.memref_slice %arg3[%dma_wait3A_13, %dma_wait3A_14] : memref<30522x768xf32, #tpu.memory_space<hbm>> -> memref<30522x768xf32, #tpu.memory_space<hbm>>
    tpu.wait_indirect_dma semaphore(%arg8 : memref<!tpu.dma_semaphore, #tpu.memory_space<semaphore_mem>>) src(%dma_wait3A_15 : memref<30522x768xf32, #tpu.memory_space<hbm>>) dst(%arg6 : memref<80x768xf32, #tpu.memory_space<vmem>>)
    %add3A_16 = arith.constant 0 : i32
    %add3A_17 = arith.addi %mul3A_2, %add3A_16 : i32
    "tpu.region"() ({
      %run_scoped3A = tpu.sem_alloc : memref<!tpu.dma_semaphore, #tpu.memory_space<semaphore_mem>>
      %dma_start3A_49 = arith.constant 0 : i32
      %dma_start3A_50 = tpu.memref_slice %arg4[%add3A_17, %dma_start3A_49] : memref<10240x768xf32, #tpu.memory_space<hbm>> -> memref<80x768xf32, #tpu.memory_space<hbm>>
      %dma_start3A_51 = arith.constant 0 : i32
      %dma_start3A_52 = tpu.memref_slice %arg4[%add3A_17, %dma_start3A_51] : memref<10240x768xf32, #tpu.memory_space<hbm>> -> memref<80x768xf32, #tpu.memory_space<hbm>>
      tpu.enqueue_dma source(%arg6 : memref<80x768xf32, #tpu.memory_space<vmem>>) target(%dma_start3A_52 : memref<80x768xf32, #tpu.memory_space<hbm>>) target_semaphore(%run_scoped3A : memref<!tpu.dma_semaphore, #tpu.memory_space<semaphore_mem>>)
      %dma_wait3A_53 = arith.constant 0 : i32
      %dma_wait3A_54 = tpu.memref_slice %arg4[%add3A_17, %dma_wait3A_53] : memref<10240x768xf32, #tpu.memory_space<hbm>> -> memref<80x768xf32, #tpu.memory_space<hbm>>
      %dma_wait3A_55 = arith.constant 0 : i32
      %dma_wait3A_56 = tpu.memref_slice %arg4[%add3A_17, %dma_wait3A_55] : memref<10240x768xf32, #tpu.memory_space<hbm>> -> memref<80x768xf32, #tpu.memory_space<hbm>>
      tpu.wait_dma2 semaphore(%run_scoped3A : memref<!tpu.dma_semaphore, #tpu.memory_space<semaphore_mem>>) src(%arg6 : memref<80x768xf32, #tpu.memory_space<vmem>>) dst(%dma_wait3A_56 : memref<80x768xf32, #tpu.memory_space<hbm>>)
      tpu.yield
    }) : () -> ()
    %dma_start3A_18 = arith.constant 160 : i32
    %dma_start3A_19 = tpu.memref_slice %arg5[%dma_start3A_18] : memref<320xi32, #tpu.memory_space<vmem>> -> memref<80xi32, #tpu.memory_space<vmem>>
    %dma_start3A_20 = arith.constant 0 : i32
    %dma_start3A_21 = arith.constant 0 : i32
    %dma_start3A_22 = tpu.memref_slice %arg3[%dma_start3A_20, %dma_start3A_21] : memref<30522x768xf32, #tpu.memory_space<hbm>> -> memref<30522x768xf32, #tpu.memory_space<hbm>>
    tpu.enqueue_indirect_dma source(%dma_start3A_22 : memref<30522x768xf32, #tpu.memory_space<hbm>>) target(%arg6 : memref<80x768xf32, #tpu.memory_space<vmem>>) offsets(%dma_start3A_19 : memref<80xi32, #tpu.memory_space<vmem>>) semaphore(%arg8 : memref<!tpu.dma_semaphore, #tpu.memory_space<semaphore_mem>>)
    %dma_wait3A_23 = arith.constant 80 : i32
    %dma_wait3A_24 = tpu.memref_slice %arg5[%dma_wait3A_23] : memref<320xi32, #tpu.memory_space<vmem>> -> memref<80xi32, #tpu.memory_space<vmem>>
    %dma_wait3A_25 = arith.constant 0 : i32
    %dma_wait3A_26 = arith.constant 0 : i32
    %dma_wait3A_27 = tpu.memref_slice %arg3[%dma_wait3A_25, %dma_wait3A_26] : memref<30522x768xf32, #tpu.memory_space<hbm>> -> memref<30522x768xf32, #tpu.memory_space<hbm>>
    tpu.wait_indirect_dma semaphore(%arg9 : memref<!tpu.dma_semaphore, #tpu.memory_space<semaphore_mem>>) src(%dma_wait3A_27 : memref<30522x768xf32, #tpu.memory_space<hbm>>) dst(%arg7 : memref<80x768xf32, #tpu.memory_space<vmem>>)
    %add3A_28 = arith.constant 80 : i32
    %add3A_29 = arith.addi %mul3A_2, %add3A_28 : i32
    "tpu.region"() ({
      %run_scoped3A = tpu.sem_alloc : memref<!tpu.dma_semaphore, #tpu.memory_space<semaphore_mem>>
      %dma_start3A_49 = arith.constant 0 : i32
      %dma_start3A_50 = tpu.memref_slice %arg4[%add3A_29, %dma_start3A_49] : memref<10240x768xf32, #tpu.memory_space<hbm>> -> memref<80x768xf32, #tpu.memory_space<hbm>>
      %dma_start3A_51 = arith.constant 0 : i32
      %dma_start3A_52 = tpu.memref_slice %arg4[%add3A_29, %dma_start3A_51] : memref<10240x768xf32, #tpu.memory_space<hbm>> -> memref<80x768xf32, #tpu.memory_space<hbm>>
      tpu.enqueue_dma source(%arg7 : memref<80x768xf32, #tpu.memory_space<vmem>>) target(%dma_start3A_52 : memref<80x768xf32, #tpu.memory_space<hbm>>) target_semaphore(%run_scoped3A : memref<!tpu.dma_semaphore, #tpu.memory_space<semaphore_mem>>)
      %dma_wait3A_53 = arith.constant 0 : i32
      %dma_wait3A_54 = tpu.memref_slice %arg4[%add3A_29, %dma_wait3A_53] : memref<10240x768xf32, #tpu.memory_space<hbm>> -> memref<80x768xf32, #tpu.memory_space<hbm>>
      %dma_wait3A_55 = arith.constant 0 : i32
      %dma_wait3A_56 = tpu.memref_slice %arg4[%add3A_29, %dma_wait3A_55] : memref<10240x768xf32, #tpu.memory_space<hbm>> -> memref<80x768xf32, #tpu.memory_space<hbm>>
      tpu.wait_dma2 semaphore(%run_scoped3A : memref<!tpu.dma_semaphore, #tpu.memory_space<semaphore_mem>>) src(%arg7 : memref<80x768xf32, #tpu.memory_space<vmem>>) dst(%dma_wait3A_56 : memref<80x768xf32, #tpu.memory_space<hbm>>)
      tpu.yield
    }) : () -> ()
    %dma_start3A_30 = arith.constant 240 : i32
    %dma_start3A_31 = tpu.memref_slice %arg5[%dma_start3A_30] : memref<320xi32, #tpu.memory_space<vmem>> -> memref<80xi32, #tpu.memory_space<vmem>>
    %dma_start3A_32 = arith.constant 0 : i32
    %dma_start3A_33 = arith.constant 0 : i32
    %dma_start3A_34 = tpu.memref_slice %arg3[%dma_start3A_32, %dma_start3A_33] : memref<30522x768xf32, #tpu.memory_space<hbm>> -> memref<30522x768xf32, #tpu.memory_space<hbm>>
    tpu.enqueue_indirect_dma source(%dma_start3A_34 : memref<30522x768xf32, #tpu.memory_space<hbm>>) target(%arg7 : memref<80x768xf32, #tpu.memory_space<vmem>>) offsets(%dma_start3A_31 : memref<80xi32, #tpu.memory_space<vmem>>) semaphore(%arg9 : memref<!tpu.dma_semaphore, #tpu.memory_space<semaphore_mem>>)
    %dma_wait3A_35 = arith.constant 160 : i32
    %dma_wait3A_36 = tpu.memref_slice %arg5[%dma_wait3A_35] : memref<320xi32, #tpu.memory_space<vmem>> -> memref<80xi32, #tpu.memory_space<vmem>>
    %dma_wait3A_37 = arith.constant 0 : i32
    %dma_wait3A_38 = arith.constant 0 : i32
    %dma_wait3A_39 = tpu.memref_slice %arg3[%dma_wait3A_37, %dma_wait3A_38] : memref<30522x768xf32, #tpu.memory_space<hbm>> -> memref<30522x768xf32, #tpu.memory_space<hbm>>
    tpu.wait_indirect_dma semaphore(%arg8 : memref<!tpu.dma_semaphore, #tpu.memory_space<semaphore_mem>>) src(%dma_wait3A_39 : memref<30522x768xf32, #tpu.memory_space<hbm>>) dst(%arg6 : memref<80x768xf32, #tpu.memory_space<vmem>>)
    %add3A_40 = arith.constant 160 : i32
    %add3A_41 = arith.addi %mul3A_2, %add3A_40 : i32
    "tpu.region"() ({
      %run_scoped3A = tpu.sem_alloc : memref<!tpu.dma_semaphore, #tpu.memory_space<semaphore_mem>>
      %dma_start3A_49 = arith.constant 0 : i32
      %dma_start3A_50 = tpu.memref_slice %arg4[%add3A_41, %dma_start3A_49] : memref<10240x768xf32, #tpu.memory_space<hbm>> -> memref<80x768xf32, #tpu.memory_space<hbm>>
      %dma_start3A_51 = arith.constant 0 : i32
      %dma_start3A_52 = tpu.memref_slice %arg4[%add3A_41, %dma_start3A_51] : memref<10240x768xf32, #tpu.memory_space<hbm>> -> memref<80x768xf32, #tpu.memory_space<hbm>>
      tpu.enqueue_dma source(%arg6 : memref<80x768xf32, #tpu.memory_space<vmem>>) target(%dma_start3A_52 : memref<80x768xf32, #tpu.memory_space<hbm>>) target_semaphore(%run_scoped3A : memref<!tpu.dma_semaphore, #tpu.memory_space<semaphore_mem>>)
      %dma_wait3A_53 = arith.constant 0 : i32
      %dma_wait3A_54 = tpu.memref_slice %arg4[%add3A_41, %dma_wait3A_53] : memref<10240x768xf32, #tpu.memory_space<hbm>> -> memref<80x768xf32, #tpu.memory_space<hbm>>
      %dma_wait3A_55 = arith.constant 0 : i32
      %dma_wait3A_56 = tpu.memref_slice %arg4[%add3A_41, %dma_wait3A_55] : memref<10240x768xf32, #tpu.memory_space<hbm>> -> memref<80x768xf32, #tpu.memory_space<hbm>>
      tpu.wait_dma2 semaphore(%run_scoped3A : memref<!tpu.dma_semaphore, #tpu.memory_space<semaphore_mem>>) src(%arg6 : memref<80x768xf32, #tpu.memory_space<vmem>>) dst(%dma_wait3A_56 : memref<80x768xf32, #tpu.memory_space<hbm>>)
      tpu.yield
    }) : () -> ()
    %dma_wait3A_42 = arith.constant 240 : i32
    %dma_wait3A_43 = tpu.memref_slice %arg5[%dma_wait3A_42] : memref<320xi32, #tpu.memory_space<vmem>> -> memref<80xi32, #tpu.memory_space<vmem>>
    %dma_wait3A_44 = arith.constant 0 : i32
    %dma_wait3A_45 = arith.constant 0 : i32
    %dma_wait3A_46 = tpu.memref_slice %arg3[%dma_wait3A_44, %dma_wait3A_45] : memref<30522x768xf32, #tpu.memory_space<hbm>> -> memref<30522x768xf32, #tpu.memory_space<hbm>>
    tpu.wait_indirect_dma semaphore(%arg9 : memref<!tpu.dma_semaphore, #tpu.memory_space<semaphore_mem>>) src(%dma_wait3A_46 : memref<30522x768xf32, #tpu.memory_space<hbm>>) dst(%arg7 : memref<80x768xf32, #tpu.memory_space<vmem>>)
    %add3A_47 = arith.constant 240 : i32
    %add3A_48 = arith.addi %mul3A_2, %add3A_47 : i32
    "tpu.region"() ({
      %run_scoped3A = tpu.sem_alloc : memref<!tpu.dma_semaphore, #tpu.memory_space<semaphore_mem>>
      %dma_start3A_49 = arith.constant 0 : i32
      %dma_start3A_50 = tpu.memref_slice %arg4[%add3A_48, %dma_start3A_49] : memref<10240x768xf32, #tpu.memory_space<hbm>> -> memref<80x768xf32, #tpu.memory_space<hbm>>
      %dma_start3A_51 = arith.constant 0 : i32
      %dma_start3A_52 = tpu.memref_slice %arg4[%add3A_48, %dma_start3A_51] : memref<10240x768xf32, #tpu.memory_space<hbm>> -> memref<80x768xf32, #tpu.memory_space<hbm>>
      tpu.enqueue_dma source(%arg7 : memref<80x768xf32, #tpu.memory_space<vmem>>) target(%dma_start3A_52 : memref<80x768xf32, #tpu.memory_space<hbm>>) target_semaphore(%run_scoped3A : memref<!tpu.dma_semaphore, #tpu.memory_space<semaphore_mem>>)
      %dma_wait3A_53 = arith.constant 0 : i32
      %dma_wait3A_54 = tpu.memref_slice %arg4[%add3A_48, %dma_wait3A_53] : memref<10240x768xf32, #tpu.memory_space<hbm>> -> memref<80x768xf32, #tpu.memory_space<hbm>>
      %dma_wait3A_55 = arith.constant 0 : i32
      %dma_wait3A_56 = tpu.memref_slice %arg4[%add3A_48, %dma_wait3A_55] : memref<10240x768xf32, #tpu.memory_space<hbm>> -> memref<80x768xf32, #tpu.memory_space<hbm>>
      tpu.wait_dma2 semaphore(%run_scoped3A : memref<!tpu.dma_semaphore, #tpu.memory_space<semaphore_mem>>) src(%arg7 : memref<80x768xf32, #tpu.memory_space<vmem>>) dst(%dma_wait3A_56 : memref<80x768xf32, #tpu.memory_space<hbm>>)
      tpu.yield
    }) : () -> ()
    return
  }
}

#map = affine_map<(d0, d1) -> (0)>
#map1 = affine_map<(d0, d1) -> (0, 0)>
module attributes {stable_mosaic.version = 14 : i64} {
  func.func @k(%arg0: i32, %arg1: i32, %arg2: memref<4096xi32, #tpu.memory_space<hbm>>, %arg3: memref<30522x768xf32, #tpu.memory_space<hbm>>, %arg4: memref<4096x768xf32, #tpu.memory_space<hbm>>, %arg5: memref<128xi32, #tpu.memory_space<vmem>>, %arg6: memref<64x768xf32, #tpu.memory_space<vmem>>, %arg7: memref<64x768xf32, #tpu.memory_space<vmem>>, %arg8: memref<!tpu.dma_semaphore, #tpu.memory_space<semaphore_mem>>, %arg9: memref<!tpu.dma_semaphore, #tpu.memory_space<semaphore_mem>>) attributes {dimension_semantics = [#tpu.dimension_semantics<core_parallel>, #tpu.dimension_semantics<subcore_parallel>], iteration_bounds = array<i64: 2, 16>, scalar_prefetch = 0 : i64, scratch_operands = 5 : i64, tpu.core_type = #tpu.core_type<sc_vector_subcore>, window_params = [{transform_indices = #map}, {transform_indices = #map1}, {transform_indices = #map1}]} {
    %mul3A = arith.constant 2 : i32
    %mul3A_0 = arith.muli %arg1, %mul3A : i32
    %add3A = arith.addi %mul3A_0, %arg0 : i32
    %mul3A_1 = arith.constant 128 : i32
    %mul3A_2 = arith.muli %add3A, %mul3A_1 : i32
    "tpu.region"() ({
      %run_scoped3A = tpu.sem_alloc : memref<!tpu.dma_semaphore, #tpu.memory_space<semaphore_mem>>
      %dma_start3A_25 = tpu.memref_slice %arg2[%mul3A_2] : memref<4096xi32, #tpu.memory_space<hbm>> -> memref<128xi32, #tpu.memory_space<hbm>>
      %dma_start3A_26 = tpu.memref_slice %arg2[%mul3A_2] : memref<4096xi32, #tpu.memory_space<hbm>> -> memref<128xi32, #tpu.memory_space<hbm>>
      tpu.enqueue_dma source(%dma_start3A_26 : memref<128xi32, #tpu.memory_space<hbm>>) target(%arg5 : memref<128xi32, #tpu.memory_space<vmem>>) target_semaphore(%run_scoped3A : memref<!tpu.dma_semaphore, #tpu.memory_space<semaphore_mem>>)
      %dma_wait3A_27 = tpu.memref_slice %arg2[%mul3A_2] : memref<4096xi32, #tpu.memory_space<hbm>> -> memref<128xi32, #tpu.memory_space<hbm>>
      %dma_wait3A_28 = tpu.memref_slice %arg2[%mul3A_2] : memref<4096xi32, #tpu.memory_space<hbm>> -> memref<128xi32, #tpu.memory_space<hbm>>
      tpu.wait_dma2 semaphore(%run_scoped3A : memref<!tpu.dma_semaphore, #tpu.memory_space<semaphore_mem>>) src(%dma_wait3A_28 : memref<128xi32, #tpu.memory_space<hbm>>) dst(%arg5 : memref<128xi32, #tpu.memory_space<vmem>>)
      tpu.yield
    }) : () -> ()
    %dma_start3A = arith.constant 0 : i32
    %dma_start3A_3 = tpu.memref_slice %arg5[%dma_start3A] : memref<128xi32, #tpu.memory_space<vmem>> -> memref<64xi32, #tpu.memory_space<vmem>>
    %dma_start3A_4 = arith.constant 0 : i32
    %dma_start3A_5 = arith.constant 0 : i32
    %dma_start3A_6 = tpu.memref_slice %arg3[%dma_start3A_4, %dma_start3A_5] : memref<30522x768xf32, #tpu.memory_space<hbm>> -> memref<30522x768xf32, #tpu.memory_space<hbm>>
    tpu.enqueue_indirect_dma source(%dma_start3A_6 : memref<30522x768xf32, #tpu.memory_space<hbm>>) target(%arg6 : memref<64x768xf32, #tpu.memory_space<vmem>>) offsets(%dma_start3A_3 : memref<64xi32, #tpu.memory_space<vmem>>) semaphore(%arg8 : memref<!tpu.dma_semaphore, #tpu.memory_space<semaphore_mem>>)
    %dma_start3A_7 = arith.constant 64 : i32
    %dma_start3A_8 = tpu.memref_slice %arg5[%dma_start3A_7] : memref<128xi32, #tpu.memory_space<vmem>> -> memref<64xi32, #tpu.memory_space<vmem>>
    %dma_start3A_9 = arith.constant 0 : i32
    %dma_start3A_10 = arith.constant 0 : i32
    %dma_start3A_11 = tpu.memref_slice %arg3[%dma_start3A_9, %dma_start3A_10] : memref<30522x768xf32, #tpu.memory_space<hbm>> -> memref<30522x768xf32, #tpu.memory_space<hbm>>
    tpu.enqueue_indirect_dma source(%dma_start3A_11 : memref<30522x768xf32, #tpu.memory_space<hbm>>) target(%arg7 : memref<64x768xf32, #tpu.memory_space<vmem>>) offsets(%dma_start3A_8 : memref<64xi32, #tpu.memory_space<vmem>>) semaphore(%arg9 : memref<!tpu.dma_semaphore, #tpu.memory_space<semaphore_mem>>)
    %dma_wait3A = arith.constant 0 : i32
    %dma_wait3A_12 = tpu.memref_slice %arg5[%dma_wait3A] : memref<128xi32, #tpu.memory_space<vmem>> -> memref<64xi32, #tpu.memory_space<vmem>>
    %dma_wait3A_13 = arith.constant 0 : i32
    %dma_wait3A_14 = arith.constant 0 : i32
    %dma_wait3A_15 = tpu.memref_slice %arg3[%dma_wait3A_13, %dma_wait3A_14] : memref<30522x768xf32, #tpu.memory_space<hbm>> -> memref<30522x768xf32, #tpu.memory_space<hbm>>
    tpu.wait_indirect_dma semaphore(%arg8 : memref<!tpu.dma_semaphore, #tpu.memory_space<semaphore_mem>>) src(%dma_wait3A_15 : memref<30522x768xf32, #tpu.memory_space<hbm>>) dst(%arg6 : memref<64x768xf32, #tpu.memory_space<vmem>>)
    %add3A_16 = arith.constant 0 : i32
    %add3A_17 = arith.addi %mul3A_2, %add3A_16 : i32
    "tpu.region"() ({
      %run_scoped3A = tpu.sem_alloc : memref<!tpu.dma_semaphore, #tpu.memory_space<semaphore_mem>>
      %dma_start3A_25 = arith.constant 0 : i32
      %dma_start3A_26 = tpu.memref_slice %arg4[%add3A_17, %dma_start3A_25] : memref<4096x768xf32, #tpu.memory_space<hbm>> -> memref<64x768xf32, #tpu.memory_space<hbm>>
      %dma_start3A_27 = arith.constant 0 : i32
      %dma_start3A_28 = tpu.memref_slice %arg4[%add3A_17, %dma_start3A_27] : memref<4096x768xf32, #tpu.memory_space<hbm>> -> memref<64x768xf32, #tpu.memory_space<hbm>>
      tpu.enqueue_dma source(%arg6 : memref<64x768xf32, #tpu.memory_space<vmem>>) target(%dma_start3A_28 : memref<64x768xf32, #tpu.memory_space<hbm>>) target_semaphore(%run_scoped3A : memref<!tpu.dma_semaphore, #tpu.memory_space<semaphore_mem>>)
      %dma_wait3A_29 = arith.constant 0 : i32
      %dma_wait3A_30 = tpu.memref_slice %arg4[%add3A_17, %dma_wait3A_29] : memref<4096x768xf32, #tpu.memory_space<hbm>> -> memref<64x768xf32, #tpu.memory_space<hbm>>
      %dma_wait3A_31 = arith.constant 0 : i32
      %dma_wait3A_32 = tpu.memref_slice %arg4[%add3A_17, %dma_wait3A_31] : memref<4096x768xf32, #tpu.memory_space<hbm>> -> memref<64x768xf32, #tpu.memory_space<hbm>>
      tpu.wait_dma2 semaphore(%run_scoped3A : memref<!tpu.dma_semaphore, #tpu.memory_space<semaphore_mem>>) src(%arg6 : memref<64x768xf32, #tpu.memory_space<vmem>>) dst(%dma_wait3A_32 : memref<64x768xf32, #tpu.memory_space<hbm>>)
      tpu.yield
    }) : () -> ()
    %dma_wait3A_18 = arith.constant 64 : i32
    %dma_wait3A_19 = tpu.memref_slice %arg5[%dma_wait3A_18] : memref<128xi32, #tpu.memory_space<vmem>> -> memref<64xi32, #tpu.memory_space<vmem>>
    %dma_wait3A_20 = arith.constant 0 : i32
    %dma_wait3A_21 = arith.constant 0 : i32
    %dma_wait3A_22 = tpu.memref_slice %arg3[%dma_wait3A_20, %dma_wait3A_21] : memref<30522x768xf32, #tpu.memory_space<hbm>> -> memref<30522x768xf32, #tpu.memory_space<hbm>>
    tpu.wait_indirect_dma semaphore(%arg9 : memref<!tpu.dma_semaphore, #tpu.memory_space<semaphore_mem>>) src(%dma_wait3A_22 : memref<30522x768xf32, #tpu.memory_space<hbm>>) dst(%arg7 : memref<64x768xf32, #tpu.memory_space<vmem>>)
    %add3A_23 = arith.constant 64 : i32
    %add3A_24 = arith.addi %mul3A_2, %add3A_23 : i32
    "tpu.region"() ({
      %run_scoped3A = tpu.sem_alloc : memref<!tpu.dma_semaphore, #tpu.memory_space<semaphore_mem>>
      %dma_start3A_25 = arith.constant 0 : i32
      %dma_start3A_26 = tpu.memref_slice %arg4[%add3A_24, %dma_start3A_25] : memref<4096x768xf32, #tpu.memory_space<hbm>> -> memref<64x768xf32, #tpu.memory_space<hbm>>
      %dma_start3A_27 = arith.constant 0 : i32
      %dma_start3A_28 = tpu.memref_slice %arg4[%add3A_24, %dma_start3A_27] : memref<4096x768xf32, #tpu.memory_space<hbm>> -> memref<64x768xf32, #tpu.memory_space<hbm>>
      tpu.enqueue_dma source(%arg7 : memref<64x768xf32, #tpu.memory_space<vmem>>) target(%dma_start3A_28 : memref<64x768xf32, #tpu.memory_space<hbm>>) target_semaphore(%run_scoped3A : memref<!tpu.dma_semaphore, #tpu.memory_space<semaphore_mem>>)
      %dma_wait3A_29 = arith.constant 0 : i32
      %dma_wait3A_30 = tpu.memref_slice %arg4[%add3A_24, %dma_wait3A_29] : memref<4096x768xf32, #tpu.memory_space<hbm>> -> memref<64x768xf32, #tpu.memory_space<hbm>>
      %dma_wait3A_31 = arith.constant 0 : i32
      %dma_wait3A_32 = tpu.memref_slice %arg4[%add3A_24, %dma_wait3A_31] : memref<4096x768xf32, #tpu.memory_space<hbm>> -> memref<64x768xf32, #tpu.memory_space<hbm>>
      tpu.wait_dma2 semaphore(%run_scoped3A : memref<!tpu.dma_semaphore, #tpu.memory_space<semaphore_mem>>) src(%arg7 : memref<64x768xf32, #tpu.memory_space<vmem>>) dst(%dma_wait3A_32 : memref<64x768xf32, #tpu.memory_space<hbm>>)
      tpu.yield
    }) : () -> ()
    return
  }
}

module attributes {stable_mosaic.version = 14 : i64} {
  func.func @_tc_body(%arg0: i32, %arg1: memref<1024x768xf32, #tpu.memory_space<vmem>>, %arg2: memref<1024x768xbf16, #tpu.memory_space<vmem>>, %arg3: memref<1x1x1024xf32, #tpu.memory_space<vmem>>, %arg4: memref<2x768xf32, #tpu.memory_space<vmem>>, %arg5: memref<1x768xf32, #tpu.memory_space<vmem>>, %arg6: memref<1x768xf32, #tpu.memory_space<vmem>>, %arg7: memref<768x768xbf16, #tpu.memory_space<vmem>>, %arg8: memref<1x768xf32, #tpu.memory_space<vmem>>, %arg9: memref<1024x768xf32, #tpu.memory_space<vmem>>) attributes {dimension_semantics = [#tpu.dimension_semantics<arbitrary>], iteration_bounds = array<i64: 4>, scalar_prefetch = 0 : i64, scratch_operands = 0 : i64, tpu.core_type = #tpu.core_type<tc>, window_params = [{transform_indices = @transform_0, window_bounds = array<i64: 1024, 768>}, {pipeline_mode = #tpu.pipeline_mode<synchronous>, transform_indices = @transform_1, window_bounds = array<i64: 1024, 768>}, {transform_indices = @transform_2, window_bounds = array<i64: 1, 1, 1024>}, {pipeline_mode = #tpu.pipeline_mode<synchronous>, transform_indices = @transform_3, window_bounds = array<i64: 2, 768>}, {pipeline_mode = #tpu.pipeline_mode<synchronous>, transform_indices = @transform_4, window_bounds = array<i64: 1, 768>}, {pipeline_mode = #tpu.pipeline_mode<synchronous>, transform_indices = @transform_5, window_bounds = array<i64: 1, 768>}, {pipeline_mode = #tpu.pipeline_mode<synchronous>, transform_indices = @transform_6, window_bounds = array<i64: 768, 768>}, {pipeline_mode = #tpu.pipeline_mode<synchronous>, transform_indices = @transform_7, window_bounds = array<i64: 1, 768>}, {transform_indices = @transform_8, window_bounds = array<i64: 1024, 768>}]} {
    %get3A = arith.constant 0 : index
    %get3A_0 = arith.constant 0 : index
    %get3A_1 = vector.load %arg4[%get3A, %get3A_0] : memref<2x768xf32, #tpu.memory_space<vmem>>, vector<1x768xf32>
    %get3A_2 = vector.shape_cast %get3A_1 : vector<1x768xf32> to vector<768xf32>
    %broadcast_in_dim3A = vector.shape_cast %get3A_2 : vector<768xf32> to vector<1x768xf32>
    %get3A_3 = arith.constant 1 : index
    %get3A_4 = arith.constant 0 : index
    %get3A_5 = vector.load %arg4[%get3A_3, %get3A_4] : memref<2x768xf32, #tpu.memory_space<vmem>>, vector<1x768xf32>
    %get3A_6 = vector.shape_cast %get3A_5 : vector<1x768xf32> to vector<768xf32>
    %broadcast_in_dim3A_7 = vector.shape_cast %get3A_6 : vector<768xf32> to vector<1x768xf32>
    %get3A_8 = arith.constant 0 : index
    %get3A_9 = arith.constant 0 : index
    %get3A_10 = arith.constant 0 : index
    %get3A_11 = vector.load %arg3[%get3A_8, %get3A_9, %get3A_10] : memref<1x1x1024xf32, #tpu.memory_space<vmem>>, vector<1x1x1024xf32>
    %get3A_12 = vector.shape_cast %get3A_11 : vector<1x1x1024xf32> to vector<1024xf32>
    %broadcast_in_dim3A_13 = vector.shape_cast %get3A_12 : vector<1024xf32> to vector<1024x1xf32>
    %get3A_14 = arith.constant 0 : index
    %get3A_15 = arith.constant 0 : index
    %get3A_16 = vector.load %arg1[%get3A_14, %get3A_15] : memref<1024x768xf32, #tpu.memory_space<vmem>>, vector<1024x768xf32>
    %get3A_17 = arith.constant 0 : index
    %get3A_18 = arith.constant 0 : index
    %get3A_19 = vector.load %arg2[%get3A_17, %get3A_18] : memref<1024x768xbf16, #tpu.memory_space<vmem>>, vector<1024x768xbf16>
    %convert_element_type3A = arith.extf %get3A_19 : vector<1024x768xbf16> to vector<1024x768xf32>
    %add3A = arith.addf %get3A_16, %convert_element_type3A : vector<1024x768xf32>
    %sub3A = arith.subf %broadcast_in_dim3A_7, %broadcast_in_dim3A : vector<1x768xf32>
    %mul3A = vector.broadcast %broadcast_in_dim3A_13 : vector<1024x1xf32> to vector<1024x768xf32>
    %mul3A_20 = vector.broadcast %sub3A : vector<1x768xf32> to vector<1024x768xf32>
    %mul3A_21 = arith.mulf %mul3A, %mul3A_20 : vector<1024x768xf32>
    %add3A_22 = vector.broadcast %broadcast_in_dim3A : vector<1x768xf32> to vector<1024x768xf32>
    %add3A_23 = arith.addf %add3A_22, %mul3A_21 : vector<1024x768xf32>
    %add3A_24 = arith.addf %add3A, %add3A_23 : vector<1024x768xf32>
    %reduce_sum3A = arith.constant dense<0.000000e+00> : vector<1024xf32>
    %reduce_sum3A_25 = vector.multi_reduction <add>, %add3A_24, %reduce_sum3A [1] : vector<1024x768xf32> to vector<1024xf32>
    %broadcast_in_dim3A_26 = vector.shape_cast %reduce_sum3A_25 : vector<1024xf32> to vector<1024x1xf32>
    %div3A = arith.constant 7.680000e+02 : f32
    %div3A_27 = vector.broadcast %div3A : f32 to vector<1024x1xf32>
    %div3A_28 = arith.divf %broadcast_in_dim3A_26, %div3A_27 : vector<1024x1xf32>
    %sub3A_29 = vector.broadcast %div3A_28 : vector<1024x1xf32> to vector<1024x768xf32>
    %sub3A_30 = arith.subf %add3A_24, %sub3A_29 : vector<1024x768xf32>
    %mul3A_31 = arith.mulf %sub3A_30, %sub3A_30 : vector<1024x768xf32>
    %reduce_sum3A_32 = arith.constant dense<0.000000e+00> : vector<1024xf32>
    %reduce_sum3A_33 = vector.multi_reduction <add>, %mul3A_31, %reduce_sum3A_32 [1] : vector<1024x768xf32> to vector<1024xf32>
    %broadcast_in_dim3A_34 = vector.shape_cast %reduce_sum3A_33 : vector<1024xf32> to vector<1024x1xf32>
    %div3A_35 = arith.constant 7.680000e+02 : f32
    %div3A_36 = vector.broadcast %div3A_35 : f32 to vector<1024x1xf32>
    %div3A_37 = arith.divf %broadcast_in_dim3A_34, %div3A_36 : vector<1024x1xf32>
    %add3A_38 = arith.constant 9.99999996E-13 : f32
    %add3A_39 = vector.broadcast %add3A_38 : f32 to vector<1024x1xf32>
    %add3A_40 = arith.addf %div3A_37, %add3A_39 : vector<1024x1xf32>
    %rsqrt3A = math.rsqrt %add3A_40 : vector<1024x1xf32>
    %mul3A_41 = vector.broadcast %rsqrt3A : vector<1024x1xf32> to vector<1024x768xf32>
    %mul3A_42 = arith.mulf %sub3A_30, %mul3A_41 : vector<1024x768xf32>
    %get3A_43 = arith.constant 0 : index
    %get3A_44 = arith.constant 0 : index
    %get3A_45 = vector.load %arg5[%get3A_43, %get3A_44] : memref<1x768xf32, #tpu.memory_space<vmem>>, vector<1x768xf32>
    %get3A_46 = vector.shape_cast %get3A_45 : vector<1x768xf32> to vector<768xf32>
    %broadcast_in_dim3A_47 = vector.shape_cast %get3A_46 : vector<768xf32> to vector<1x768xf32>
    %mul3A_48 = vector.broadcast %broadcast_in_dim3A_47 : vector<1x768xf32> to vector<1024x768xf32>
    %mul3A_49 = arith.mulf %mul3A_42, %mul3A_48 : vector<1024x768xf32>
    %get3A_50 = arith.constant 0 : index
    %get3A_51 = arith.constant 0 : index
    %get3A_52 = vector.load %arg6[%get3A_50, %get3A_51] : memref<1x768xf32, #tpu.memory_space<vmem>>, vector<1x768xf32>
    %get3A_53 = vector.shape_cast %get3A_52 : vector<1x768xf32> to vector<768xf32>
    %broadcast_in_dim3A_54 = vector.shape_cast %get3A_53 : vector<768xf32> to vector<1x768xf32>
    %add3A_55 = vector.broadcast %broadcast_in_dim3A_54 : vector<1x768xf32> to vector<1024x768xf32>
    %add3A_56 = arith.addf %mul3A_49, %add3A_55 : vector<1024x768xf32>
    %convert_element_type3A_57 = arith.truncf %add3A_56 : vector<1024x768xf32> to vector<1024x768xbf16>
    %get3A_58 = arith.constant 0 : index
    %get3A_59 = arith.constant 0 : index
    %get3A_60 = vector.load %arg7[%get3A_58, %get3A_59] : memref<768x768xbf16, #tpu.memory_space<vmem>>, vector<768x768xbf16>
    %dot_general3A = arith.constant dense<0.000000e+00> : vector<1024x768xf32>
    %dot_general3A_61 = tpu.matmul %convert_element_type3A_57, %get3A_60, %dot_general3A {dimension_numbers = #tpu.dot_dimension_numbers<[1], [0], [0], [1], [0, 0, 1, 1], [], []>, transpose_lhs_hint = false} : vector<1024x768xbf16>, vector<768x768xbf16>, vector<1024x768xf32> -> vector<1024x768xf32>
    %get3A_62 = arith.constant 0 : index
    %get3A_63 = arith.constant 0 : index
    %get3A_64 = vector.load %arg8[%get3A_62, %get3A_63] : memref<1x768xf32, #tpu.memory_space<vmem>>, vector<1x768xf32>
    %get3A_65 = vector.shape_cast %get3A_64 : vector<1x768xf32> to vector<768xf32>
    %broadcast_in_dim3A_66 = vector.shape_cast %get3A_65 : vector<768xf32> to vector<1x768xf32>
    %add3A_67 = vector.broadcast %broadcast_in_dim3A_66 : vector<1x768xf32> to vector<1024x768xf32>
    %add3A_68 = arith.addf %dot_general3A_61, %add3A_67 : vector<1024x768xf32>
    %swap3A = arith.constant 0 : index
    %swap3A_69 = arith.constant 0 : index
    %swap3A_70 = vector.load %arg9[%swap3A, %swap3A_69] : memref<1024x768xf32, #tpu.memory_space<vmem>>, vector<1024x768xf32>
    tpu.vector_store %arg9[%swap3A, %swap3A_69], %add3A_68 {strides = array<i32>} : memref<1024x768xf32, #tpu.memory_space<vmem>>, vector<1024x768xf32>,
    return
  }
  func.func @transform_0(%arg0: i32) -> (i32, i32) {
    %c0_i32 = arith.constant 0 : i32
    %c0_i32_0 = arith.constant 0 : i32
    return %arg0, %c0_i32 : i32, i32
  }
  func.func @transform_1(%arg0: i32) -> (i32, i32) {
    %c0_i32 = arith.constant 0 : i32
    %c0_i32_0 = arith.constant 0 : i32
    %c0_i32_1 = arith.constant 0 : i32
    return %c0_i32, %c0_i32_0 : i32, i32
  }
  func.func @transform_2(%arg0: i32) -> (i32, i32, i32) {
    %c0_i32 = arith.constant 0 : i32
    %c0_i32_0 = arith.constant 0 : i32
    %c0_i32_1 = arith.constant 0 : i32
    return %arg0, %c0_i32, %c0_i32_0 : i32, i32, i32
  }
  func.func @transform_3(%arg0: i32) -> (i32, i32) {
    %c0_i32 = arith.constant 0 : i32
    %c0_i32_0 = arith.constant 0 : i32
    %c0_i32_1 = arith.constant 0 : i32
    return %c0_i32, %c0_i32_0 : i32, i32
  }
  func.func @transform_4(%arg0: i32) -> (i32, i32) {
    %c0_i32 = arith.constant 0 : i32
    %c0_i32_0 = arith.constant 0 : i32
    %c0_i32_1 = arith.constant 0 : i32
    return %c0_i32, %c0_i32_0 : i32, i32
  }
  func.func @transform_5(%arg0: i32) -> (i32, i32) {
    %c0_i32 = arith.constant 0 : i32
    %c0_i32_0 = arith.constant 0 : i32
    %c0_i32_1 = arith.constant 0 : i32
    return %c0_i32, %c0_i32_0 : i32, i32
  }
  func.func @transform_6(%arg0: i32) -> (i32, i32) {
    %c0_i32 = arith.constant 0 : i32
    %c0_i32_0 = arith.constant 0 : i32
    %c0_i32_1 = arith.constant 0 : i32
    return %c0_i32, %c0_i32_0 : i32, i32
  }
  func.func @transform_7(%arg0: i32) -> (i32, i32) {
    %c0_i32 = arith.constant 0 : i32
    %c0_i32_0 = arith.constant 0 : i32
    %c0_i32_1 = arith.constant 0 : i32
    return %c0_i32, %c0_i32_0 : i32, i32
  }
  func.func @transform_8(%arg0: i32) -> (i32, i32) {
    %add3A = arith.constant 0 : i32
    %add3A_0 = arith.addi %arg0, %add3A : i32
    %c0_i32 = arith.constant 0 : i32
    %c0_i32_1 = arith.constant 0 : i32
    return %add3A_0, %c0_i32 : i32, i32
  }
}

module attributes {stable_mosaic.version = 14 : i64} {
  func.func @_tc_body_alias(%arg0: i32, %arg1: memref<1024x768xf32, #tpu.memory_space<vmem>>, %arg2: memref<1024x768xbf16, #tpu.memory_space<vmem>>, %arg3: memref<1x1x1024xf32, #tpu.memory_space<vmem>>, %arg4: memref<2x768xf32, #tpu.memory_space<vmem>>, %arg5: memref<1x768xf32, #tpu.memory_space<vmem>>, %arg6: memref<1x768xf32, #tpu.memory_space<vmem>>, %arg7: memref<768x768xbf16, #tpu.memory_space<vmem>>, %arg8: memref<1x768xf32, #tpu.memory_space<vmem>>, %arg9: memref<32768x768xf32, #tpu.memory_space<any>>, %arg10: memref<1024x768xf32, #tpu.memory_space<vmem>>) attributes {dimension_semantics = [#tpu.dimension_semantics<arbitrary>], iteration_bounds = array<i64: 8>, scalar_prefetch = 0 : i64, scratch_operands = 0 : i64, tpu.core_type = #tpu.core_type<tc>, window_params = [{transform_indices = @transform_0, window_bounds = array<i64: 1024, 768>}, {pipeline_mode = #tpu.pipeline_mode<synchronous>, transform_indices = @transform_1, window_bounds = array<i64: 1024, 768>}, {transform_indices = @transform_2, window_bounds = array<i64: 1, 1, 1024>}, {pipeline_mode = #tpu.pipeline_mode<synchronous>, transform_indices = @transform_3, window_bounds = array<i64: 2, 768>}, {pipeline_mode = #tpu.pipeline_mode<synchronous>, transform_indices = @transform_4, window_bounds = array<i64: 1, 768>}, {pipeline_mode = #tpu.pipeline_mode<synchronous>, transform_indices = @transform_5, window_bounds = array<i64: 1, 768>}, {pipeline_mode = #tpu.pipeline_mode<synchronous>, transform_indices = @transform_6, window_bounds = array<i64: 768, 768>}, {pipeline_mode = #tpu.pipeline_mode<synchronous>, transform_indices = @transform_7, window_bounds = array<i64: 1, 768>}, {}, {transform_indices = @transform_9, window_bounds = array<i64: 1024, 768>}]} {
    %get3A = arith.constant 0 : index
    %get3A_0 = arith.constant 0 : index
    %get3A_1 = vector.load %arg4[%get3A, %get3A_0] : memref<2x768xf32, #tpu.memory_space<vmem>>, vector<1x768xf32>
    %get3A_2 = vector.shape_cast %get3A_1 : vector<1x768xf32> to vector<768xf32>
    %broadcast_in_dim3A = vector.shape_cast %get3A_2 : vector<768xf32> to vector<1x768xf32>
    %get3A_3 = arith.constant 1 : index
    %get3A_4 = arith.constant 0 : index
    %get3A_5 = vector.load %arg4[%get3A_3, %get3A_4] : memref<2x768xf32, #tpu.memory_space<vmem>>, vector<1x768xf32>
    %get3A_6 = vector.shape_cast %get3A_5 : vector<1x768xf32> to vector<768xf32>
    %broadcast_in_dim3A_7 = vector.shape_cast %get3A_6 : vector<768xf32> to vector<1x768xf32>
    %get3A_8 = arith.constant 0 : index
    %get3A_9 = arith.constant 0 : index
    %get3A_10 = arith.constant 0 : index
    %get3A_11 = vector.load %arg3[%get3A_8, %get3A_9, %get3A_10] : memref<1x1x1024xf32, #tpu.memory_space<vmem>>, vector<1x1x1024xf32>
    %get3A_12 = vector.shape_cast %get3A_11 : vector<1x1x1024xf32> to vector<1024xf32>
    %broadcast_in_dim3A_13 = vector.shape_cast %get3A_12 : vector<1024xf32> to vector<1024x1xf32>
    %get3A_14 = arith.constant 0 : index
    %get3A_15 = arith.constant 0 : index
    %get3A_16 = vector.load %arg1[%get3A_14, %get3A_15] : memref<1024x768xf32, #tpu.memory_space<vmem>>, vector<1024x768xf32>
    %get3A_17 = arith.constant 0 : index
    %get3A_18 = arith.constant 0 : index
    %get3A_19 = vector.load %arg2[%get3A_17, %get3A_18] : memref<1024x768xbf16, #tpu.memory_space<vmem>>, vector<1024x768xbf16>
    %convert_element_type3A = arith.extf %get3A_19 : vector<1024x768xbf16> to vector<1024x768xf32>
    %add3A = arith.addf %get3A_16, %convert_element_type3A : vector<1024x768xf32>
    %sub3A = arith.subf %broadcast_in_dim3A_7, %broadcast_in_dim3A : vector<1x768xf32>
    %mul3A = vector.broadcast %broadcast_in_dim3A_13 : vector<1024x1xf32> to vector<1024x768xf32>
    %mul3A_20 = vector.broadcast %sub3A : vector<1x768xf32> to vector<1024x768xf32>
    %mul3A_21 = arith.mulf %mul3A, %mul3A_20 : vector<1024x768xf32>
    %add3A_22 = vector.broadcast %broadcast_in_dim3A : vector<1x768xf32> to vector<1024x768xf32>
    %add3A_23 = arith.addf %add3A_22, %mul3A_21 : vector<1024x768xf32>
    %add3A_24 = arith.addf %add3A, %add3A_23 : vector<1024x768xf32>
    %reduce_sum3A = arith.constant dense<0.000000e+00> : vector<1024xf32>
    %reduce_sum3A_25 = vector.multi_reduction <add>, %add3A_24, %reduce_sum3A [1] : vector<1024x768xf32> to vector<1024xf32>
    %broadcast_in_dim3A_26 = vector.shape_cast %reduce_sum3A_25 : vector<1024xf32> to vector<1024x1xf32>
    %div3A = arith.constant 7.680000e+02 : f32
    %div3A_27 = vector.broadcast %div3A : f32 to vector<1024x1xf32>
    %div3A_28 = arith.divf %broadcast_in_dim3A_26, %div3A_27 : vector<1024x1xf32>
    %sub3A_29 = vector.broadcast %div3A_28 : vector<1024x1xf32> to vector<1024x768xf32>
    %sub3A_30 = arith.subf %add3A_24, %sub3A_29 : vector<1024x768xf32>
    %mul3A_31 = arith.mulf %sub3A_30, %sub3A_30 : vector<1024x768xf32>
    %reduce_sum3A_32 = arith.constant dense<0.000000e+00> : vector<1024xf32>
    %reduce_sum3A_33 = vector.multi_reduction <add>, %mul3A_31, %reduce_sum3A_32 [1] : vector<1024x768xf32> to vector<1024xf32>
    %broadcast_in_dim3A_34 = vector.shape_cast %reduce_sum3A_33 : vector<1024xf32> to vector<1024x1xf32>
    %div3A_35 = arith.constant 7.680000e+02 : f32
    %div3A_36 = vector.broadcast %div3A_35 : f32 to vector<1024x1xf32>
    %div3A_37 = arith.divf %broadcast_in_dim3A_34, %div3A_36 : vector<1024x1xf32>
    %add3A_38 = arith.constant 9.99999996E-13 : f32
    %add3A_39 = vector.broadcast %add3A_38 : f32 to vector<1024x1xf32>
    %add3A_40 = arith.addf %div3A_37, %add3A_39 : vector<1024x1xf32>
    %rsqrt3A = math.rsqrt %add3A_40 : vector<1024x1xf32>
    %mul3A_41 = vector.broadcast %rsqrt3A : vector<1024x1xf32> to vector<1024x768xf32>
    %mul3A_42 = arith.mulf %sub3A_30, %mul3A_41 : vector<1024x768xf32>
    %get3A_43 = arith.constant 0 : index
    %get3A_44 = arith.constant 0 : index
    %get3A_45 = vector.load %arg5[%get3A_43, %get3A_44] : memref<1x768xf32, #tpu.memory_space<vmem>>, vector<1x768xf32>
    %get3A_46 = vector.shape_cast %get3A_45 : vector<1x768xf32> to vector<768xf32>
    %broadcast_in_dim3A_47 = vector.shape_cast %get3A_46 : vector<768xf32> to vector<1x768xf32>
    %mul3A_48 = vector.broadcast %broadcast_in_dim3A_47 : vector<1x768xf32> to vector<1024x768xf32>
    %mul3A_49 = arith.mulf %mul3A_42, %mul3A_48 : vector<1024x768xf32>
    %get3A_50 = arith.constant 0 : index
    %get3A_51 = arith.constant 0 : index
    %get3A_52 = vector.load %arg6[%get3A_50, %get3A_51] : memref<1x768xf32, #tpu.memory_space<vmem>>, vector<1x768xf32>
    %get3A_53 = vector.shape_cast %get3A_52 : vector<1x768xf32> to vector<768xf32>
    %broadcast_in_dim3A_54 = vector.shape_cast %get3A_53 : vector<768xf32> to vector<1x768xf32>
    %add3A_55 = vector.broadcast %broadcast_in_dim3A_54 : vector<1x768xf32> to vector<1024x768xf32>
    %add3A_56 = arith.addf %mul3A_49, %add3A_55 : vector<1024x768xf32>
    %convert_element_type3A_57 = arith.truncf %add3A_56 : vector<1024x768xf32> to vector<1024x768xbf16>
    %get3A_58 = arith.constant 0 : index
    %get3A_59 = arith.constant 0 : index
    %get3A_60 = vector.load %arg7[%get3A_58, %get3A_59] : memref<768x768xbf16, #tpu.memory_space<vmem>>, vector<768x768xbf16>
    %dot_general3A = arith.constant dense<0.000000e+00> : vector<1024x768xf32>
    %dot_general3A_61 = tpu.matmul %convert_element_type3A_57, %get3A_60, %dot_general3A {dimension_numbers = #tpu.dot_dimension_numbers<[1], [0], [0], [1], [0, 0, 1, 1], [], []>, transpose_lhs_hint = false} : vector<1024x768xbf16>, vector<768x768xbf16>, vector<1024x768xf32> -> vector<1024x768xf32>
    %get3A_62 = arith.constant 0 : index
    %get3A_63 = arith.constant 0 : index
    %get3A_64 = vector.load %arg8[%get3A_62, %get3A_63] : memref<1x768xf32, #tpu.memory_space<vmem>>, vector<1x768xf32>
    %get3A_65 = vector.shape_cast %get3A_64 : vector<1x768xf32> to vector<768xf32>
    %broadcast_in_dim3A_66 = vector.shape_cast %get3A_65 : vector<768xf32> to vector<1x768xf32>
    %add3A_67 = vector.broadcast %broadcast_in_dim3A_66 : vector<1x768xf32> to vector<1024x768xf32>
    %add3A_68 = arith.addf %dot_general3A_61, %add3A_67 : vector<1024x768xf32>
    %swap3A = arith.constant 0 : index
    %swap3A_69 = arith.constant 0 : index
    %swap3A_70 = vector.load %arg10[%swap3A, %swap3A_69] : memref<1024x768xf32, #tpu.memory_space<vmem>>, vector<1024x768xf32>
    tpu.vector_store %arg10[%swap3A, %swap3A_69], %add3A_68 {strides = array<i32>} : memref<1024x768xf32, #tpu.memory_space<vmem>>, vector<1024x768xf32>,
    return
  }
  func.func @transform_0(%arg0: i32) -> (i32, i32) {
    %c0_i32 = arith.constant 0 : i32
    %c0_i32_0 = arith.constant 0 : i32
    return %arg0, %c0_i32 : i32, i32
  }
  func.func @transform_1(%arg0: i32) -> (i32, i32) {
    %c0_i32 = arith.constant 0 : i32
    %c0_i32_0 = arith.constant 0 : i32
    %c0_i32_1 = arith.constant 0 : i32
    return %c0_i32, %c0_i32_0 : i32, i32
  }
  func.func @transform_2(%arg0: i32) -> (i32, i32, i32) {
    %c0_i32 = arith.constant 0 : i32
    %c0_i32_0 = arith.constant 0 : i32
    %c0_i32_1 = arith.constant 0 : i32
    return %arg0, %c0_i32, %c0_i32_0 : i32, i32, i32
  }
  func.func @transform_3(%arg0: i32) -> (i32, i32) {
    %c0_i32 = arith.constant 0 : i32
    %c0_i32_0 = arith.constant 0 : i32
    %c0_i32_1 = arith.constant 0 : i32
    return %c0_i32, %c0_i32_0 : i32, i32
  }
  func.func @transform_4(%arg0: i32) -> (i32, i32) {
    %c0_i32 = arith.constant 0 : i32
    %c0_i32_0 = arith.constant 0 : i32
    %c0_i32_1 = arith.constant 0 : i32
    return %c0_i32, %c0_i32_0 : i32, i32
  }
  func.func @transform_5(%arg0: i32) -> (i32, i32) {
    %c0_i32 = arith.constant 0 : i32
    %c0_i32_0 = arith.constant 0 : i32
    %c0_i32_1 = arith.constant 0 : i32
    return %c0_i32, %c0_i32_0 : i32, i32
  }
  func.func @transform_6(%arg0: i32) -> (i32, i32) {
    %c0_i32 = arith.constant 0 : i32
    %c0_i32_0 = arith.constant 0 : i32
    %c0_i32_1 = arith.constant 0 : i32
    return %c0_i32, %c0_i32_0 : i32, i32
  }
  func.func @transform_7(%arg0: i32) -> (i32, i32) {
    %c0_i32 = arith.constant 0 : i32
    %c0_i32_0 = arith.constant 0 : i32
    %c0_i32_1 = arith.constant 0 : i32
    return %c0_i32, %c0_i32_0 : i32, i32
  }
  func.func @transform_9(%arg0: i32) -> (i32, i32) {
    %add3A = arith.constant 4 : i32
    %add3A_0 = arith.addi %arg0, %add3A : i32
    %c0_i32 = arith.constant 0 : i32
    %c0_i32_1 = arith.constant 0 : i32
    return %add3A_0, %c0_i32 : i32, i32
  }
}

module attributes {stable_mosaic.version = 14 : i64} {
  func.func @_tc_body_alias(%arg0: i32, %arg1: memref<1024x768xf32, #tpu.memory_space<vmem>>, %arg2: memref<1024x768xbf16, #tpu.memory_space<vmem>>, %arg3: memref<1x1x1024xf32, #tpu.memory_space<vmem>>, %arg4: memref<2x768xf32, #tpu.memory_space<vmem>>, %arg5: memref<1x768xf32, #tpu.memory_space<vmem>>, %arg6: memref<1x768xf32, #tpu.memory_space<vmem>>, %arg7: memref<768x768xbf16, #tpu.memory_space<vmem>>, %arg8: memref<1x768xf32, #tpu.memory_space<vmem>>, %arg9: memref<32768x768xf32, #tpu.memory_space<any>>, %arg10: memref<1024x768xf32, #tpu.memory_space<vmem>>) attributes {dimension_semantics = [#tpu.dimension_semantics<arbitrary>], iteration_bounds = array<i64: 10>, scalar_prefetch = 0 : i64, scratch_operands = 0 : i64, tpu.core_type = #tpu.core_type<tc>, window_params = [{transform_indices = @transform_0, window_bounds = array<i64: 1024, 768>}, {pipeline_mode = #tpu.pipeline_mode<synchronous>, transform_indices = @transform_1, window_bounds = array<i64: 1024, 768>}, {transform_indices = @transform_2, window_bounds = array<i64: 1, 1, 1024>}, {pipeline_mode = #tpu.pipeline_mode<synchronous>, transform_indices = @transform_3, window_bounds = array<i64: 2, 768>}, {pipeline_mode = #tpu.pipeline_mode<synchronous>, transform_indices = @transform_4, window_bounds = array<i64: 1, 768>}, {pipeline_mode = #tpu.pipeline_mode<synchronous>, transform_indices = @transform_5, window_bounds = array<i64: 1, 768>}, {pipeline_mode = #tpu.pipeline_mode<synchronous>, transform_indices = @transform_6, window_bounds = array<i64: 768, 768>}, {pipeline_mode = #tpu.pipeline_mode<synchronous>, transform_indices = @transform_7, window_bounds = array<i64: 1, 768>}, {}, {transform_indices = @transform_9, window_bounds = array<i64: 1024, 768>}]} {
    %get3A = arith.constant 0 : index
    %get3A_0 = arith.constant 0 : index
    %get3A_1 = vector.load %arg4[%get3A, %get3A_0] : memref<2x768xf32, #tpu.memory_space<vmem>>, vector<1x768xf32>
    %get3A_2 = vector.shape_cast %get3A_1 : vector<1x768xf32> to vector<768xf32>
    %broadcast_in_dim3A = vector.shape_cast %get3A_2 : vector<768xf32> to vector<1x768xf32>
    %get3A_3 = arith.constant 1 : index
    %get3A_4 = arith.constant 0 : index
    %get3A_5 = vector.load %arg4[%get3A_3, %get3A_4] : memref<2x768xf32, #tpu.memory_space<vmem>>, vector<1x768xf32>
    %get3A_6 = vector.shape_cast %get3A_5 : vector<1x768xf32> to vector<768xf32>
    %broadcast_in_dim3A_7 = vector.shape_cast %get3A_6 : vector<768xf32> to vector<1x768xf32>
    %get3A_8 = arith.constant 0 : index
    %get3A_9 = arith.constant 0 : index
    %get3A_10 = arith.constant 0 : index
    %get3A_11 = vector.load %arg3[%get3A_8, %get3A_9, %get3A_10] : memref<1x1x1024xf32, #tpu.memory_space<vmem>>, vector<1x1x1024xf32>
    %get3A_12 = vector.shape_cast %get3A_11 : vector<1x1x1024xf32> to vector<1024xf32>
    %broadcast_in_dim3A_13 = vector.shape_cast %get3A_12 : vector<1024xf32> to vector<1024x1xf32>
    %get3A_14 = arith.constant 0 : index
    %get3A_15 = arith.constant 0 : index
    %get3A_16 = vector.load %arg1[%get3A_14, %get3A_15] : memref<1024x768xf32, #tpu.memory_space<vmem>>, vector<1024x768xf32>
    %get3A_17 = arith.constant 0 : index
    %get3A_18 = arith.constant 0 : index
    %get3A_19 = vector.load %arg2[%get3A_17, %get3A_18] : memref<1024x768xbf16, #tpu.memory_space<vmem>>, vector<1024x768xbf16>
    %convert_element_type3A = arith.extf %get3A_19 : vector<1024x768xbf16> to vector<1024x768xf32>
    %add3A = arith.addf %get3A_16, %convert_element_type3A : vector<1024x768xf32>
    %sub3A = arith.subf %broadcast_in_dim3A_7, %broadcast_in_dim3A : vector<1x768xf32>
    %mul3A = vector.broadcast %broadcast_in_dim3A_13 : vector<1024x1xf32> to vector<1024x768xf32>
    %mul3A_20 = vector.broadcast %sub3A : vector<1x768xf32> to vector<1024x768xf32>
    %mul3A_21 = arith.mulf %mul3A, %mul3A_20 : vector<1024x768xf32>
    %add3A_22 = vector.broadcast %broadcast_in_dim3A : vector<1x768xf32> to vector<1024x768xf32>
    %add3A_23 = arith.addf %add3A_22, %mul3A_21 : vector<1024x768xf32>
    %add3A_24 = arith.addf %add3A, %add3A_23 : vector<1024x768xf32>
    %reduce_sum3A = arith.constant dense<0.000000e+00> : vector<1024xf32>
    %reduce_sum3A_25 = vector.multi_reduction <add>, %add3A_24, %reduce_sum3A [1] : vector<1024x768xf32> to vector<1024xf32>
    %broadcast_in_dim3A_26 = vector.shape_cast %reduce_sum3A_25 : vector<1024xf32> to vector<1024x1xf32>
    %div3A = arith.constant 7.680000e+02 : f32
    %div3A_27 = vector.broadcast %div3A : f32 to vector<1024x1xf32>
    %div3A_28 = arith.divf %broadcast_in_dim3A_26, %div3A_27 : vector<1024x1xf32>
    %sub3A_29 = vector.broadcast %div3A_28 : vector<1024x1xf32> to vector<1024x768xf32>
    %sub3A_30 = arith.subf %add3A_24, %sub3A_29 : vector<1024x768xf32>
    %mul3A_31 = arith.mulf %sub3A_30, %sub3A_30 : vector<1024x768xf32>
    %reduce_sum3A_32 = arith.constant dense<0.000000e+00> : vector<1024xf32>
    %reduce_sum3A_33 = vector.multi_reduction <add>, %mul3A_31, %reduce_sum3A_32 [1] : vector<1024x768xf32> to vector<1024xf32>
    %broadcast_in_dim3A_34 = vector.shape_cast %reduce_sum3A_33 : vector<1024xf32> to vector<1024x1xf32>
    %div3A_35 = arith.constant 7.680000e+02 : f32
    %div3A_36 = vector.broadcast %div3A_35 : f32 to vector<1024x1xf32>
    %div3A_37 = arith.divf %broadcast_in_dim3A_34, %div3A_36 : vector<1024x1xf32>
    %add3A_38 = arith.constant 9.99999996E-13 : f32
    %add3A_39 = vector.broadcast %add3A_38 : f32 to vector<1024x1xf32>
    %add3A_40 = arith.addf %div3A_37, %add3A_39 : vector<1024x1xf32>
    %rsqrt3A = math.rsqrt %add3A_40 : vector<1024x1xf32>
    %mul3A_41 = vector.broadcast %rsqrt3A : vector<1024x1xf32> to vector<1024x768xf32>
    %mul3A_42 = arith.mulf %sub3A_30, %mul3A_41 : vector<1024x768xf32>
    %get3A_43 = arith.constant 0 : index
    %get3A_44 = arith.constant 0 : index
    %get3A_45 = vector.load %arg5[%get3A_43, %get3A_44] : memref<1x768xf32, #tpu.memory_space<vmem>>, vector<1x768xf32>
    %get3A_46 = vector.shape_cast %get3A_45 : vector<1x768xf32> to vector<768xf32>
    %broadcast_in_dim3A_47 = vector.shape_cast %get3A_46 : vector<768xf32> to vector<1x768xf32>
    %mul3A_48 = vector.broadcast %broadcast_in_dim3A_47 : vector<1x768xf32> to vector<1024x768xf32>
    %mul3A_49 = arith.mulf %mul3A_42, %mul3A_48 : vector<1024x768xf32>
    %get3A_50 = arith.constant 0 : index
    %get3A_51 = arith.constant 0 : index
    %get3A_52 = vector.load %arg6[%get3A_50, %get3A_51] : memref<1x768xf32, #tpu.memory_space<vmem>>, vector<1x768xf32>
    %get3A_53 = vector.shape_cast %get3A_52 : vector<1x768xf32> to vector<768xf32>
    %broadcast_in_dim3A_54 = vector.shape_cast %get3A_53 : vector<768xf32> to vector<1x768xf32>
    %add3A_55 = vector.broadcast %broadcast_in_dim3A_54 : vector<1x768xf32> to vector<1024x768xf32>
    %add3A_56 = arith.addf %mul3A_49, %add3A_55 : vector<1024x768xf32>
    %convert_element_type3A_57 = arith.truncf %add3A_56 : vector<1024x768xf32> to vector<1024x768xbf16>
    %get3A_58 = arith.constant 0 : index
    %get3A_59 = arith.constant 0 : index
    %get3A_60 = vector.load %arg7[%get3A_58, %get3A_59] : memref<768x768xbf16, #tpu.memory_space<vmem>>, vector<768x768xbf16>
    %dot_general3A = arith.constant dense<0.000000e+00> : vector<1024x768xf32>
    %dot_general3A_61 = tpu.matmul %convert_element_type3A_57, %get3A_60, %dot_general3A {dimension_numbers = #tpu.dot_dimension_numbers<[1], [0], [0], [1], [0, 0, 1, 1], [], []>, transpose_lhs_hint = false} : vector<1024x768xbf16>, vector<768x768xbf16>, vector<1024x768xf32> -> vector<1024x768xf32>
    %get3A_62 = arith.constant 0 : index
    %get3A_63 = arith.constant 0 : index
    %get3A_64 = vector.load %arg8[%get3A_62, %get3A_63] : memref<1x768xf32, #tpu.memory_space<vmem>>, vector<1x768xf32>
    %get3A_65 = vector.shape_cast %get3A_64 : vector<1x768xf32> to vector<768xf32>
    %broadcast_in_dim3A_66 = vector.shape_cast %get3A_65 : vector<768xf32> to vector<1x768xf32>
    %add3A_67 = vector.broadcast %broadcast_in_dim3A_66 : vector<1x768xf32> to vector<1024x768xf32>
    %add3A_68 = arith.addf %dot_general3A_61, %add3A_67 : vector<1024x768xf32>
    %swap3A = arith.constant 0 : index
    %swap3A_69 = arith.constant 0 : index
    %swap3A_70 = vector.load %arg10[%swap3A, %swap3A_69] : memref<1024x768xf32, #tpu.memory_space<vmem>>, vector<1024x768xf32>
    tpu.vector_store %arg10[%swap3A, %swap3A_69], %add3A_68 {strides = array<i32>} : memref<1024x768xf32, #tpu.memory_space<vmem>>, vector<1024x768xf32>,
    return
  }
  func.func @transform_0(%arg0: i32) -> (i32, i32) {
    %c0_i32 = arith.constant 0 : i32
    %c0_i32_0 = arith.constant 0 : i32
    return %arg0, %c0_i32 : i32, i32
  }
  func.func @transform_1(%arg0: i32) -> (i32, i32) {
    %c0_i32 = arith.constant 0 : i32
    %c0_i32_0 = arith.constant 0 : i32
    %c0_i32_1 = arith.constant 0 : i32
    return %c0_i32, %c0_i32_0 : i32, i32
  }
  func.func @transform_2(%arg0: i32) -> (i32, i32, i32) {
    %c0_i32 = arith.constant 0 : i32
    %c0_i32_0 = arith.constant 0 : i32
    %c0_i32_1 = arith.constant 0 : i32
    return %arg0, %c0_i32, %c0_i32_0 : i32, i32, i32
  }
  func.func @transform_3(%arg0: i32) -> (i32, i32) {
    %c0_i32 = arith.constant 0 : i32
    %c0_i32_0 = arith.constant 0 : i32
    %c0_i32_1 = arith.constant 0 : i32
    return %c0_i32, %c0_i32_0 : i32, i32
  }
  func.func @transform_4(%arg0: i32) -> (i32, i32) {
    %c0_i32 = arith.constant 0 : i32
    %c0_i32_0 = arith.constant 0 : i32
    %c0_i32_1 = arith.constant 0 : i32
    return %c0_i32, %c0_i32_0 : i32, i32
  }
  func.func @transform_5(%arg0: i32) -> (i32, i32) {
    %c0_i32 = arith.constant 0 : i32
    %c0_i32_0 = arith.constant 0 : i32
    %c0_i32_1 = arith.constant 0 : i32
    return %c0_i32, %c0_i32_0 : i32, i32
  }
  func.func @transform_6(%arg0: i32) -> (i32, i32) {
    %c0_i32 = arith.constant 0 : i32
    %c0_i32_0 = arith.constant 0 : i32
    %c0_i32_1 = arith.constant 0 : i32
    return %c0_i32, %c0_i32_0 : i32, i32
  }
  func.func @transform_7(%arg0: i32) -> (i32, i32) {
    %c0_i32 = arith.constant 0 : i32
    %c0_i32_0 = arith.constant 0 : i32
    %c0_i32_1 = arith.constant 0 : i32
    return %c0_i32, %c0_i32_0 : i32, i32
  }
  func.func @transform_9(%arg0: i32) -> (i32, i32) {
    %add3A = arith.constant 12 : i32
    %add3A_0 = arith.addi %arg0, %add3A : i32
    %c0_i32 = arith.constant 0 : i32
    %c0_i32_1 = arith.constant 0 : i32
    return %add3A_0, %c0_i32 : i32, i32
  }
}

module attributes {stable_mosaic.version = 14 : i64} {
  func.func @_tc_body_alias(%arg0: i32, %arg1: memref<1024x768xf32, #tpu.memory_space<vmem>>, %arg2: memref<1024x768xbf16, #tpu.memory_space<vmem>>, %arg3: memref<1x1x1024xf32, #tpu.memory_space<vmem>>, %arg4: memref<2x768xf32, #tpu.memory_space<vmem>>, %arg5: memref<1x768xf32, #tpu.memory_space<vmem>>, %arg6: memref<1x768xf32, #tpu.memory_space<vmem>>, %arg7: memref<768x768xbf16, #tpu.memory_space<vmem>>, %arg8: memref<1x768xf32, #tpu.memory_space<vmem>>, %arg9: memref<32768x768xf32, #tpu.memory_space<any>>, %arg10: memref<1024x768xf32, #tpu.memory_space<vmem>>) attributes {dimension_semantics = [#tpu.dimension_semantics<arbitrary>], iteration_bounds = array<i64: 10>, scalar_prefetch = 0 : i64, scratch_operands = 0 : i64, tpu.core_type = #tpu.core_type<tc>, window_params = [{transform_indices = @transform_0, window_bounds = array<i64: 1024, 768>}, {pipeline_mode = #tpu.pipeline_mode<synchronous>, transform_indices = @transform_1, window_bounds = array<i64: 1024, 768>}, {transform_indices = @transform_2, window_bounds = array<i64: 1, 1, 1024>}, {pipeline_mode = #tpu.pipeline_mode<synchronous>, transform_indices = @transform_3, window_bounds = array<i64: 2, 768>}, {pipeline_mode = #tpu.pipeline_mode<synchronous>, transform_indices = @transform_4, window_bounds = array<i64: 1, 768>}, {pipeline_mode = #tpu.pipeline_mode<synchronous>, transform_indices = @transform_5, window_bounds = array<i64: 1, 768>}, {pipeline_mode = #tpu.pipeline_mode<synchronous>, transform_indices = @transform_6, window_bounds = array<i64: 768, 768>}, {pipeline_mode = #tpu.pipeline_mode<synchronous>, transform_indices = @transform_7, window_bounds = array<i64: 1, 768>}, {}, {transform_indices = @transform_9, window_bounds = array<i64: 1024, 768>}]} {
    %get3A = arith.constant 0 : index
    %get3A_0 = arith.constant 0 : index
    %get3A_1 = vector.load %arg4[%get3A, %get3A_0] : memref<2x768xf32, #tpu.memory_space<vmem>>, vector<1x768xf32>
    %get3A_2 = vector.shape_cast %get3A_1 : vector<1x768xf32> to vector<768xf32>
    %broadcast_in_dim3A = vector.shape_cast %get3A_2 : vector<768xf32> to vector<1x768xf32>
    %get3A_3 = arith.constant 1 : index
    %get3A_4 = arith.constant 0 : index
    %get3A_5 = vector.load %arg4[%get3A_3, %get3A_4] : memref<2x768xf32, #tpu.memory_space<vmem>>, vector<1x768xf32>
    %get3A_6 = vector.shape_cast %get3A_5 : vector<1x768xf32> to vector<768xf32>
    %broadcast_in_dim3A_7 = vector.shape_cast %get3A_6 : vector<768xf32> to vector<1x768xf32>
    %get3A_8 = arith.constant 0 : index
    %get3A_9 = arith.constant 0 : index
    %get3A_10 = arith.constant 0 : index
    %get3A_11 = vector.load %arg3[%get3A_8, %get3A_9, %get3A_10] : memref<1x1x1024xf32, #tpu.memory_space<vmem>>, vector<1x1x1024xf32>
    %get3A_12 = vector.shape_cast %get3A_11 : vector<1x1x1024xf32> to vector<1024xf32>
    %broadcast_in_dim3A_13 = vector.shape_cast %get3A_12 : vector<1024xf32> to vector<1024x1xf32>
    %get3A_14 = arith.constant 0 : index
    %get3A_15 = arith.constant 0 : index
    %get3A_16 = vector.load %arg1[%get3A_14, %get3A_15] : memref<1024x768xf32, #tpu.memory_space<vmem>>, vector<1024x768xf32>
    %get3A_17 = arith.constant 0 : index
    %get3A_18 = arith.constant 0 : index
    %get3A_19 = vector.load %arg2[%get3A_17, %get3A_18] : memref<1024x768xbf16, #tpu.memory_space<vmem>>, vector<1024x768xbf16>
    %convert_element_type3A = arith.extf %get3A_19 : vector<1024x768xbf16> to vector<1024x768xf32>
    %add3A = arith.addf %get3A_16, %convert_element_type3A : vector<1024x768xf32>
    %sub3A = arith.subf %broadcast_in_dim3A_7, %broadcast_in_dim3A : vector<1x768xf32>
    %mul3A = vector.broadcast %broadcast_in_dim3A_13 : vector<1024x1xf32> to vector<1024x768xf32>
    %mul3A_20 = vector.broadcast %sub3A : vector<1x768xf32> to vector<1024x768xf32>
    %mul3A_21 = arith.mulf %mul3A, %mul3A_20 : vector<1024x768xf32>
    %add3A_22 = vector.broadcast %broadcast_in_dim3A : vector<1x768xf32> to vector<1024x768xf32>
    %add3A_23 = arith.addf %add3A_22, %mul3A_21 : vector<1024x768xf32>
    %add3A_24 = arith.addf %add3A, %add3A_23 : vector<1024x768xf32>
    %reduce_sum3A = arith.constant dense<0.000000e+00> : vector<1024xf32>
    %reduce_sum3A_25 = vector.multi_reduction <add>, %add3A_24, %reduce_sum3A [1] : vector<1024x768xf32> to vector<1024xf32>
    %broadcast_in_dim3A_26 = vector.shape_cast %reduce_sum3A_25 : vector<1024xf32> to vector<1024x1xf32>
    %div3A = arith.constant 7.680000e+02 : f32
    %div3A_27 = vector.broadcast %div3A : f32 to vector<1024x1xf32>
    %div3A_28 = arith.divf %broadcast_in_dim3A_26, %div3A_27 : vector<1024x1xf32>
    %sub3A_29 = vector.broadcast %div3A_28 : vector<1024x1xf32> to vector<1024x768xf32>
    %sub3A_30 = arith.subf %add3A_24, %sub3A_29 : vector<1024x768xf32>
    %mul3A_31 = arith.mulf %sub3A_30, %sub3A_30 : vector<1024x768xf32>
    %reduce_sum3A_32 = arith.constant dense<0.000000e+00> : vector<1024xf32>
    %reduce_sum3A_33 = vector.multi_reduction <add>, %mul3A_31, %reduce_sum3A_32 [1] : vector<1024x768xf32> to vector<1024xf32>
    %broadcast_in_dim3A_34 = vector.shape_cast %reduce_sum3A_33 : vector<1024xf32> to vector<1024x1xf32>
    %div3A_35 = arith.constant 7.680000e+02 : f32
    %div3A_36 = vector.broadcast %div3A_35 : f32 to vector<1024x1xf32>
    %div3A_37 = arith.divf %broadcast_in_dim3A_34, %div3A_36 : vector<1024x1xf32>
    %add3A_38 = arith.constant 9.99999996E-13 : f32
    %add3A_39 = vector.broadcast %add3A_38 : f32 to vector<1024x1xf32>
    %add3A_40 = arith.addf %div3A_37, %add3A_39 : vector<1024x1xf32>
    %rsqrt3A = math.rsqrt %add3A_40 : vector<1024x1xf32>
    %mul3A_41 = vector.broadcast %rsqrt3A : vector<1024x1xf32> to vector<1024x768xf32>
    %mul3A_42 = arith.mulf %sub3A_30, %mul3A_41 : vector<1024x768xf32>
    %get3A_43 = arith.constant 0 : index
    %get3A_44 = arith.constant 0 : index
    %get3A_45 = vector.load %arg5[%get3A_43, %get3A_44] : memref<1x768xf32, #tpu.memory_space<vmem>>, vector<1x768xf32>
    %get3A_46 = vector.shape_cast %get3A_45 : vector<1x768xf32> to vector<768xf32>
    %broadcast_in_dim3A_47 = vector.shape_cast %get3A_46 : vector<768xf32> to vector<1x768xf32>
    %mul3A_48 = vector.broadcast %broadcast_in_dim3A_47 : vector<1x768xf32> to vector<1024x768xf32>
    %mul3A_49 = arith.mulf %mul3A_42, %mul3A_48 : vector<1024x768xf32>
    %get3A_50 = arith.constant 0 : index
    %get3A_51 = arith.constant 0 : index
    %get3A_52 = vector.load %arg6[%get3A_50, %get3A_51] : memref<1x768xf32, #tpu.memory_space<vmem>>, vector<1x768xf32>
    %get3A_53 = vector.shape_cast %get3A_52 : vector<1x768xf32> to vector<768xf32>
    %broadcast_in_dim3A_54 = vector.shape_cast %get3A_53 : vector<768xf32> to vector<1x768xf32>
    %add3A_55 = vector.broadcast %broadcast_in_dim3A_54 : vector<1x768xf32> to vector<1024x768xf32>
    %add3A_56 = arith.addf %mul3A_49, %add3A_55 : vector<1024x768xf32>
    %convert_element_type3A_57 = arith.truncf %add3A_56 : vector<1024x768xf32> to vector<1024x768xbf16>
    %get3A_58 = arith.constant 0 : index
    %get3A_59 = arith.constant 0 : index
    %get3A_60 = vector.load %arg7[%get3A_58, %get3A_59] : memref<768x768xbf16, #tpu.memory_space<vmem>>, vector<768x768xbf16>
    %dot_general3A = arith.constant dense<0.000000e+00> : vector<1024x768xf32>
    %dot_general3A_61 = tpu.matmul %convert_element_type3A_57, %get3A_60, %dot_general3A {dimension_numbers = #tpu.dot_dimension_numbers<[1], [0], [0], [1], [0, 0, 1, 1], [], []>, transpose_lhs_hint = false} : vector<1024x768xbf16>, vector<768x768xbf16>, vector<1024x768xf32> -> vector<1024x768xf32>
    %get3A_62 = arith.constant 0 : index
    %get3A_63 = arith.constant 0 : index
    %get3A_64 = vector.load %arg8[%get3A_62, %get3A_63] : memref<1x768xf32, #tpu.memory_space<vmem>>, vector<1x768xf32>
    %get3A_65 = vector.shape_cast %get3A_64 : vector<1x768xf32> to vector<768xf32>
    %broadcast_in_dim3A_66 = vector.shape_cast %get3A_65 : vector<768xf32> to vector<1x768xf32>
    %add3A_67 = vector.broadcast %broadcast_in_dim3A_66 : vector<1x768xf32> to vector<1024x768xf32>
    %add3A_68 = arith.addf %dot_general3A_61, %add3A_67 : vector<1024x768xf32>
    %swap3A = arith.constant 0 : index
    %swap3A_69 = arith.constant 0 : index
    %swap3A_70 = vector.load %arg10[%swap3A, %swap3A_69] : memref<1024x768xf32, #tpu.memory_space<vmem>>, vector<1024x768xf32>
    tpu.vector_store %arg10[%swap3A, %swap3A_69], %add3A_68 {strides = array<i32>} : memref<1024x768xf32, #tpu.memory_space<vmem>>, vector<1024x768xf32>,
    return
  }
  func.func @transform_0(%arg0: i32) -> (i32, i32) {
    %c0_i32 = arith.constant 0 : i32
    %c0_i32_0 = arith.constant 0 : i32
    return %arg0, %c0_i32 : i32, i32
  }
  func.func @transform_1(%arg0: i32) -> (i32, i32) {
    %c0_i32 = arith.constant 0 : i32
    %c0_i32_0 = arith.constant 0 : i32
    %c0_i32_1 = arith.constant 0 : i32
    return %c0_i32, %c0_i32_0 : i32, i32
  }
  func.func @transform_2(%arg0: i32) -> (i32, i32, i32) {
    %c0_i32 = arith.constant 0 : i32
    %c0_i32_0 = arith.constant 0 : i32
    %c0_i32_1 = arith.constant 0 : i32
    return %arg0, %c0_i32, %c0_i32_0 : i32, i32, i32
  }
  func.func @transform_3(%arg0: i32) -> (i32, i32) {
    %c0_i32 = arith.constant 0 : i32
    %c0_i32_0 = arith.constant 0 : i32
    %c0_i32_1 = arith.constant 0 : i32
    return %c0_i32, %c0_i32_0 : i32, i32
  }
  func.func @transform_4(%arg0: i32) -> (i32, i32) {
    %c0_i32 = arith.constant 0 : i32
    %c0_i32_0 = arith.constant 0 : i32
    %c0_i32_1 = arith.constant 0 : i32
    return %c0_i32, %c0_i32_0 : i32, i32
  }
  func.func @transform_5(%arg0: i32) -> (i32, i32) {
    %c0_i32 = arith.constant 0 : i32
    %c0_i32_0 = arith.constant 0 : i32
    %c0_i32_1 = arith.constant 0 : i32
    return %c0_i32, %c0_i32_0 : i32, i32
  }
  func.func @transform_6(%arg0: i32) -> (i32, i32) {
    %c0_i32 = arith.constant 0 : i32
    %c0_i32_0 = arith.constant 0 : i32
    %c0_i32_1 = arith.constant 0 : i32
    return %c0_i32, %c0_i32_0 : i32, i32
  }
  func.func @transform_7(%arg0: i32) -> (i32, i32) {
    %c0_i32 = arith.constant 0 : i32
    %c0_i32_0 = arith.constant 0 : i32
    %c0_i32_1 = arith.constant 0 : i32
    return %c0_i32, %c0_i32_0 : i32, i32
  }
  func.func @transform_9(%arg0: i32) -> (i32, i32) {
    %add3A = arith.constant 22 : i32
    %add3A_0 = arith.addi %arg0, %add3A : i32
    %c0_i32 = arith.constant 0 : i32
    %c0_i32_1 = arith.constant 0 : i32
    return %add3A_0, %c0_i32 : i32, i32
  }
}

</mosaic_0001>

<sc_bundles>
// kernel: kernel.10.cloned.1.call-start
scs
__scs_entry_jumppad:
0x0: {  	(pc) =	sbr.rel $0x88, $3  }
0x1: {  	(tag) =	ssettag $0x0;
	lr =	simm.s32 $0x1  }
0x2: {  	[smem:$0x3F98] =	sst lr;
	_ =	strace $0xD0000000  }
0x3: {  	_ = 	snop  }
0x4: {  	_ = 	snop  }
0x5: {  	_ = 	snop  }
0x6: {  	_ = 	snop  }
0x7: {  	_ = 	snop  }
__scs_overlays_trampoline_lowered:
0x8: {  	[smem:$0x3FA7] =	sst s0  }
0x9: {  	[smem:$0x3FA8] =	sst s1  }
0xa: {  	[smem:$0x3FA9] =	sst s2  }
0xb: {  	[smem:$0x3FAA] =	sst s3  }
0xc: {  	[smem:$0x3FAB] =	sst s4  }
0xd: {  	[smem:$0x3FAC] =	sst s5  }
0xe: {  	[smem:$0x3FAD] =	sst s6  }
0xf: {  	[smem:$0x3FAE] =	sst s7  }
0x10: {  	[smem:$0x3FAF] =	sst s8  }
0x11: {  	[smem:$0x3FB0] =	sst s9;
	s0 =	simm.s32 @!p0 $0x0  }
0x12: {  	s1 =	sld [smem:$0x3F96];
	s0 =	simm.s32 @p0 $0x1  }
0x13: {  	[smem:$0x3FB1] =	sst s0;
	s0 =	simm.s32 @!p1 $0x0  }
0x14: {  	s2 =	sld [smem:$0x3F95];
	s0 =	simm.s32 @p1 $0x1  }
0x15: {  	[smem:$0x3FB2] =	sst s0;
	s0 =	simm.s32 @!p2 $0x0  }
0x16: {  	s3 =	sld [smem:$0x3FDB];
	s0 =	simm.s32 @p2 $0x1  }
0x17: {  	s4 =	simm.s32 $0x1BF5;
	[smem:$0x3FB4] =	sst s0  }
0x18: {  	s0 =	sld [smem:$0x3F97];
	_ =	swait.ge [sflag:s4], $0x0  }
0x19: {  	s7 =	sld [smem:$0x3F98]  }
0x1a: {  	s8 =	sadd.s32 $0xFFFFE003, lr  }
0x1b: {  	s9 =	sadd.s32 $0xFFFFFEF7, lr;
	s5 =	simm.s32 $0xFFFFFFFF;
	p2 =	slt.u32 s8, $0xFFFFF086  }
0x1c: {  	p1 =	slt.u32 s9, $0xF7A;
	s5 =	simm.s32 @!p2 $0x0  }
0x1d: {  	s5 =	simm.s32 @p1 $0x1;
	p0 =	seq.s32 s7, s2  }
0x1e: {  	s7 =	smul.u32 @!p0 $0xF7A, s2;
	p2 =	seq.s32 @!p0 s5, $0x0  }
0x1f: {  	s9 =	smul.u32 $0xF7A, s1;
	s8 =	simm.s32 @!p0 $0x1BF5;
	p2 =	por !p2, p0  }
0x20: {  	[sflag:s8] =	ssyncset.s32 @!p0 $0xFFFFF086;
	s6 =	sadd.s32 @!p0 s3, s7;
	s7 =	simm.s32 @!p0 $0x108  }
0x21: {  	s3 =	sadd.s32 s3, s9;
	s6 =	sadd.s32 @!p0 $0x88, s6;
	s7 =	simm.s32 @p2 $0x1082  }
0x22: {  	[simem:s7], [sflag:s8] =	dma.local @!p0 [hbm:s6], $0xF7A  }
0x23: {  	s9 =	sor.u32 $0xD0000000, s2;
	s6 =	simm.s32 $0x108;
	_ =	swait.ge @!p0 [sflag:s8], $0x0  }
0x24: {  	s3 =	sadd.s32 $0x88, s3;
	s6 =	simm.s32 @!p1 $0x1082;
	[sflag:s4] =	ssyncset.s32 $0xFFFFF086  }
0x25: {  	[simem:s6], [sflag:s4] =	dma.local [hbm:s3], $0xF7A  }
0x26: {  	[smem:$0x3F98] =	sst s1;
	(tag) =	ssettag s2;
	_ =	strace s9  }
0x27: {  	s1 =	sld [smem:$0x3FA8]  }
0x28: {  	s2 =	sld [smem:$0x3FA9]  }
0x29: {  	s4 =	sld [smem:$0x3FAB]  }
0x2a: {  	p0 =	seq.s32 s5, $0x0;
	s5 =	sld [smem:$0x3FAC]  }
0x2b: {  	s6 =	sld [smem:$0x3FAD]  }
0x2c: {  	s7 =	sld [smem:$0x3FAE]  }
0x2d: {  	s3 =	simm.s32 $0x108;
	s8 =	sld [smem:$0x3FAF]  }
0x2e: {  	s3 =	simm.s32 @!p0 $0x1082;
	s9 =	sld [smem:$0x3FB0]  }
0x2f: {  	lr =	sadd.s32 s0, s3;
	s0 =	sld [smem:$0x3FA7]  }
0x30: {  	s3 =	sld [smem:$0x3FAA]  }
0x31: {  	[smem:$0x3FB3] =	sst s10  }
0x32: {  	s10 =	sld [smem:$0x3FB1];
	_ =	sdelay $0x3  }
0x33: {  	p0 =	seq.s32 s10, $0x1;
	s10 =	sld [smem:$0x3FB3];
	_ =	sdelay $0x3  }
0x34: {  	[smem:$0x3FB3] =	sst s10  }
0x35: {  	s10 =	sld [smem:$0x3FB2];
	_ =	sdelay $0x3  }
0x36: {  	p1 =	seq.s32 s10, $0x1;
	s10 =	sld [smem:$0x3FB3];
	_ =	sdelay $0x3  }
0x37: {  	[smem:$0x3FB3] =	sst s10  }
0x38: {  	s10 =	sld [smem:$0x3FB4]  }
0x39: {  	_ = 	snop;
	(pc) =	sbr.ind lr, $3  }
0x3a: {  	_ = 	snop  }
0x3b: {  	_ = 	snop  }
0x3c: {  	p2 =	seq.s32 s10, $0x1;
	s10 =	sld [smem:$0x3FB3]  }
0x3d: {  	_ =	shalt  }
0x3e: {  	_ =	shalt  }
0x3f: {  	_ =	shalt  }
0x40: {  	_ =	shalt  }
0x41: {  	_ =	shalt  }
0x42: {  	_ =	shalt  }
0x43: {  	_ =	shalt  }
0x44: {  	_ =	shalt  }
0x45: {  	_ =	shalt  }
0x46: {  	_ =	shalt  }
0x47: {  	_ =	shalt  }
0x48: {  	_ =	shalt  }
0x49: {  	_ =	shalt  }
0x4a: {  	_ =	shalt  }
0x4b: {  	_ =	shalt  }
0x4c: {  	_ =	shalt  }
0x4d: {  	_ =	shalt  }
0x4e: {  	_ =	shalt  }
0x4f: {  	_ =	shalt  }
0x50: {  	_ =	shalt  }
0x51: {  	_ =	shalt  }
0x52: {  	_ =	shalt  }
0x53: {  	_ =	shalt  }
0x54: {  	_ =	shalt  }
0x55: {  	_ =	shalt  }
0x56: {  	_ =	shalt  }
0x57: {  	_ =	shalt  }
0x58: {  	_ =	shalt  }
0x59: {  	_ =	shalt  }
0x5a: {  	_ =	shalt  }
0x5b: {  	_ =	shalt  }
0x5c: {  	_ =	shalt  }
0x5d: {  	_ =	shalt  }
0x5e: {  	_ =	shalt  }
0x5f: {  	_ =	shalt  }
0x60: {  	_ =	shalt  }
0x61: {  	_ =	shalt  }
0x62: {  	_ =	shalt  }
0x63: {  	_ =	shalt  }
0x64: {  	_ =	shalt  }
0x65: {  	_ =	shalt  }
0x66: {  	_ =	shalt  }
0x67: {  	_ =	shalt  }
0x68: {  	_ =	shalt  }
0x69: {  	_ =	shalt  }
0x6a: {  	_ =	shalt  }
0x6b: {  	_ =	shalt  }
0x6c: {  	_ =	shalt  }
0x6d: {  	_ =	shalt  }
0x6e: {  	_ =	shalt  }
0x6f: {  	_ =	shalt  }
0x70: {  	_ =	shalt  }
0x71: {  	_ =	shalt  }
0x72: {  	_ =	shalt  }
0x73: {  	_ =	shalt  }
0x74: {  	_ =	shalt  }
0x75: {  	_ =	shalt  }
0x76: {  	_ =	shalt  }
0x77: {  	_ =	shalt  }
0x78: {  	_ =	shalt  }
0x79: {  	_ =	shalt  }
0x7a: {  	_ =	shalt  }
0x7b: {  	_ =	shalt  }
0x7c: {  	_ =	shalt  }
0x7d: {  	_ =	shalt  }
0x7e: {  	_ =	shalt  }
0x7f: {  	_ =	shalt  }
0x80: {  	_ =	shalt  }
0x81: {  	_ =	shalt  }
0x82: {  	_ =	shalt  }
0x83: {  	_ =	shalt  }
0x84: {  	_ =	shalt  }
0x85: {  	_ =	shalt  }
0x86: {  	_ =	shalt  }
0x87: {  	_ =	shalt  }
.Lfunc_end0:
.L_simem_size_0:
called_computation_lowered:
.L_overlay_start_0:
0x88: {  	s2 =	sld [smem:$0x3FD9]  }
0x89: {  	s3 =	sld [smem:$0x3FFE];
	_ =	sdelay $0x1  }
0x8a: {  	s1 =	srdreg.scid  }
0x8b: {  	s0 =	sand.u32 $0x1, s1  }
0x8c: {  	s17 =	sshll.u32 s0, $0xA;
	s2 =	sadd.s32 s3, s2  }
0x8d: {  	s2 =	sadd.s32 s2, s17  }
0x8e: {  	[smem:$0x3FBF] =	sst s2  }
0x8f: {  	_ = 	snop  }
0x90: {  	s2 =	sld [smem:$0x3FC7]  }
0x91: {  	s18 =	sld [smem:$0x3FD0];
	(tm) =	ssettm $0x1  }
0x92: {  	s4 =	sld [smem:$0x3FFB];
	_ =	sdelay $0x3  }
0x93: {  	_ =	strace s4  }
0x94: {  	s4 =	sld [smem:$0x3FFC];
	_ =	sdelay $0x3  }
0x95: {  	_ =	strace s4  }
0x96: {  	s4 =	sld [smem:$0x3FFD];
	_ =	sdelay $0x3  }
0x97: {  	_ =	strace s4  }
0x98: {  	_ =	strace $0x8FFFFFFF  }
0x99: {  	s19 =	sld [smem:$0x3FDB];
	_ =	sdelay $0x1  }
0x9a: {  	s5 =	simm.s32 $_scs_section_size  }
0x9b: {  	s6 =	simm.s32 $_size__tile_overlayer_lowered;
	s7 =	simm.s32 $_tile_overlayer_lowered  }
0x9c: {  	s22 =	simm.s32 $0x1BFF;
	s21 =	sshll.u32 s7, $0x1;
	s4 =	sadd.s32 s5, s19  }
0x9d: {  	s8 =	simm.s32 $0x0;
	s20 =	sshll.u32 s6, $0x1;
	s6 =	sadd.s32 s21, s4  }
0x9e: {  	[timem:s8], [sflag:s22] =	dma.local [hbm:s6], s20  }
0x9f: {  	_ =	swait.ge [sflag:s22], s20  }
0xa0: {  	s5 =	ssub.s32 $0x0, s20;
	[sflag:s22] =	ssyncset.done $0x0  }
0xa1: {  	[sflag:s22] =	ssyncadd.s32 s5;
	_ =	sdelay $0x1  }
0xa2: {  	s23 =	simm.s32 $0x1B8B  }
0xa3: {  	_ =	swait.ge [sflag:s23], $0x1  }
0xa4: {  	[sflag:s23] =	ssyncset.done $0x0  }
0xa5: {  	s25 =	simm.s32 $0x1B8E;
	s24 =	sld [smem:$0x3FFE];
	[sflag:s23] =	ssyncadd.s32 $0xFFFFFFFF  }
0xa6: {  	s26 =	simm.s32 $execute0_lowered;
	[smem:$0x3FD2] =	sst s25  }
0xa7: {  	s6 =	sshll.u32 s26, $0x1;
	_ =	strace $0x80000046;
	[dreg:$0x1] =	wrdreg $0xFFFFFFFF  }
0xa8: {  	s28 =	simm.s32 $_size_execute0_lowered;
	s4 =	sadd.s32 s4, s6;
	[dreg:$0x0] =	wrdreg $0x0  }
0xa9: {  	s6 =	sshll.u32 s28, $0x1;
	[dreg:$0x2] =	wrdreg s4  }
0xaa: {  	[dreg:$0x3] =	wrdreg s6  }
0xab: {  	[dreg:$0x4] =	wrdreg $0xC0  }
0xac: {  	_ =	task [dreg:s8], $0x5FFFF  }
0xad: {  	[dreg:$0x1] =	wrdreg $0xFFFFFFFF  }
0xae: {  	[dreg:$0x0] =	wrdreg $0x60  }
0xaf: {  	[dreg:$0x2] =	wrdreg s24  }
0xb0: {  	[dreg:$0x3] =	wrdreg s2  }
0xb1: {  	[dreg:$0x4] =	wrdreg s18  }
0xb2: {  	[dreg:$0x5] =	wrdreg $0x9  }
0xb3: {  	_ =	task.clear_ibuf [dreg:s8], $0x6FFFF;
	_ =	strace $0x90000046  }
0xb4: {  	s29 =	simm.s32 $0x9;
	_ =	strace $0x80000048  }
0xb5: {  	_ =	swait.ge [sflag:s29], $0x1  }
0xb6: {  	[sflag:s29] =	ssyncadd.s32 $0xFFFFFFFF  }
0xb7: {  	_ =	strace $0x90000048  }
0xb8: {  	_ =	sfence  }
0xb9: {  	s30 =	sld [smem:$0x0];
	_ =	sdelay $0x2  }
0xba: {  	s31 =	sshll.u32 s1, $0xD;
	s1 =	sshrl.u32 s1, $0x2  }
0xbb: {  	s3 =	sand.u32 $0x4000, s31;
	s1 =	sadd.s32 s1, s30  }
0xbc: {  	s0 =	sor.u32 s3, s0;
	s1 =	sshll.u32 s1, $0x11  }
0xbd: {  	s0 =	sor.u32 s1, s0  }
0xbe: {  	s0 =	sadd.s32 $0x8F2B, s0  }
0xbf: {  	[sflag:s0] =	ssyncadd.remote.s32 $0x1  }
0xc0: {  	_ =	sfence.sel $0xFFFF  }
0xc1: {  	[dreg:$0x0] =	wrdreg $0xFFFFFFFF;
	(pc) =	sbr.abs _section_cstart, $3  }
0xc2: {  	[dreg:$0x1] =	wrdreg $0xFFFFFFFF  }
0xc3: {  	_ =	task.clear_ibuf [dreg:s8], $0x2FFFF;
	_ =	strace $0x9FFFFFFF  }
0xc4: {  	(tm) =	ssettm $0x7FFFFFFF  }
0xc5: {  	_ =	shalt  }
tec
execute0_lowered:
.L_overlay_start_1:
0x0: {  	(tag) =	ssettag $0x1  }
0x1: {  	s1 =	srdreg.scid  }
0x2: {  	s4 =	rddreg [dreg:$0x0];
	s0 =	stileid.u32;
	s1 =	sand.u32 $0x1, s1  }
0x3: {  	s2 =	rddreg [dreg:$0x1];
	s3 =	sshll.u32 s0, $0x5;
	s5 =	sshll.u32 s1, $0x4  }
0x4: {  	s6 =	rddreg [dreg:$0x2];
	s5 =	sor.u32 s5, s3;
	s3 =	simm.s32 $0x0  }
0x5: {  	s23 =	simm.s32 $0x880;
	[smem:$0x7FF] =	sst s3  }
0x6: {  	s24 =	simm.s32 $0x1080;
	_ =	strace $0x80000047;
	[dreg:$0x7] =	wrdreg s23  }
0x7: {  	s25 =	simm.s32 $0x1880;
	[dreg:$0x8] =	wrdreg s24  }
0x8: {  	s26 =	simm.s32 $0x2080;
	[dreg:$0x9] =	wrdreg s25  }
0x9: {  	s0 =	simm.s32 $0x2880;
	[dreg:$0xa] =	wrdreg s26  }
0xa: {  	s8 =	simm.s32 $0x4880;
	s9 =	simm.s32 $0x5080;
	[dreg:$0xb] =	wrdreg s0  }
0xb: {  	s10 =	simm.s32 $0x5880;
	s11 =	simm.s32 $0x6080;
	[dreg:$0xf] =	wrdreg s8  }
0xc: {  	s12 =	simm.s32 $0x6880;
	s13 =	simm.s32 $0x7080;
	[dreg:$0x10] =	wrdreg s9  }
0xd: {  	s14 =	simm.s32 $0x7880;
	s15 =	simm.s32 $0x8080;
	[dreg:$0x11] =	wrdreg s10  }
0xe: {  	s16 =	simm.s32 $0x8880;
	s17 =	simm.s32 $0x9080;
	[dreg:$0x12] =	wrdreg s11  }
0xf: {  	s18 =	simm.s32 $0x9880;
	s28 =	simm.s32 $0x16880;
	[dreg:$0x13] =	wrdreg s12  }
0x10: {  	s29 =	simm.s32 $0x17080;
	s30 =	simm.s32 $0x17880;
	[dreg:$0x14] =	wrdreg s13  }
0x11: {  	s31 =	simm.s32 $0x1;
	s1 =	ssub.s32 $0x2, s1;
	[dreg:$0x15] =	wrdreg s14  }
0x12: {  	s19 =	sshrl.u32 s1, $0x1;
	s7 =	smul.u32 $0x1800, s5;
	[dreg:$0x16] =	wrdreg s15  }
0x13: {  	s4 =	sadd.s32 s5, s4;
	s5 =	smul.u32 $0x300, s5;
	[dreg:$0x17] =	wrdreg s16  }
0x14: {  	s1 =	ssub.s32 s1, s19;
	s19 =	simm.s32 $0x12880;
	[dreg:$0x18] =	wrdreg s17  }
0x15: {  	s4 =	sadd.s32 $0x2800, s4;
	[dreg:$0x19] =	wrdreg s18;
	s23 =	simm.s32 $0xB880  }
0x16: {  	s24 =	simm.s32 $0xC880;
	s25 =	simm.s32 $0xD080;
	s8 =	simm.s32 $0x80  }
0x17: {  	s26 =	simm.s32 $0xD880;
	s9 =	simm.s32 $0xC080;
	s11 =	simm.s32 $0xE880  }
0x18: {  	s12 =	simm.s32 $0xF080;
	s13 =	simm.s32 $0xF880;
	s14 =	simm.s32 $0x10080  }
0x19: {  	s15 =	simm.s32 $0x10880;
	s16 =	simm.s32 $0x11080;
	[dreg:$0x4] =	wrdreg s4  }
0x1a: {  	s17 =	simm.s32 $0x11880;
	s18 =	simm.s32 $0x12080;
	[dreg:$0x1d] =	wrdreg s23  }
0x1b: {  	s7 =	sshrl.u32 s7, $0x3;
	s20 =	sadd.s32 s6, s5;
	[dreg:$0x1e] =	wrdreg s24  }
0x1c: {  	s5 =	simm.s32 $0x3080;
	s4 =	sadd.s32 $0x100, s2;
	[dreg:$0x1f] =	wrdreg s25  }
0x1d: {  	[smem:$0x7FD] =	sst s26;
	s23 =	simm.s32 $0x14880;
	s24 =	simm.s32 $0x15080  }
0x1e: {  	s25 =	simm.s32 $0x15880;
	s26 =	simm.s32 $0x16080;
	[dreg:$0x5] =	wrdreg s20  }
0x1f: {  	s21 =	sadd.s32 s6, s7;
	[dreg:$0xc] =	wrdreg s5;
	s6 =	simm.s32 $0x3880  }
0x20: {  	s7 =	simm.s32 $0x4080;
	s20 =	simm.s32 $0xA080;
	[dreg:$0xd] =	wrdreg s6  }
0x21: {  	s5 =	sadd.s32 $0x200, s2;
	s22 =	sadd.s32 $0x1800, s21;
	[dreg:$0xe] =	wrdreg s7  }
0x22: {  	[dreg:$0x1a] =	wrdreg s20;
	s21 =	simm.s32 $0xA880;
	s6 =	smax.u32 s1, $0x1  }
0x23: {  	v2 =	vlaneseq.u32;
	s7 =	simm.s32 $0x3;
	s20 =	simm.s32 $0x13080;
	[dreg:$0x6] =	wrdreg s22  }
0x24: {  	vm0 =	vmmov $0xffff;
	v1 =	vshrl.u32 v2, $0x3;
	s1 =	simm.s32 $0x2;
	[dreg:$0x1b] =	wrdreg s21;
	s22 =	simm.s32 $0xB080  }
0x25: {  	v0 =	vand.u32 $0x7, v2;
	v2 =	vor.u32 $0x8, v2;
	v1 =	vmul.u32 $0x8, v1;
	s21 =	simm.s32 $0x13880;
	[dreg:$0x1c] =	wrdreg s22;
	s22 =	simm.s32 $0x14080  }
.LBB2_1:
0x26: {  	s0 =	rddreg [dreg:$0x4]  }
0x27: {  	[tilespmem:s3], [sflag:$0x3] =	stream.linear.gather [hbm4b:s0+s3], $0x80, $0x38;
	[tilespmem:$0x18080] =	vst v63  }
0x28: {  	_ =	swait.ge [sflag:s7], $0x80  }
0x29: {  	[sflag:s7] =	ssyncset.done $0x0  }
0x2a: {  	[sflag:s7] =	ssyncadd.s32 $0xFFFFFF80  }
0x2b: {  	v3 =	vld [tilespmem:$0x0];
	_ =	sdelay $0x4  }
0x2c: {  	v4 =	vshrl.u32 v3, $0x3  }
0x2d: {  	v4 =	vmul.u32 $0x30, v4  }
0x2e: {  	v3 =	vand.u32 $0x7, v3  }
0x2f: {  	v3 =	vor.u32 v3, v4  }
0x30: {  	v4 =	vperm.xlane v3, v0;
	_ =	sdelay $0x1  }
0x31: {  	v4 =	vadd.s32 v1, v4;
	_ =	sdelay $0x3  }
0x32: {  	v3 =	vperm.xlane v3, v2  }
0x33: {  	[tilespmem:s8], [sflag:$0x1] =	stream.indirect_vreg.gather [hbm4b:s2+s3], $0x80, v4, vm0, $0xb8;
	[tilespmem:$0x18080] =	vst v63  }
0x34: {  	s0 =	rddreg [dreg:$0x7];
	v3 =	vadd.s32 v1, v3  }
0x35: {  	[tilespmem:s0], [sflag:$0x1] =	stream.indirect_vreg.gather [hbm4b:s4+s3], $0x80, v4, vm0, $0xb8;
	[tilespmem:$0x18080] =	vst v63  }
0x36: {  	s10 =	rddreg [dreg:$0x8]  }
0x37: {  	[tilespmem:s10], [sflag:$0x1] =	stream.indirect_vreg.gather [hbm4b:s5+s3], $0x80, v4, vm0, $0xb8;
	[tilespmem:$0x18080] =	vst v63  }
0x38: {  	s0 =	rddreg [dreg:$0x9]  }
0x39: {  	[tilespmem:s0], [sflag:$0x1] =	stream.indirect_vreg.gather [hbm4b:s2+s3], $0x80, v3, vm0, $0xb8;
	[tilespmem:$0x18080] =	vst v63  }
0x3a: {  	s10 =	rddreg [dreg:$0xa]  }
0x3b: {  	[tilespmem:s10], [sflag:$0x1] =	stream.indirect_vreg.gather [hbm4b:s4+s3], $0x80, v3, vm0, $0xb8;
	[tilespmem:$0x18080] =	vst v63  }
0x3c: {  	s0 =	rddreg [dreg:$0xb]  }
0x3d: {  	[tilespmem:s0], [sflag:$0x1] =	stream.indirect_vreg.gather [hbm4b:s5+s3], $0x80, v3, vm0, $0xb8;
	[tilespmem:$0x18080] =	vst v63  }
0x3e: {  	v3 =	vld [tilespmem:$0x10];
	_ =	sdelay $0x4  }
0x3f: {  	v57 =	vshrl.u32 v3, $0x3  }
0x40: {  	v4 =	vmul.u32 $0x30, v57  }
0x41: {  	v3 =	vand.u32 $0x7, v3  }
0x42: {  	v3 =	vor.u32 v3, v4  }
0x43: {  	v4 =	vperm.xlane v3, v0;
	_ =	sdelay $0x1  }
0x44: {  	v4 =	vadd.s32 v1, v4;
	_ =	sdelay $0x3  }
0x45: {  	s0 =	rddreg [dreg:$0xc];
	v3 =	vperm.xlane v3, v2  }
0x46: {  	[tilespmem:s0], [sflag:$0x1] =	stream.indirect_vreg.gather [hbm4b:s2+s3], $0x80, v4, vm0, $0xb8;
	[tilespmem:$0x18080] =	vst v63  }
0x47: {  	s10 =	rddreg [dreg:$0xd];
	v3 =	vadd.s32 v1, v3  }
0x48: {  	[tilespmem:s10], [sflag:$0x1] =	stream.indirect_vreg.gather [hbm4b:s4+s3], $0x80, v4, vm0, $0xb8;
	[tilespmem:$0x18080] =	vst v63  }
0x49: {  	s0 =	rddreg [dreg:$0xe]  }
0x4a: {  	[tilespmem:s0], [sflag:$0x1] =	stream.indirect_vreg.gather [hbm4b:s5+s3], $0x80, v4, vm0, $0xb8;
	[tilespmem:$0x18080] =	vst v63  }
0x4b: {  	s10 =	rddreg [dreg:$0xf]  }
0x4c: {  	[tilespmem:s10], [sflag:$0x1] =	stream.indirect_vreg.gather [hbm4b:s2+s3], $0x80, v3, vm0, $0xb8;
	[tilespmem:$0x18080] =	vst v63  }
0x4d: {  	s0 =	rddreg [dreg:$0x10]  }
0x4e: {  	[tilespmem:s0], [sflag:$0x1] =	stream.indirect_vreg.gather [hbm4b:s4+s3], $0x80, v3, vm0, $0xb8;
	[tilespmem:$0x18080] =	vst v63  }
0x4f: {  	s10 =	rddreg [dreg:$0x11]  }
0x50: {  	[tilespmem:s10], [sflag:$0x1] =	stream.indirect_vreg.gather [hbm4b:s5+s3], $0x80, v3, vm0, $0xb8;
	[tilespmem:$0x18080] =	vst v63  }
0x51: {  	v3 =	vld [tilespmem:$0x20];
	_ =	sdelay $0x4  }
0x52: {  	v58 =	vshrl.u32 v3, $0x3  }
0x53: {  	v4 =	vmul.u32 $0x30, v58  }
0x54: {  	v3 =	vand.u32 $0x7, v3  }
0x55: {  	v3 =	vor.u32 v3, v4  }
0x56: {  	v4 =	vperm.xlane v3, v0;
	_ =	sdelay $0x1  }
0x57: {  	v4 =	vadd.s32 v1, v4;
	_ =	sdelay $0x3  }
0x58: {  	s0 =	rddreg [dreg:$0x12];
	v3 =	vperm.xlane v3, v2  }
0x59: {  	[tilespmem:s0], [sflag:$0x1] =	stream.indirect_vreg.gather [hbm4b:s2+s3], $0x80, v4, vm0, $0xb8;
	[tilespmem:$0x18080] =	vst v63  }
0x5a: {  	s10 =	rddreg [dreg:$0x13];
	v3 =	vadd.s32 v1, v3  }
0x5b: {  	[tilespmem:s10], [sflag:$0x1] =	stream.indirect_vreg.gather [hbm4b:s4+s3], $0x80, v4, vm0, $0xb8;
	[tilespmem:$0x18080] =	vst v63  }
0x5c: {  	s0 =	rddreg [dreg:$0x14]  }
0x5d: {  	[tilespmem:s0], [sflag:$0x1] =	stream.indirect_vreg.gather [hbm4b:s5+s3], $0x80, v4, vm0, $0xb8;
	[tilespmem:$0x18080] =	vst v63  }
0x5e: {  	s10 =	rddreg [dreg:$0x15]  }
0x5f: {  	[tilespmem:s10], [sflag:$0x1] =	stream.indirect_vreg.gather [hbm4b:s2+s3], $0x80, v3, vm0, $0xb8;
	[tilespmem:$0x18080] =	vst v63  }
0x60: {  	s0 =	rddreg [dreg:$0x16]  }
0x61: {  	[tilespmem:s0], [sflag:$0x1] =	stream.indirect_vreg.gather [hbm4b:s4+s3], $0x80, v3, vm0, $0xb8;
	[tilespmem:$0x18080] =	vst v63  }
0x62: {  	s10 =	rddreg [dreg:$0x17]  }
0x63: {  	[tilespmem:s10], [sflag:$0x1] =	stream.indirect_vreg.gather [hbm4b:s5+s3], $0x80, v3, vm0, $0xb8;
	[tilespmem:$0x18080] =	vst v63  }
0x64: {  	v3 =	vld [tilespmem:$0x30];
	_ =	sdelay $0x4  }
0x65: {  	v59 =	vshrl.u32 v3, $0x3  }
0x66: {  	v4 =	vmul.u32 $0x30, v59  }
0x67: {  	v3 =	vand.u32 $0x7, v3  }
0x68: {  	v3 =	vor.u32 v3, v4  }
0x69: {  	v4 =	vperm.xlane v3, v0;
	_ =	sdelay $0x1  }
0x6a: {  	v4 =	vadd.s32 v1, v4;
	_ =	sdelay $0x3  }
0x6b: {  	s0 =	rddreg [dreg:$0x18];
	v3 =	vperm.xlane v3, v2  }
0x6c: {  	[tilespmem:s0], [sflag:$0x1] =	stream.indirect_vreg.gather [hbm4b:s2+s3], $0x80, v4, vm0, $0xb8;
	[tilespmem:$0x18080] =	vst v63  }
0x6d: {  	s10 =	rddreg [dreg:$0x19];
	v3 =	vadd.s32 v1, v3  }
0x6e: {  	[tilespmem:s10], [sflag:$0x1] =	stream.indirect_vreg.gather [hbm4b:s4+s3], $0x80, v4, vm0, $0xb8;
	[tilespmem:$0x18080] =	vst v63  }
0x6f: {  	s0 =	rddreg [dreg:$0x1a]  }
0x70: {  	[tilespmem:s0], [sflag:$0x1] =	stream.indirect_vreg.gather [hbm4b:s5+s3], $0x80, v4, vm0, $0xb8;
	[tilespmem:$0x18080] =	vst v63  }
0x71: {  	s10 =	rddreg [dreg:$0x1b]  }
0x72: {  	[tilespmem:s10], [sflag:$0x1] =	stream.indirect_vreg.gather [hbm4b:s2+s3], $0x80, v3, vm0, $0xb8;
	[tilespmem:$0x18080] =	vst v63  }
0x73: {  	s0 =	rddreg [dreg:$0x1c]  }
0x74: {  	[tilespmem:s0], [sflag:$0x1] =	stream.indirect_vreg.gather [hbm4b:s4+s3], $0x80, v3, vm0, $0xb8;
	[tilespmem:$0x18080] =	vst v63  }
0x75: {  	s10 =	rddreg [dreg:$0x1d]  }
0x76: {  	[tilespmem:s10], [sflag:$0x1] =	stream.indirect_vreg.gather [hbm4b:s5+s3], $0x80, v3, vm0, $0xb8;
	[tilespmem:$0x18080] =	vst v63  }
0x77: {  	v3 =	vld [tilespmem:$0x40];
	_ =	sdelay $0x4  }
0x78: {  	v60 =	vshrl.u32 v3, $0x3  }
0x79: {  	v4 =	vmul.u32 $0x30, v60  }
0x7a: {  	v3 =	vand.u32 $0x7, v3  }
0x7b: {  	v3 =	vor.u32 v3, v4  }
0x7c: {  	v4 =	vperm.xlane v3, v0;
	_ =	sdelay $0x1  }
0x7d: {  	v4 =	vadd.s32 v1, v4;
	_ =	sdelay $0x3  }
0x7e: {  	s0 =	rddreg [dreg:$0x1e];
	v3 =	vperm.xlane v3, v2  }
0x7f: {  	[tilespmem:s9], [sflag:$0x2] =	stream.indirect_vreg.gather [hbm4b:s2+s3], $0x80, v4, vm0, $0xb8;
	[tilespmem:$0x18080] =	vst v63  }
0x80: {  	s10 =	rddreg [dreg:$0x1f];
	v3 =	vadd.s32 v1, v3  }
0x81: {  	[tilespmem:s0], [sflag:$0x2] =	stream.indirect_vreg.gather [hbm4b:s4+s3], $0x80, v4, vm0, $0xb8;
	[tilespmem:$0x18080] =	vst v63  }
0x82: {  	s0 =	sld [smem:$0x7FD]  }
0x83: {  	[tilespmem:s10], [sflag:$0x2] =	stream.indirect_vreg.gather [hbm4b:s5+s3], $0x80, v4, vm0, $0xb8;
	[tilespmem:$0x18080] =	vst v63  }
0x84: {  	_ = 	snop  }
0x85: {  	[tilespmem:s0], [sflag:$0x2] =	stream.indirect_vreg.gather [hbm4b:s2+s3], $0x80, v3, vm0, $0xb8;
	[tilespmem:$0x18080] =	vst v63  }
0x86: {  	s10 =	simm.s32 $0xE080  }
0x87: {  	[tilespmem:s10], [sflag:$0x2] =	stream.indirect_vreg.gather [hbm4b:s4+s3], $0x80, v3, vm0, $0xb8;
	[tilespmem:$0x18080] =	vst v63  }
0x88: {  	_ = 	snop  }
0x89: {  	[tilespmem:s11], [sflag:$0x2] =	stream.indirect_vreg.gather [hbm4b:s5+s3], $0x80, v3, vm0, $0xb8;
	[tilespmem:$0x18080] =	vst v63  }
0x8a: {  	v3 =	vld [tilespmem:$0x50];
	_ =	sdelay $0x4  }
0x8b: {  	v61 =	vshrl.u32 v3, $0x3  }
0x8c: {  	v4 =	vmul.u32 $0x30, v61  }
0x8d: {  	v3 =	vand.u32 $0x7, v3  }
0x8e: {  	v3 =	vor.u32 v3, v4  }
0x8f: {  	v4 =	vperm.xlane v3, v0;
	_ =	sdelay $0x1  }
0x90: {  	v4 =	vadd.s32 v1, v4;
	_ =	sdelay $0x3  }
0x91: {  	v3 =	vperm.xlane v3, v2  }
0x92: {  	[tilespmem:s12], [sflag:$0x2] =	stream.indirect_vreg.gather [hbm4b:s2+s3], $0x80, v4, vm0, $0xb8;
	[tilespmem:$0x18080] =	vst v63  }
0x93: {  	v3 =	vadd.s32 v1, v3  }
0x94: {  	[tilespmem:s13], [sflag:$0x2] =	stream.indirect_vreg.gather [hbm4b:s4+s3], $0x80, v4, vm0, $0xb8;
	[tilespmem:$0x18080] =	vst v63  }
0x95: {  	_ = 	snop  }
0x96: {  	[tilespmem:s14], [sflag:$0x2] =	stream.indirect_vreg.gather [hbm4b:s5+s3], $0x80, v4, vm0, $0xb8;
	[tilespmem:$0x18080] =	vst v63  }
0x97: {  	_ = 	snop  }
0x98: {  	[tilespmem:s15], [sflag:$0x2] =	stream.indirect_vreg.gather [hbm4b:s2+s3], $0x80, v3, vm0, $0xb8;
	[tilespmem:$0x18080] =	vst v63  }
0x99: {  	_ = 	snop  }
0x9a: {  	[tilespmem:s16], [sflag:$0x2] =	stream.indirect_vreg.gather [hbm4b:s4+s3], $0x80, v3, vm0, $0xb8;
	[tilespmem:$0x18080] =	vst v63  }
0x9b: {  	_ = 	snop  }
0x9c: {  	[tilespmem:s17], [sflag:$0x2] =	stream.indirect_vreg.gather [hbm4b:s5+s3], $0x80, v3, vm0, $0xb8;
	[tilespmem:$0x18080] =	vst v63  }
0x9d: {  	v3 =	vld [tilespmem:$0x60];
	_ =	sdelay $0x4  }
0x9e: {  	v62 =	vshrl.u32 v3, $0x3  }
0x9f: {  	v4 =	vmul.u32 $0x30, v62  }
0xa0: {  	v3 =	vand.u32 $0x7, v3  }
0xa1: {  	v3 =	vor.u32 v3, v4  }
0xa2: {  	v4 =	vperm.xlane v3, v0;
	_ =	sdelay $0x1  }
0xa3: {  	v4 =	vadd.s32 v1, v4;
	_ =	sdelay $0x3  }
0xa4: {  	v3 =	vperm.xlane v3, v2  }
0xa5: {  	[tilespmem:s18], [sflag:$0x2] =	stream.indirect_vreg.gather [hbm4b:s2+s3], $0x80, v4, vm0, $0xb8;
	[tilespmem:$0x18080] =	vst v63  }
0xa6: {  	v3 =	vadd.s32 v1, v3  }
0xa7: {  	[tilespmem:s19], [sflag:$0x2] =	stream.indirect_vreg.gather [hbm4b:s4+s3], $0x80, v4, vm0, $0xb8;
	[tilespmem:$0x18080] =	vst v63  }
0xa8: {  	_ = 	snop  }
0xa9: {  	[tilespmem:s20], [sflag:$0x2] =	stream.indirect_vreg.gather [hbm4b:s5+s3], $0x80, v4, vm0, $0xb8;
	[tilespmem:$0x18080] =	vst v63  }
0xaa: {  	_ = 	snop  }
0xab: {  	[tilespmem:s21], [sflag:$0x2] =	stream.indirect_vreg.gather [hbm4b:s2+s3], $0x80, v3, vm0, $0xb8;
	[tilespmem:$0x18080] =	vst v63  }
0xac: {  	_ = 	snop  }
0xad: {  	[tilespmem:s22], [sflag:$0x2] =	stream.indirect_vreg.gather [hbm4b:s4+s3], $0x80, v3, vm0, $0xb8;
	[tilespmem:$0x18080] =	vst v63  }
0xae: {  	_ = 	snop  }
0xaf: {  	[tilespmem:s23], [sflag:$0x2] =	stream.indirect_vreg.gather [hbm4b:s5+s3], $0x80, v3, vm0, $0xb8;
	[tilespmem:$0x18080] =	vst v63  }
0xb0: {  	v3 =	vld [tilespmem:$0x70];
	_ =	sdelay $0x4  }
0xb1: {  	v63 =	vshrl.u32 v3, $0x3  }
0xb2: {  	v4 =	vmul.u32 $0x30, v63  }
0xb3: {  	v3 =	vand.u32 $0x7, v3  }
0xb4: {  	v3 =	vor.u32 v3, v4  }
0xb5: {  	v4 =	vperm.xlane v3, v0;
	_ =	sdelay $0x1  }
0xb6: {  	v4 =	vadd.s32 v1, v4;
	_ =	sdelay $0x3  }
0xb7: {  	v3 =	vperm.xlane v3, v2  }
0xb8: {  	[tilespmem:s24], [sflag:$0x2] =	stream.indirect_vreg.gather [hbm4b:s2+s3], $0x80, v4, vm0, $0xb8;
	[tilespmem:$0x18080] =	vst v63  }
0xb9: {  	v3 =	vadd.s32 v1, v3  }
0xba: {  	[tilespmem:s25], [sflag:$0x2] =	stream.indirect_vreg.gather [hbm4b:s4+s3], $0x80, v4, vm0, $0xb8;
	[tilespmem:$0x18080] =	vst v63  }
0xbb: {  	_ = 	snop  }
0xbc: {  	[tilespmem:s26], [sflag:$0x2] =	stream.indirect_vreg.gather [hbm4b:s5+s3], $0x80, v4, vm0, $0xb8;
	[tilespmem:$0x18080] =	vst v63  }
0xbd: {  	_ = 	snop  }
0xbe: {  	[tilespmem:s28], [sflag:$0x2] =	stream.indirect_vreg.gather [hbm4b:s2+s3], $0x80, v3, vm0, $0xb8;
	[tilespmem:$0x18080] =	vst v63  }
0xbf: {  	_ = 	snop  }
0xc0: {  	[tilespmem:s29], [sflag:$0x2] =	stream.indirect_vreg.gather [hbm4b:s4+s3], $0x80, v3, vm0, $0xb8;
	[tilespmem:$0x18080] =	vst v63  }
0xc1: {  	_ = 	snop  }
0xc2: {  	[tilespmem:s30], [sflag:$0x2] =	stream.indirect_vreg.gather [hbm4b:s5+s3], $0x80, v3, vm0, $0xb8;
	[tilespmem:$0x18080] =	vst v63  }
0xc3: {  	_ =	swait.ge [sflag:s31], $0xC000  }
0xc4: {  	[sflag:s31] =	ssyncset.done $0x0  }
0xc5: {  	s10 =	rddreg [dreg:$0x5];
	[sflag:s31] =	ssyncadd.s32 $0xFFFF4000  }
0xc6: {  	[hbm4b:s10+s3] =	stream.linear.scatter [tilespmem:s8], [sflag:$0x3], $0xC000, $0x38;
	[tilespmem:$0x18080] =	vst v63  }
0xc7: {  	_ =	swait.ge [sflag:s7], $0xC000  }
0xc8: {  	[sflag:s7] =	ssyncset.done $0x0  }
0xc9: {  	[sflag:s7] =	ssyncadd.s32 $0xFFFF4000  }
0xca: {  	_ =	swait.ge [sflag:s1], $0xC000  }
0xcb: {  	p0 =	sne.s32 s6, $0x1;
	[sflag:s1] =	ssyncset.done $0x0  }
.Ltmp0:
0xcc: {  	s10 =	rddreg [dreg:$0x6];
	[sflag:s1] =	ssyncadd.s32 $0xFFFF4000;
	(pc) =	sbr.rel @p0 .LBB2_1-.Ltmp0, $4  }
0xcd: {  	[hbm4b:s10+s3] =	stream.linear.scatter [tilespmem:s9], [sflag:$0x3], $0xC000, $0x38;
	[tilespmem:$0x18080] =	vst v63  }
0xce: {  	_ =	swait.ge [sflag:s7], $0xC000  }
0xcf: {  	[sflag:s7] =	ssyncset.done $0x0  }
0xd0: {  	s6 =	sadd.s32 $0xFFFFFFFF, s6;
	[sflag:s7] =	ssyncadd.s32 $0xFFFF4000  }
0xd1: {  	_ =	sfence.sel $0x180000  }
0xd2: {  	[bflag:$0x0] =	sbarrier.arrive $0xFFFF  }
0xd3: {  	_ =	strace $0x90000047  }
0xd4: {  	s0 =	stileid.u32;
	[bflag:$0x2] =	sbarrier.arrive $0xFFFF  }
0xd5: {  	p0 =	sne.s32 s0, $0x0;
	s0 =	rddreg [dreg:$0x3]  }
0xd6: {  	s0 =	sadd.s32 @!p0 $0x100000, s0  }
0xd7: {  	[sflag:s0] =	ssyncadd.tile.s32 @!p0 $0x1;
	_ =	shalt  }
.Lfunc_end2:
_tile_overlayer_lowered:
.L_overlay_start_2:
0xd8: {  	(tag) =	ssettag $0x2  }
0xd9: {  	s0 =	rddreg [dreg:$0x0];
	s2 =	stileid.u32  }
0xda: {  	s1 =	rddreg [dreg:$0x1];
	p0 =	sne.s32 s2, $0x0  }
0xdb: {  	s3 =	rddreg [dreg:$0x2];
	[bflag:$0x3] =	sbarrier.arrive $0xFFFF;
	s2 =	simm.s32 @!p0 $0x1C03  }
0xdc: {  	[timem:s3], [sflag:s2] =	dma.local @!p0 [hbm:s0], s1  }
0xdd: {  	s0 =	simm.s32 @!p0 $0x3  }
0xde: {  	_ =	swait.ge @!p0 [sflag:s0], s1  }
0xdf: {  	s1 =	ssub.s32 @!p0 $0x0, s1;
	[sflag:s0] =	ssyncset.done @!p0 $0x0  }
0xe0: {  	[sflag:s0] =	ssyncadd.s32 @!p0 s1  }
0xe1: {  	[bflag:$0x3] =	sbarrier.arrive $0xFFFF  }
0xe2: {  	_ =	shalt  }

// kernel: kernel.13.cloned.1.call-start
scs
__scs_entry_jumppad:
0x0: {  	(pc) =	sbr.rel $0x88, $3  }
0x1: {  	(tag) =	ssettag $0x0;
	lr =	simm.s32 $0x1  }
0x2: {  	[smem:$0x3F98] =	sst lr;
	_ =	strace $0xD0000000  }
0x3: {  	_ = 	snop  }
0x4: {  	_ = 	snop  }
0x5: {  	_ = 	snop  }
0x6: {  	_ = 	snop  }
0x7: {  	_ = 	snop  }
__scs_overlays_trampoline_lowered:
0x8: {  	[smem:$0x3FA7] =	sst s0  }
0x9: {  	[smem:$0x3FA8] =	sst s1  }
0xa: {  	[smem:$0x3FA9] =	sst s2  }
0xb: {  	[smem:$0x3FAA] =	sst s3  }
0xc: {  	[smem:$0x3FAB] =	sst s4  }
0xd: {  	[smem:$0x3FAC] =	sst s5  }
0xe: {  	[smem:$0x3FAD] =	sst s6  }
0xf: {  	[smem:$0x3FAE] =	sst s7  }
0x10: {  	[smem:$0x3FAF] =	sst s8  }
0x11: {  	[smem:$0x3FB0] =	sst s9;
	s0 =	simm.s32 @!p0 $0x0  }
0x12: {  	s1 =	sld [smem:$0x3F96];
	s0 =	simm.s32 @p0 $0x1  }
0x13: {  	[smem:$0x3FB1] =	sst s0;
	s0 =	simm.s32 @!p1 $0x0  }
0x14: {  	s2 =	sld [smem:$0x3F95];
	s0 =	simm.s32 @p1 $0x1  }
0x15: {  	[smem:$0x3FB2] =	sst s0;
	s0 =	simm.s32 @!p2 $0x0  }
0x16: {  	s3 =	sld [smem:$0x3FDB];
	s0 =	simm.s32 @p2 $0x1  }
0x17: {  	s4 =	simm.s32 $0x1BF5;
	[smem:$0x3FB4] =	sst s0  }
0x18: {  	s0 =	sld [smem:$0x3F97];
	_ =	swait.ge [sflag:s4], $0x0  }
0x19: {  	s7 =	sld [smem:$0x3F98]  }
0x1a: {  	s8 =	sadd.s32 $0xFFFFE003, lr  }
0x1b: {  	s9 =	sadd.s32 $0xFFFFFEF7, lr;
	s5 =	simm.s32 $0xFFFFFFFF;
	p2 =	slt.u32 s8, $0xFFFFF086  }
0x1c: {  	p1 =	slt.u32 s9, $0xF7A;
	s5 =	simm.s32 @!p2 $0x0  }
0x1d: {  	s5 =	simm.s32 @p1 $0x1;
	p0 =	seq.s32 s7, s2  }
0x1e: {  	s7 =	smul.u32 @!p0 $0xF7A, s2;
	p2 =	seq.s32 @!p0 s5, $0x0  }
0x1f: {  	s9 =	smul.u32 $0xF7A, s1;
	s8 =	simm.s32 @!p0 $0x1BF5;
	p2 =	por !p2, p0  }
0x20: {  	[sflag:s8] =	ssyncset.s32 @!p0 $0xFFFFF086;
	s6 =	sadd.s32 @!p0 s3, s7;
	s7 =	simm.s32 @!p0 $0x108  }
0x21: {  	s3 =	sadd.s32 s3, s9;
	s6 =	sadd.s32 @!p0 $0x88, s6;
	s7 =	simm.s32 @p2 $0x1082  }
0x22: {  	[simem:s7], [sflag:s8] =	dma.local @!p0 [hbm:s6], $0xF7A  }
0x23: {  	s9 =	sor.u32 $0xD0000000, s2;
	s6 =	simm.s32 $0x108;
	_ =	swait.ge @!p0 [sflag:s8], $0x0  }
0x24: {  	s3 =	sadd.s32 $0x88, s3;
	s6 =	simm.s32 @!p1 $0x1082;
	[sflag:s4] =	ssyncset.s32 $0xFFFFF086  }
0x25: {  	[simem:s6], [sflag:s4] =	dma.local [hbm:s3], $0xF7A  }
0x26: {  	[smem:$0x3F98] =	sst s1;
	(tag) =	ssettag s2;
	_ =	strace s9  }
0x27: {  	s1 =	sld [smem:$0x3FA8]  }
0x28: {  	s2 =	sld [smem:$0x3FA9]  }
0x29: {  	s4 =	sld [smem:$0x3FAB]  }
0x2a: {  	p0 =	seq.s32 s5, $0x0;
	s5 =	sld [smem:$0x3FAC]  }
0x2b: {  	s6 =	sld [smem:$0x3FAD]  }
0x2c: {  	s7 =	sld [smem:$0x3FAE]  }
0x2d: {  	s3 =	simm.s32 $0x108;
	s8 =	sld [smem:$0x3FAF]  }
0x2e: {  	s3 =	simm.s32 @!p0 $0x1082;
	s9 =	sld [smem:$0x3FB0]  }
0x2f: {  	lr =	sadd.s32 s0, s3;
	s0 =	sld [smem:$0x3FA7]  }
0x30: {  	s3 =	sld [smem:$0x3FAA]  }
0x31: {  	[smem:$0x3FB3] =	sst s10  }
0x32: {  	s10 =	sld [smem:$0x3FB1];
	_ =	sdelay $0x3  }
0x33: {  	p0 =	seq.s32 s10, $0x1;
	s10 =	sld [smem:$0x3FB3];
	_ =	sdelay $0x3  }
0x34: {  	[smem:$0x3FB3] =	sst s10  }
0x35: {  	s10 =	sld [smem:$0x3FB2];
	_ =	sdelay $0x3  }
0x36: {  	p1 =	seq.s32 s10, $0x1;
	s10 =	sld [smem:$0x3FB3];
	_ =	sdelay $0x3  }
0x37: {  	[smem:$0x3FB3] =	sst s10  }
0x38: {  	s10 =	sld [smem:$0x3FB4]  }
0x39: {  	_ = 	snop;
	(pc) =	sbr.ind lr, $3  }
0x3a: {  	_ = 	snop  }
0x3b: {  	_ = 	snop  }
0x3c: {  	p2 =	seq.s32 s10, $0x1;
	s10 =	sld [smem:$0x3FB3]  }
0x3d: {  	_ =	shalt  }
0x3e: {  	_ =	shalt  }
0x3f: {  	_ =	shalt  }
0x40: {  	_ =	shalt  }
0x41: {  	_ =	shalt  }
0x42: {  	_ =	shalt  }
0x43: {  	_ =	shalt  }
0x44: {  	_ =	shalt  }
0x45: {  	_ =	shalt  }
0x46: {  	_ =	shalt  }
0x47: {  	_ =	shalt  }
0x48: {  	_ =	shalt  }
0x49: {  	_ =	shalt  }
0x4a: {  	_ =	shalt  }
0x4b: {  	_ =	shalt  }
0x4c: {  	_ =	shalt  }
0x4d: {  	_ =	shalt  }
0x4e: {  	_ =	shalt  }
0x4f: {  	_ =	shalt  }
0x50: {  	_ =	shalt  }
0x51: {  	_ =	shalt  }
0x52: {  	_ =	shalt  }
0x53: {  	_ =	shalt  }
0x54: {  	_ =	shalt  }
0x55: {  	_ =	shalt  }
0x56: {  	_ =	shalt  }
0x57: {  	_ =	shalt  }
0x58: {  	_ =	shalt  }
0x59: {  	_ =	shalt  }
0x5a: {  	_ =	shalt  }
0x5b: {  	_ =	shalt  }
0x5c: {  	_ =	shalt  }
0x5d: {  	_ =	shalt  }
0x5e: {  	_ =	shalt  }
0x5f: {  	_ =	shalt  }
0x60: {  	_ =	shalt  }
0x61: {  	_ =	shalt  }
0x62: {  	_ =	shalt  }
0x63: {  	_ =	shalt  }
0x64: {  	_ =	shalt  }
0x65: {  	_ =	shalt  }
0x66: {  	_ =	shalt  }
0x67: {  	_ =	shalt  }
0x68: {  	_ =	shalt  }
0x69: {  	_ =	shalt  }
0x6a: {  	_ =	shalt  }
0x6b: {  	_ =	shalt  }
0x6c: {  	_ =	shalt  }
0x6d: {  	_ =	shalt  }
0x6e: {  	_ =	shalt  }
0x6f: {  	_ =	shalt  }
0x70: {  	_ =	shalt  }
0x71: {  	_ =	shalt  }
0x72: {  	_ =	shalt  }
0x73: {  	_ =	shalt  }
0x74: {  	_ =	shalt  }
0x75: {  	_ =	shalt  }
0x76: {  	_ =	shalt  }
0x77: {  	_ =	shalt  }
0x78: {  	_ =	shalt  }
0x79: {  	_ =	shalt  }
0x7a: {  	_ =	shalt  }
0x7b: {  	_ =	shalt  }
0x7c: {  	_ =	shalt  }
0x7d: {  	_ =	shalt  }
0x7e: {  	_ =	shalt  }
0x7f: {  	_ =	shalt  }
0x80: {  	_ =	shalt  }
0x81: {  	_ =	shalt  }
0x82: {  	_ =	shalt  }
0x83: {  	_ =	shalt  }
0x84: {  	_ =	shalt  }
0x85: {  	_ =	shalt  }
0x86: {  	_ =	shalt  }
0x87: {  	_ =	shalt  }
.Lfunc_end0:
.L_simem_size_0:
called_computation.1_lowered:
.L_overlay_start_0:
0x88: {  	s2 =	sld [smem:$0x3FD9]  }
0x89: {  	s3 =	sld [smem:$0x3FFE];
	_ =	sdelay $0x1  }
0x8a: {  	s1 =	srdreg.scid  }
0x8b: {  	s0 =	sand.u32 $0x1, s1  }
0x8c: {  	s17 =	sshll.u32 s0, $0xA;
	s2 =	sadd.s32 s3, s2  }
0x8d: {  	s2 =	sadd.s32 s2, s17  }
0x8e: {  	[smem:$0x3FBF] =	sst s2  }
0x8f: {  	_ = 	snop  }
0x90: {  	s18 =	sld [smem:$0x3FC7];
	(tm) =	ssettm $0x1  }
0x91: {  	s19 =	sld [smem:$0x3FFB];
	_ =	sdelay $0x3  }
0x92: {  	_ =	strace s19  }
0x93: {  	s2 =	sld [smem:$0x3FFC];
	_ =	sdelay $0x3  }
0x94: {  	_ =	strace s2  }
0x95: {  	s2 =	sld [smem:$0x3FFD];
	_ =	sdelay $0x3  }
0x96: {  	_ =	strace s2  }
0x97: {  	_ =	strace $0x8FFFFFFF  }
0x98: {  	s20 =	sld [smem:$0x3FDB];
	_ =	sdelay $0x1  }
0x99: {  	s4 =	simm.s32 $_scs_section_size  }
0x9a: {  	s5 =	simm.s32 $_size__tile_overlayer_lowered;
	s6 =	simm.s32 $_tile_overlayer_lowered  }
0x9b: {  	s7 =	simm.s32 $0x1BFF;
	s21 =	sshll.u32 s6, $0x1;
	s4 =	sadd.s32 s4, s20  }
0x9c: {  	s22 =	simm.s32 $0x0;
	s5 =	sshll.u32 s5, $0x1;
	s6 =	sadd.s32 s21, s4  }
0x9d: {  	[timem:s22], [sflag:s7] =	dma.local [hbm:s6], s5  }
0x9e: {  	_ =	swait.ge [sflag:s7], s5  }
0x9f: {  	s5 =	ssub.s32 $0x0, s5;
	[sflag:s7] =	ssyncset.done $0x0  }
0xa0: {  	[sflag:s7] =	ssyncadd.s32 s5;
	_ =	sdelay $0x1  }
0xa1: {  	s23 =	simm.s32 $0x1B8B  }
0xa2: {  	_ =	swait.ge [sflag:s23], $0x1  }
0xa3: {  	[sflag:s23] =	ssyncset.done $0x0  }
0xa4: {  	[sflag:s23] =	ssyncadd.s32 $0xFFFFFFFF  }
0xa5: {  	s5 =	sld [smem:$0x0]  }
0xa6: {  	s6 =	sand.u32 $0xFFFFFFFE, s1  }
0xa7: {  	p0 =	sne.s32 s1, s6  }
0xa8: {  	s6 =	sshll.u32 @p0 s6, $0xE  }
0xa9: {  	s6 =	sadd.s32 @p0 $0x11B8D, s6;
	s7 =	sshll.u32 @p0 s5, $0x11  }
0xaa: {  	s6 =	sor.u32 @p0 s7, s6  }
0xab: {  	[sflag:s6] =	ssyncadd.remote.s32 @p0 $0x1;
	_ =	sdelay $0x1  }
0xac: {  	s6 =	simm.s32 @p0 $0x1B8D  }
0xad: {  	_ =	swait.eq @p0 [sflag:s6], $0x1  }
0xae: {  	[sflag:s6] =	ssyncadd.s32 @p0 $0xFFFFFFFF  }
0xaf: {  	s7 =	sshll.u32 @!p0 s1, $0xE  }
0xb0: {  	s7 =	sor.u32 @!p0 $0x4000, s7;
	s6 =	simm.s32 @!p0 $0x1B8D  }
0xb1: {  	s5 =	sshll.u32 @!p0 s5, $0x11;
	s7 =	sadd.s32 @!p0 $0x11B8D, s7;
	_ =	swait.eq @!p0 [sflag:s6], $0x1  }
0xb2: {  	s5 =	sor.u32 @!p0 s5, s7;
	[sflag:s6] =	ssyncadd.s32 @!p0 $0xFFFFFFFF  }
0xb3: {  	s25 =	simm.s32 $0x1B8E;
	s24 =	sld [smem:$0x3FFE];
	[sflag:s5] =	ssyncadd.remote.s32 @!p0 $0x1  }
0xb4: {  	s26 =	simm.s32 $execute0_lowered;
	[smem:$0x3FD2] =	sst s25  }
0xb5: {  	s6 =	sshll.u32 s26, $0x1;
	_ =	strace $0x80000049;
	[dreg:$0x1] =	wrdreg $0xFFFFFFFF  }
0xb6: {  	s28 =	simm.s32 $_size_execute0_lowered;
	s4 =	sadd.s32 s4, s6;
	[dreg:$0x0] =	wrdreg $0x0  }
0xb7: {  	s6 =	sshll.u32 s28, $0x1;
	[dreg:$0x2] =	wrdreg s4  }
0xb8: {  	[dreg:$0x3] =	wrdreg s6  }
0xb9: {  	[dreg:$0x4] =	wrdreg $0xC0  }
0xba: {  	_ =	task [dreg:s22], $0x5FFFF  }
0xbb: {  	[dreg:$0x1] =	wrdreg $0xFFFFFFFF  }
0xbc: {  	[dreg:$0x0] =	wrdreg $0x60  }
0xbd: {  	[dreg:$0x2] =	wrdreg s24  }
0xbe: {  	[dreg:$0x3] =	wrdreg s18  }
0xbf: {  	[dreg:$0x4] =	wrdreg $0xA  }
0xc0: {  	_ =	task.clear_ibuf [dreg:s22], $0x5FFFF;
	_ =	strace $0x90000049  }
0xc1: {  	s29 =	simm.s32 $0xA;
	_ =	strace $0x8000004B  }
0xc2: {  	_ =	swait.ge [sflag:s29], $0x1  }
0xc3: {  	[sflag:s29] =	ssyncadd.s32 $0xFFFFFFFF  }
0xc4: {  	_ =	strace $0x9000004B  }
0xc5: {  	_ =	sfence  }
0xc6: {  	s30 =	sld [smem:$0x0];
	_ =	sdelay $0x2  }
0xc7: {  	s31 =	sshll.u32 s1, $0xD;
	s1 =	sshrl.u32 s1, $0x2  }
0xc8: {  	s4 =	sand.u32 $0x4000, s31;
	s1 =	sadd.s32 s1, s30  }
0xc9: {  	s0 =	sor.u32 s4, s0;
	s1 =	sshll.u32 s1, $0x11  }
0xca: {  	s0 =	sor.u32 s1, s0  }
0xcb: {  	s0 =	sadd.s32 $0x8F2B, s0  }
0xcc: {  	[sflag:s0] =	ssyncadd.remote.s32 $0x1  }
0xcd: {  	_ =	sfence.sel $0xFFFF  }
0xce: {  	[dreg:$0x0] =	wrdreg $0xFFFFFFFF;
	(pc) =	sbr.abs _section_cstart, $3  }
0xcf: {  	[dreg:$0x1] =	wrdreg $0xFFFFFFFF  }
0xd0: {  	_ =	task.clear_ibuf [dreg:s22], $0x2FFFF;
	_ =	strace $0x9FFFFFFF  }
0xd1: {  	(tm) =	ssettm $0x7FFFFFFF  }
tec
execute0_lowered:
.L_overlay_start_1:
0x0: {  	(tag) =	ssettag $0x1  }
0x1: {  	s0 =	srdreg.scid;
	s1 =	rddreg [dreg:$0x0]  }
0x2: {  	s3 =	stileid.u32;
	s2 =	rddreg [dreg:$0x1]  }
0x3: {  	s13 =	simm.s32 $0x900;
	s14 =	simm.s32 $0x1100;
	s15 =	simm.s32 $0x1900  }
0x4: {  	s16 =	simm.s32 $0x2100;
	s17 =	simm.s32 $0x2900;
	s18 =	simm.s32 $0x3100  }
0x5: {  	s19 =	simm.s32 $0x3900;
	s20 =	simm.s32 $0x4100;
	s21 =	simm.s32 $0x4900  }
0x6: {  	s22 =	simm.s32 $0x5100;
	s23 =	simm.s32 $0x5900;
	s28 =	simm.s32 $0x7900  }
0x7: {  	s29 =	simm.s32 $0x8100;
	s30 =	simm.s32 $0x8900;
	s31 =	simm.s32 $0x9100  }
0x8: {  	s9 =	simm.s32 $0xA900;
	s10 =	simm.s32 $0xB900;
	s0 =	sand.u32 $0x1, s0  }
0x9: {  	s4 =	sshll.u32 s3, $0x6;
	s3 =	simm.s32 $0x0;
	s5 =	sshll.u32 s0, $0x5  }
0xa: {  	s11 =	simm.s32 $0xC100;
	[smem:$0x7FF] =	sst s3;
	s4 =	sor.u32 s5, s4  }
0xb: {  	s0 =	ssub.s32 $0x2, s0;
	_ =	strace $0x8000004A;
	s5 =	smul.u32 $0x300, s4  }
0xc: {  	s7 =	sshrl.u32 s0, $0x1;
	s6 =	smul.u32 $0x1800, s4;
	s4 =	sadd.s32 s4, s1  }
0xd: {  	s1 =	sadd.s32 $0x2E00, s1;
	s0 =	ssub.s32 s0, s7;
	s4 =	sadd.s32 $0x2A00, s4  }
0xe: {  	s8 =	sadd.s32 s1, s5;
	s24 =	sshrl.u32 s6, $0x3;
	[dreg:$0x3] =	wrdreg s4  }
0xf: {  	s5 =	sadd.s32 $0x100, s2;
	s6 =	sadd.s32 $0x200, s2;
	s4 =	smax.u32 s0, $0x1  }
0x10: {  	[dreg:$0x7] =	wrdreg s8;
	s25 =	sadd.s32 $0x1800, s8;
	s1 =	sadd.s32 s1, s24  }
0x11: {  	v2 =	vlaneseq.u32;
	s8 =	simm.s32 $0x3;
	[dreg:$0x4] =	wrdreg s25;
	s26 =	sadd.s32 $0x3000, s1  }
0x12: {  	vm0 =	vmmov $0xffff;
	v1 =	vshrl.u32 v2, $0x3;
	s24 =	simm.s32 $0x6100;
	s1 =	sadd.s32 $0x4800, s1;
	[dreg:$0x5] =	wrdreg s26  }
0x13: {  	v0 =	vand.u32 $0x7, v2;
	v2 =	vor.u32 $0x8, v2;
	v1 =	vmul.u32 $0x8, v1;
	s25 =	simm.s32 $0x6900;
	[dreg:$0x6] =	wrdreg s1;
	s26 =	simm.s32 $0x7100  }
.LBB2_1:
0x14: {  	s12 =	rddreg [dreg:$0x3]  }
0x15: {  	[tilespmem:s3], [sflag:$0x3] =	stream.linear.gather [hbm4b:s12+s3], $0x100, $0x38;
	[tilespmem:$0x18100] =	vst v63  }
0x16: {  	_ =	swait.ge [sflag:s8], $0x100  }
0x17: {  	[sflag:s8] =	ssyncset.done $0x0  }
0x18: {  	[sflag:s8] =	ssyncadd.s32 $0xFFFFFF00  }
0x19: {  	v3 =	vld [tilespmem:$0x0];
	_ =	sdelay $0x4  }
0x1a: {  	v4 =	vshrl.u32 v3, $0x3  }
0x1b: {  	v4 =	vmul.u32 $0x30, v4  }
0x1c: {  	v3 =	vand.u32 $0x7, v3  }
0x1d: {  	v3 =	vor.u32 v3, v4  }
0x1e: {  	v4 =	vperm.xlane v3, v0;
	_ =	sdelay $0x1  }
0x1f: {  	v4 =	vadd.s32 v1, v4;
	_ =	sdelay $0x3  }
0x20: {  	s0 =	simm.s32 $0x100;
	v3 =	vperm.xlane v3, v2  }
0x21: {  	[tilespmem:s0], [sflag:$0x1] =	stream.indirect_vreg.gather [hbm4b:s2+s3], $0x80, v4, vm0, $0xb8;
	[tilespmem:$0x18100] =	vst v63  }
0x22: {  	v3 =	vadd.s32 v1, v3  }
0x23: {  	[tilespmem:s13], [sflag:$0x1] =	stream.indirect_vreg.gather [hbm4b:s5+s3], $0x80, v4, vm0, $0xb8;
	[tilespmem:$0x18100] =	vst v63  }
0x24: {  	_ = 	snop  }
0x25: {  	[tilespmem:s14], [sflag:$0x1] =	stream.indirect_vreg.gather [hbm4b:s6+s3], $0x80, v4, vm0, $0xb8;
	[tilespmem:$0x18100] =	vst v63  }
0x26: {  	_ = 	snop  }
0x27: {  	[tilespmem:s15], [sflag:$0x1] =	stream.indirect_vreg.gather [hbm4b:s2+s3], $0x80, v3, vm0, $0xb8;
	[tilespmem:$0x18100] =	vst v63  }
0x28: {  	_ = 	snop  }
0x29: {  	[tilespmem:s16], [sflag:$0x1] =	stream.indirect_vreg.gather [hbm4b:s5+s3], $0x80, v3, vm0, $0xb8;
	[tilespmem:$0x18100] =	vst v63  }
0x2a: {  	_ = 	snop  }
0x2b: {  	[tilespmem:s17], [sflag:$0x1] =	stream.indirect_vreg.gather [hbm4b:s6+s3], $0x80, v3, vm0, $0xb8;
	[tilespmem:$0x18100] =	vst v63  }
0x2c: {  	v3 =	vld [tilespmem:$0x10];
	_ =	sdelay $0x4  }
0x2d: {  	v49 =	vshrl.u32 v3, $0x3  }
0x2e: {  	v4 =	vmul.u32 $0x30, v49  }
0x2f: {  	v3 =	vand.u32 $0x7, v3  }
0x30: {  	v3 =	vor.u32 v3, v4  }
0x31: {  	v4 =	vperm.xlane v3, v0;
	_ =	sdelay $0x1  }
0x32: {  	v4 =	vadd.s32 v1, v4;
	_ =	sdelay $0x3  }
0x33: {  	v3 =	vperm.xlane v3, v2  }
0x34: {  	[tilespmem:s18], [sflag:$0x1] =	stream.indirect_vreg.gather [hbm4b:s2+s3], $0x80, v4, vm0, $0xb8;
	[tilespmem:$0x18100] =	vst v63  }
0x35: {  	v3 =	vadd.s32 v1, v3  }
0x36: {  	[tilespmem:s19], [sflag:$0x1] =	stream.indirect_vreg.gather [hbm4b:s5+s3], $0x80, v4, vm0, $0xb8;
	[tilespmem:$0x18100] =	vst v63  }
0x37: {  	_ = 	snop  }
0x38: {  	[tilespmem:s20], [sflag:$0x1] =	stream.indirect_vreg.gather [hbm4b:s6+s3], $0x80, v4, vm0, $0xb8;
	[tilespmem:$0x18100] =	vst v63  }
0x39: {  	_ = 	snop  }
0x3a: {  	[tilespmem:s21], [sflag:$0x1] =	stream.indirect_vreg.gather [hbm4b:s2+s3], $0x80, v3, vm0, $0xb8;
	[tilespmem:$0x18100] =	vst v63  }
0x3b: {  	_ = 	snop  }
0x3c: {  	[tilespmem:s22], [sflag:$0x1] =	stream.indirect_vreg.gather [hbm4b:s5+s3], $0x80, v3, vm0, $0xb8;
	[tilespmem:$0x18100] =	vst v63  }
0x3d: {  	_ = 	snop  }
0x3e: {  	[tilespmem:s23], [sflag:$0x1] =	stream.indirect_vreg.gather [hbm4b:s6+s3], $0x80, v3, vm0, $0xb8;
	[tilespmem:$0x18100] =	vst v63  }
0x3f: {  	v3 =	vld [tilespmem:$0x20];
	_ =	sdelay $0x4  }
0x40: {  	v50 =	vshrl.u32 v3, $0x3  }
0x41: {  	v4 =	vmul.u32 $0x30, v50  }
0x42: {  	v3 =	vand.u32 $0x7, v3  }
0x43: {  	v3 =	vor.u32 v3, v4  }
0x44: {  	v4 =	vperm.xlane v3, v0;
	_ =	sdelay $0x1  }
0x45: {  	v4 =	vadd.s32 v1, v4;
	_ =	sdelay $0x3  }
0x46: {  	v3 =	vperm.xlane v3, v2  }
0x47: {  	[tilespmem:s24], [sflag:$0x1] =	stream.indirect_vreg.gather [hbm4b:s2+s3], $0x80, v4, vm0, $0xb8;
	[tilespmem:$0x18100] =	vst v63  }
0x48: {  	v3 =	vadd.s32 v1, v3  }
0x49: {  	[tilespmem:s25], [sflag:$0x1] =	stream.indirect_vreg.gather [hbm4b:s5+s3], $0x80, v4, vm0, $0xb8;
	[tilespmem:$0x18100] =	vst v63  }
0x4a: {  	_ = 	snop  }
0x4b: {  	[tilespmem:s26], [sflag:$0x1] =	stream.indirect_vreg.gather [hbm4b:s6+s3], $0x80, v4, vm0, $0xb8;
	[tilespmem:$0x18100] =	vst v63  }
0x4c: {  	_ = 	snop  }
0x4d: {  	[tilespmem:s28], [sflag:$0x1] =	stream.indirect_vreg.gather [hbm4b:s2+s3], $0x80, v3, vm0, $0xb8;
	[tilespmem:$0x18100] =	vst v63  }
0x4e: {  	_ = 	snop  }
0x4f: {  	[tilespmem:s29], [sflag:$0x1] =	stream.indirect_vreg.gather [hbm4b:s5+s3], $0x80, v3, vm0, $0xb8;
	[tilespmem:$0x18100] =	vst v63  }
0x50: {  	_ = 	snop  }
0x51: {  	[tilespmem:s30], [sflag:$0x1] =	stream.indirect_vreg.gather [hbm4b:s6+s3], $0x80, v3, vm0, $0xb8;
	[tilespmem:$0x18100] =	vst v63  }
0x52: {  	v3 =	vld [tilespmem:$0x30];
	_ =	sdelay $0x4  }
0x53: {  	v51 =	vshrl.u32 v3, $0x3  }
0x54: {  	v4 =	vmul.u32 $0x30, v51  }
0x55: {  	v3 =	vand.u32 $0x7, v3  }
0x56: {  	v3 =	vor.u32 v3, v4  }
0x57: {  	v4 =	vperm.xlane v3, v0;
	_ =	sdelay $0x1  }
0x58: {  	v4 =	vadd.s32 v1, v4;
	_ =	sdelay $0x3  }
0x59: {  	v3 =	vperm.xlane v3, v2  }
0x5a: {  	[tilespmem:s31], [sflag:$0x1] =	stream.indirect_vreg.gather [hbm4b:s2+s3], $0x80, v4, vm0, $0xb8;
	[tilespmem:$0x18100] =	vst v63  }
0x5b: {  	s1 =	simm.s32 $0x9900;
	v3 =	vadd.s32 v1, v3  }
0x5c: {  	[tilespmem:s1], [sflag:$0x1] =	stream.indirect_vreg.gather [hbm4b:s5+s3], $0x80, v4, vm0, $0xb8;
	[tilespmem:$0x18100] =	vst v63  }
0x5d: {  	s12 =	simm.s32 $0xA100  }
0x5e: {  	[tilespmem:s12], [sflag:$0x1] =	stream.indirect_vreg.gather [hbm4b:s6+s3], $0x80, v4, vm0, $0xb8;
	[tilespmem:$0x18100] =	vst v63  }
0x5f: {  	_ = 	snop  }
0x60: {  	[tilespmem:s9], [sflag:$0x1] =	stream.indirect_vreg.gather [hbm4b:s2+s3], $0x80, v3, vm0, $0xb8;
	[tilespmem:$0x18100] =	vst v63  }
0x61: {  	s7 =	simm.s32 $0xB100  }
0x62: {  	[tilespmem:s7], [sflag:$0x1] =	stream.indirect_vreg.gather [hbm4b:s5+s3], $0x80, v3, vm0, $0xb8;
	[tilespmem:$0x18100] =	vst v63  }
0x63: {  	_ = 	snop  }
0x64: {  	[tilespmem:s10], [sflag:$0x1] =	stream.indirect_vreg.gather [hbm4b:s6+s3], $0x80, v3, vm0, $0xb8;
	[tilespmem:$0x18100] =	vst v63  }
0x65: {  	v3 =	vld [tilespmem:$0x40];
	_ =	sdelay $0x4  }
0x66: {  	v52 =	vshrl.u32 v3, $0x3  }
0x67: {  	v4 =	vmul.u32 $0x30, v52  }
0x68: {  	v3 =	vand.u32 $0x7, v3  }
0x69: {  	v3 =	vor.u32 v3, v4  }
0x6a: {  	v4 =	vperm.xlane v3, v0;
	_ =	sdelay $0x1  }
0x6b: {  	v4 =	vadd.s32 v1, v4;
	_ =	sdelay $0x3  }
0x6c: {  	v3 =	vperm.xlane v3, v2  }
0x6d: {  	[tilespmem:s11], [sflag:$0x2] =	stream.indirect_vreg.gather [hbm4b:s2+s3], $0x80, v4, vm0, $0xb8;
	[tilespmem:$0x18100] =	vst v63  }
0x6e: {  	s12 =	simm.s32 $0xC900;
	v3 =	vadd.s32 v1, v3  }
0x6f: {  	[tilespmem:s12], [sflag:$0x2] =	stream.indirect_vreg.gather [hbm4b:s5+s3], $0x80, v4, vm0, $0xb8;
	[tilespmem:$0x18100] =	vst v63  }
0x70: {  	s7 =	simm.s32 $0xD100  }
0x71: {  	[tilespmem:s7], [sflag:$0x2] =	stream.indirect_vreg.gather [hbm4b:s6+s3], $0x80, v4, vm0, $0xb8;
	[tilespmem:$0x18100] =	vst v63  }
0x72: {  	s12 =	simm.s32 $0xD900  }
0x73: {  	[tilespmem:s12], [sflag:$0x2] =	stream.indirect_vreg.gather [hbm4b:s2+s3], $0x80, v3, vm0, $0xb8;
	[tilespmem:$0x18100] =	vst v63  }
0x74: {  	s7 =	simm.s32 $0xE100  }
0x75: {  	[tilespmem:s7], [sflag:$0x2] =	stream.indirect_vreg.gather [hbm4b:s5+s3], $0x80, v3, vm0, $0xb8;
	[tilespmem:$0x18100] =	vst v63  }
0x76: {  	s12 =	simm.s32 $0xE900  }
0x77: {  	[tilespmem:s12], [sflag:$0x2] =	stream.indirect_vreg.gather [hbm4b:s6+s3], $0x80, v3, vm0, $0xb8;
	[tilespmem:$0x18100] =	vst v63  }
0x78: {  	v3 =	vld [tilespmem:$0x50];
	_ =	sdelay $0x4  }
0x79: {  	v53 =	vshrl.u32 v3, $0x3  }
0x7a: {  	v4 =	vmul.u32 $0x30, v53  }
0x7b: {  	v3 =	vand.u32 $0x7, v3  }
0x7c: {  	v3 =	vor.u32 v3, v4  }
0x7d: {  	v4 =	vperm.xlane v3, v0;
	_ =	sdelay $0x1  }
0x7e: {  	v4 =	vadd.s32 v1, v4;
	_ =	sdelay $0x3  }
0x7f: {  	s7 =	simm.s32 $0xF100;
	v3 =	vperm.xlane v3, v2  }
0x80: {  	[tilespmem:s7], [sflag:$0x2] =	stream.indirect_vreg.gather [hbm4b:s2+s3], $0x80, v4, vm0, $0xb8;
	[tilespmem:$0x18100] =	vst v63  }
0x81: {  	s12 =	simm.s32 $0xF900;
	v3 =	vadd.s32 v1, v3  }
0x82: {  	[tilespmem:s12], [sflag:$0x2] =	stream.indirect_vreg.gather [hbm4b:s5+s3], $0x80, v4, vm0, $0xb8;
	[tilespmem:$0x18100] =	vst v63  }
0x83: {  	s7 =	simm.s32 $0x10100  }
0x84: {  	[tilespmem:s7], [sflag:$0x2] =	stream.indirect_vreg.gather [hbm4b:s6+s3], $0x80, v4, vm0, $0xb8;
	[tilespmem:$0x18100] =	vst v63  }
0x85: {  	s12 =	simm.s32 $0x10900  }
0x86: {  	[tilespmem:s12], [sflag:$0x2] =	stream.indirect_vreg.gather [hbm4b:s2+s3], $0x80, v3, vm0, $0xb8;
	[tilespmem:$0x18100] =	vst v63  }
0x87: {  	s7 =	simm.s32 $0x11100  }
0x88: {  	[tilespmem:s7], [sflag:$0x2] =	stream.indirect_vreg.gather [hbm4b:s5+s3], $0x80, v3, vm0, $0xb8;
	[tilespmem:$0x18100] =	vst v63  }
0x89: {  	s12 =	simm.s32 $0x11900  }
0x8a: {  	[tilespmem:s12], [sflag:$0x2] =	stream.indirect_vreg.gather [hbm4b:s6+s3], $0x80, v3, vm0, $0xb8;
	[tilespmem:$0x18100] =	vst v63  }
0x8b: {  	v3 =	vld [tilespmem:$0x60];
	_ =	sdelay $0x4  }
0x8c: {  	v54 =	vshrl.u32 v3, $0x3  }
0x8d: {  	v4 =	vmul.u32 $0x30, v54  }
0x8e: {  	v3 =	vand.u32 $0x7, v3  }
0x8f: {  	v3 =	vor.u32 v3, v4  }
0x90: {  	v4 =	vperm.xlane v3, v0;
	_ =	sdelay $0x1  }
0x91: {  	v4 =	vadd.s32 v1, v4;
	_ =	sdelay $0x3  }
0x92: {  	s7 =	simm.s32 $0x12100;
	v3 =	vperm.xlane v3, v2  }
0x93: {  	[tilespmem:s7], [sflag:$0x2] =	stream.indirect_vreg.gather [hbm4b:s2+s3], $0x80, v4, vm0, $0xb8;
	[tilespmem:$0x18100] =	vst v63  }
0x94: {  	s12 =	simm.s32 $0x12900;
	v3 =	vadd.s32 v1, v3  }
0x95: {  	[tilespmem:s12], [sflag:$0x2] =	stream.indirect_vreg.gather [hbm4b:s5+s3], $0x80, v4, vm0, $0xb8;
	[tilespmem:$0x18100] =	vst v63  }
0x96: {  	s7 =	simm.s32 $0x13100  }
0x97: {  	[tilespmem:s7], [sflag:$0x2] =	stream.indirect_vreg.gather [hbm4b:s6+s3], $0x80, v4, vm0, $0xb8;
	[tilespmem:$0x18100] =	vst v63  }
0x98: {  	s12 =	simm.s32 $0x13900  }
0x99: {  	[tilespmem:s12], [sflag:$0x2] =	stream.indirect_vreg.gather [hbm4b:s2+s3], $0x80, v3, vm0, $0xb8;
	[tilespmem:$0x18100] =	vst v63  }
0x9a: {  	s7 =	simm.s32 $0x14100  }
0x9b: {  	[tilespmem:s7], [sflag:$0x2] =	stream.indirect_vreg.gather [hbm4b:s5+s3], $0x80, v3, vm0, $0xb8;
	[tilespmem:$0x18100] =	vst v63  }
0x9c: {  	s12 =	simm.s32 $0x14900  }
0x9d: {  	[tilespmem:s12], [sflag:$0x2] =	stream.indirect_vreg.gather [hbm4b:s6+s3], $0x80, v3, vm0, $0xb8;
	[tilespmem:$0x18100] =	vst v63  }
0x9e: {  	v3 =	vld [tilespmem:$0x70];
	_ =	sdelay $0x4  }
0x9f: {  	v55 =	vshrl.u32 v3, $0x3  }
0xa0: {  	v4 =	vmul.u32 $0x30, v55  }
0xa1: {  	v3 =	vand.u32 $0x7, v3  }
0xa2: {  	v3 =	vor.u32 v3, v4  }
0xa3: {  	v4 =	vperm.xlane v3, v0;
	_ =	sdelay $0x1  }
0xa4: {  	v4 =	vadd.s32 v1, v4;
	_ =	sdelay $0x3  }
0xa5: {  	s7 =	simm.s32 $0x15100;
	v3 =	vperm.xlane v3, v2  }
0xa6: {  	[tilespmem:s7], [sflag:$0x2] =	stream.indirect_vreg.gather [hbm4b:s2+s3], $0x80, v4, vm0, $0xb8;
	[tilespmem:$0x18100] =	vst v63  }
0xa7: {  	s12 =	simm.s32 $0x15900;
	v3 =	vadd.s32 v1, v3  }
0xa8: {  	[tilespmem:s12], [sflag:$0x2] =	stream.indirect_vreg.gather [hbm4b:s5+s3], $0x80, v4, vm0, $0xb8;
	[tilespmem:$0x18100] =	vst v63  }
0xa9: {  	s7 =	simm.s32 $0x16100  }
0xaa: {  	[tilespmem:s7], [sflag:$0x2] =	stream.indirect_vreg.gather [hbm4b:s6+s3], $0x80, v4, vm0, $0xb8;
	[tilespmem:$0x18100] =	vst v63  }
0xab: {  	s12 =	simm.s32 $0x16900  }
0xac: {  	[tilespmem:s12], [sflag:$0x2] =	stream.indirect_vreg.gather [hbm4b:s2+s3], $0x80, v3, vm0, $0xb8;
	[tilespmem:$0x18100] =	vst v63  }
0xad: {  	s7 =	simm.s32 $0x17100  }
0xae: {  	[tilespmem:s7], [sflag:$0x2] =	stream.indirect_vreg.gather [hbm4b:s5+s3], $0x80, v3, vm0, $0xb8;
	[tilespmem:$0x18100] =	vst v63  }
0xaf: {  	s0 =	simm.s32 $0x1;
	s12 =	simm.s32 $0x17900  }
0xb0: {  	[tilespmem:s12], [sflag:$0x2] =	stream.indirect_vreg.gather [hbm4b:s6+s3], $0x80, v3, vm0, $0xb8;
	[tilespmem:$0x18100] =	vst v63  }
0xb1: {  	_ =	swait.ge [sflag:s0], $0xC000  }
0xb2: {  	[sflag:s0] =	ssyncset.done $0x0  }
0xb3: {  	s7 =	simm.s32 $0x100;
	s12 =	rddreg [dreg:$0x7];
	[sflag:s0] =	ssyncadd.s32 $0xFFFF4000  }
0xb4: {  	[hbm4b:s12+s3] =	stream.linear.scatter [tilespmem:s7], [sflag:$0x3], $0xC000, $0x38;
	[tilespmem:$0x18100] =	vst v63  }
0xb5: {  	_ =	swait.ge [sflag:s8], $0xC000  }
0xb6: {  	[sflag:s8] =	ssyncset.done $0x0  }
0xb7: {  	[sflag:s8] =	ssyncadd.s32 $0xFFFF4000  }
0xb8: {  	v3 =	vld [tilespmem:$0x80];
	_ =	sdelay $0x4  }
0xb9: {  	v56 =	vshrl.u32 v3, $0x3  }
0xba: {  	v4 =	vmul.u32 $0x30, v56  }
0xbb: {  	v3 =	vand.u32 $0x7, v3  }
0xbc: {  	v3 =	vor.u32 v3, v4  }
0xbd: {  	v4 =	vperm.xlane v3, v0;
	_ =	sdelay $0x1  }
0xbe: {  	v4 =	vadd.s32 v1, v4;
	_ =	sdelay $0x3  }
0xbf: {  	v3 =	vperm.xlane v3, v2  }
0xc0: {  	[tilespmem:s7], [sflag:$0x1] =	stream.indirect_vreg.gather [hbm4b:s2+s3], $0x80, v4, vm0, $0xb8;
	[tilespmem:$0x18100] =	vst v63  }
0xc1: {  	v3 =	vadd.s32 v1, v3  }
0xc2: {  	[tilespmem:s13], [sflag:$0x1] =	stream.indirect_vreg.gather [hbm4b:s5+s3], $0x80, v4, vm0, $0xb8;
	[tilespmem:$0x18100] =	vst v63  }
0xc3: {  	_ = 	snop  }
0xc4: {  	[tilespmem:s14], [sflag:$0x1] =	stream.indirect_vreg.gather [hbm4b:s6+s3], $0x80, v4, vm0, $0xb8;
	[tilespmem:$0x18100] =	vst v63  }
0xc5: {  	_ = 	snop  }
0xc6: {  	[tilespmem:s15], [sflag:$0x1] =	stream.indirect_vreg.gather [hbm4b:s2+s3], $0x80, v3, vm0, $0xb8;
	[tilespmem:$0x18100] =	vst v63  }
0xc7: {  	_ = 	snop  }
0xc8: {  	[tilespmem:s16], [sflag:$0x1] =	stream.indirect_vreg.gather [hbm4b:s5+s3], $0x80, v3, vm0, $0xb8;
	[tilespmem:$0x18100] =	vst v63  }
0xc9: {  	_ = 	snop  }
0xca: {  	[tilespmem:s17], [sflag:$0x1] =	stream.indirect_vreg.gather [hbm4b:s6+s3], $0x80, v3, vm0, $0xb8;
	[tilespmem:$0x18100] =	vst v63  }
0xcb: {  	v3 =	vld [tilespmem:$0x90];
	_ =	sdelay $0x4  }
0xcc: {  	v57 =	vshrl.u32 v3, $0x3  }
0xcd: {  	v4 =	vmul.u32 $0x30, v57  }
0xce: {  	v3 =	vand.u32 $0x7, v3  }
0xcf: {  	v3 =	vor.u32 v3, v4  }
0xd0: {  	v4 =	vperm.xlane v3, v0;
	_ =	sdelay $0x1  }
0xd1: {  	v4 =	vadd.s32 v1, v4;
	_ =	sdelay $0x3  }
0xd2: {  	v3 =	vperm.xlane v3, v2  }
0xd3: {  	[tilespmem:s18], [sflag:$0x1] =	stream.indirect_vreg.gather [hbm4b:s2+s3], $0x80, v4, vm0, $0xb8;
	[tilespmem:$0x18100] =	vst v63  }
0xd4: {  	v3 =	vadd.s32 v1, v3  }
0xd5: {  	[tilespmem:s19], [sflag:$0x1] =	stream.indirect_vreg.gather [hbm4b:s5+s3], $0x80, v4, vm0, $0xb8;
	[tilespmem:$0x18100] =	vst v63  }
0xd6: {  	_ = 	snop  }
0xd7: {  	[tilespmem:s20], [sflag:$0x1] =	stream.indirect_vreg.gather [hbm4b:s6+s3], $0x80, v4, vm0, $0xb8;
	[tilespmem:$0x18100] =	vst v63  }
0xd8: {  	_ = 	snop  }
0xd9: {  	[tilespmem:s21], [sflag:$0x1] =	stream.indirect_vreg.gather [hbm4b:s2+s3], $0x80, v3, vm0, $0xb8;
	[tilespmem:$0x18100] =	vst v63  }
0xda: {  	_ = 	snop  }
0xdb: {  	[tilespmem:s22], [sflag:$0x1] =	stream.indirect_vreg.gather [hbm4b:s5+s3], $0x80, v3, vm0, $0xb8;
	[tilespmem:$0x18100] =	vst v63  }
0xdc: {  	_ = 	snop  }
0xdd: {  	[tilespmem:s23], [sflag:$0x1] =	stream.indirect_vreg.gather [hbm4b:s6+s3], $0x80, v3, vm0, $0xb8;
	[tilespmem:$0x18100] =	vst v63  }
0xde: {  	v3 =	vld [tilespmem:$0xA0];
	_ =	sdelay $0x4  }
0xdf: {  	v58 =	vshrl.u32 v3, $0x3  }
0xe0: {  	v4 =	vmul.u32 $0x30, v58  }
0xe1: {  	v3 =	vand.u32 $0x7, v3  }
0xe2: {  	v3 =	vor.u32 v3, v4  }
0xe3: {  	v4 =	vperm.xlane v3, v0;
	_ =	sdelay $0x1  }
0xe4: {  	v4 =	vadd.s32 v1, v4;
	_ =	sdelay $0x3  }
0xe5: {  	v3 =	vperm.xlane v3, v2  }
0xe6: {  	[tilespmem:s24], [sflag:$0x1] =	stream.indirect_vreg.gather [hbm4b:s2+s3], $0x80, v4, vm0, $0xb8;
	[tilespmem:$0x18100] =	vst v63  }
0xe7: {  	v3 =	vadd.s32 v1, v3  }
0xe8: {  	[tilespmem:s25], [sflag:$0x1] =	stream.indirect_vreg.gather [hbm4b:s5+s3], $0x80, v4, vm0, $0xb8;
	[tilespmem:$0x18100] =	vst v63  }
0xe9: {  	_ = 	snop  }
0xea: {  	[tilespmem:s26], [sflag:$0x1] =	stream.indirect_vreg.gather [hbm4b:s6+s3], $0x80, v4, vm0, $0xb8;
	[tilespmem:$0x18100] =	vst v63  }
0xeb: {  	_ = 	snop  }
0xec: {  	[tilespmem:s28], [sflag:$0x1] =	stream.indirect_vreg.gather [hbm4b:s2+s3], $0x80, v3, vm0, $0xb8;
	[tilespmem:$0x18100] =	vst v63  }
0xed: {  	_ = 	snop  }
0xee: {  	[tilespmem:s29], [sflag:$0x1] =	stream.indirect_vreg.gather [hbm4b:s5+s3], $0x80, v3, vm0, $0xb8;
	[tilespmem:$0x18100] =	vst v63  }
0xef: {  	_ = 	snop  }
0xf0: {  	[tilespmem:s30], [sflag:$0x1] =	stream.indirect_vreg.gather [hbm4b:s6+s3], $0x80, v3, vm0, $0xb8;
	[tilespmem:$0x18100] =	vst v63  }
0xf1: {  	v3 =	vld [tilespmem:$0xB0];
	_ =	sdelay $0x4  }
0xf2: {  	v59 =	vshrl.u32 v3, $0x3  }
0xf3: {  	v4 =	vmul.u32 $0x30, v59  }
0xf4: {  	v3 =	vand.u32 $0x7, v3  }
0xf5: {  	v3 =	vor.u32 v3, v4  }
0xf6: {  	v4 =	vperm.xlane v3, v0;
	_ =	sdelay $0x1  }
0xf7: {  	v4 =	vadd.s32 v1, v4;
	_ =	sdelay $0x3  }
0xf8: {  	v3 =	vperm.xlane v3, v2  }
0xf9: {  	[tilespmem:s31], [sflag:$0x1] =	stream.indirect_vreg.gather [hbm4b:s2+s3], $0x80, v4, vm0, $0xb8;
	[tilespmem:$0x18100] =	vst v63  }
0xfa: {  	v3 =	vadd.s32 v1, v3  }
0xfb: {  	[tilespmem:s1], [sflag:$0x1] =	stream.indirect_vreg.gather [hbm4b:s5+s3], $0x80, v4, vm0, $0xb8;
	[tilespmem:$0x18100] =	vst v63  }
0xfc: {  	s7 =	simm.s32 $0xA100  }
0xfd: {  	[tilespmem:s7], [sflag:$0x1] =	stream.indirect_vreg.gather [hbm4b:s6+s3], $0x80, v4, vm0, $0xb8;
	[tilespmem:$0x18100] =	vst v63  }
0xfe: {  	_ = 	snop  }
0xff: {  	[tilespmem:s9], [sflag:$0x1] =	stream.indirect_vreg.gather [hbm4b:s2+s3], $0x80, v3, vm0, $0xb8;
	[tilespmem:$0x18100] =	vst v63  }
0x100: {  	s12 =	simm.s32 $0xB100  }
0x101: {  	[tilespmem:s12], [sflag:$0x1] =	stream.indirect_vreg.gather [hbm4b:s5+s3], $0x80, v3, vm0, $0xb8;
	[tilespmem:$0x18100] =	vst v63  }
0x102: {  	s1 =	simm.s32 $0x2  }
0x103: {  	[tilespmem:s10], [sflag:$0x1] =	stream.indirect_vreg.gather [hbm4b:s6+s3], $0x80, v3, vm0, $0xb8;
	[tilespmem:$0x18100] =	vst v63  }
0x104: {  	_ =	swait.ge [sflag:s1], $0xC000  }
0x105: {  	[sflag:s1] =	ssyncset.done $0x0  }
0x106: {  	s7 =	rddreg [dreg:$0x4];
	[sflag:s1] =	ssyncadd.s32 $0xFFFF4000  }
0x107: {  	[hbm4b:s7+s3] =	stream.linear.scatter [tilespmem:s11], [sflag:$0x3], $0xC000, $0x38;
	[tilespmem:$0x18100] =	vst v63  }
0x108: {  	_ =	swait.ge [sflag:s8], $0xC000  }
0x109: {  	[sflag:s8] =	ssyncset.done $0x0  }
0x10a: {  	[sflag:s8] =	ssyncadd.s32 $0xFFFF4000  }
0x10b: {  	v3 =	vld [tilespmem:$0xC0];
	_ =	sdelay $0x4  }
0x10c: {  	v60 =	vshrl.u32 v3, $0x3  }
0x10d: {  	v4 =	vmul.u32 $0x30, v60  }
0x10e: {  	v3 =	vand.u32 $0x7, v3  }
0x10f: {  	v3 =	vor.u32 v3, v4  }
0x110: {  	v4 =	vperm.xlane v3, v0;
	_ =	sdelay $0x1  }
0x111: {  	v4 =	vadd.s32 v1, v4;
	_ =	sdelay $0x3  }
0x112: {  	v3 =	vperm.xlane v3, v2  }
0x113: {  	[tilespmem:s11], [sflag:$0x2] =	stream.indirect_vreg.gather [hbm4b:s2+s3], $0x80, v4, vm0, $0xb8;
	[tilespmem:$0x18100] =	vst v63  }
0x114: {  	s12 =	simm.s32 $0xC900;
	v3 =	vadd.s32 v1, v3  }
0x115: {  	[tilespmem:s12], [sflag:$0x2] =	stream.indirect_vreg.gather [hbm4b:s5+s3], $0x80, v4, vm0, $0xb8;
	[tilespmem:$0x18100] =	vst v63  }
0x116: {  	s12 =	simm.s32 $0xD100  }
0x117: {  	[tilespmem:s12], [sflag:$0x2] =	stream.indirect_vreg.gather [hbm4b:s6+s3], $0x80, v4, vm0, $0xb8;
	[tilespmem:$0x18100] =	vst v63  }
0x118: {  	s12 =	simm.s32 $0xD900  }
0x119: {  	[tilespmem:s12], [sflag:$0x2] =	stream.indirect_vreg.gather [hbm4b:s2+s3], $0x80, v3, vm0, $0xb8;
	[tilespmem:$0x18100] =	vst v63  }
0x11a: {  	s12 =	simm.s32 $0xE100  }
0x11b: {  	[tilespmem:s12], [sflag:$0x2] =	stream.indirect_vreg.gather [hbm4b:s5+s3], $0x80, v3, vm0, $0xb8;
	[tilespmem:$0x18100] =	vst v63  }
0x11c: {  	s12 =	simm.s32 $0xE900  }
0x11d: {  	[tilespmem:s12], [sflag:$0x2] =	stream.indirect_vreg.gather [hbm4b:s6+s3], $0x80, v3, vm0, $0xb8;
	[tilespmem:$0x18100] =	vst v63  }
0x11e: {  	v3 =	vld [tilespmem:$0xD0];
	_ =	sdelay $0x4  }
0x11f: {  	v61 =	vshrl.u32 v3, $0x3  }
0x120: {  	v4 =	vmul.u32 $0x30, v61  }
0x121: {  	v3 =	vand.u32 $0x7, v3  }
0x122: {  	v3 =	vor.u32 v3, v4  }
0x123: {  	v4 =	vperm.xlane v3, v0;
	_ =	sdelay $0x1  }
0x124: {  	v4 =	vadd.s32 v1, v4;
	_ =	sdelay $0x3  }
0x125: {  	s12 =	simm.s32 $0xF100;
	v3 =	vperm.xlane v3, v2  }
0x126: {  	[tilespmem:s12], [sflag:$0x2] =	stream.indirect_vreg.gather [hbm4b:s2+s3], $0x80, v4, vm0, $0xb8;
	[tilespmem:$0x18100] =	vst v63  }
0x127: {  	v3 =	vadd.s32 v1, v3;
	s12 =	simm.s32 $0xF900  }
0x128: {  	[tilespmem:s12], [sflag:$0x2] =	stream.indirect_vreg.gather [hbm4b:s5+s3], $0x80, v4, vm0, $0xb8;
	[tilespmem:$0x18100] =	vst v63  }
0x129: {  	s12 =	simm.s32 $0x10100  }
0x12a: {  	[tilespmem:s12], [sflag:$0x2] =	stream.indirect_vreg.gather [hbm4b:s6+s3], $0x80, v4, vm0, $0xb8;
	[tilespmem:$0x18100] =	vst v63  }
0x12b: {  	s12 =	simm.s32 $0x10900  }
0x12c: {  	[tilespmem:s12], [sflag:$0x2] =	stream.indirect_vreg.gather [hbm4b:s2+s3], $0x80, v3, vm0, $0xb8;
	[tilespmem:$0x18100] =	vst v63  }
0x12d: {  	s12 =	simm.s32 $0x11100  }
0x12e: {  	[tilespmem:s12], [sflag:$0x2] =	stream.indirect_vreg.gather [hbm4b:s5+s3], $0x80, v3, vm0, $0xb8;
	[tilespmem:$0x18100] =	vst v63  }
0x12f: {  	s12 =	simm.s32 $0x11900  }
0x130: {  	[tilespmem:s12], [sflag:$0x2] =	stream.indirect_vreg.gather [hbm4b:s6+s3], $0x80, v3, vm0, $0xb8;
	[tilespmem:$0x18100] =	vst v63  }
0x131: {  	v3 =	vld [tilespmem:$0xE0];
	_ =	sdelay $0x4  }
0x132: {  	v62 =	vshrl.u32 v3, $0x3  }
0x133: {  	v4 =	vmul.u32 $0x30, v62  }
0x134: {  	v3 =	vand.u32 $0x7, v3  }
0x135: {  	v3 =	vor.u32 v3, v4  }
0x136: {  	v4 =	vperm.xlane v3, v0;
	_ =	sdelay $0x1  }
0x137: {  	v4 =	vadd.s32 v1, v4;
	_ =	sdelay $0x3  }
0x138: {  	s12 =	simm.s32 $0x12100;
	v3 =	vperm.xlane v3, v2  }
0x139: {  	[tilespmem:s12], [sflag:$0x2] =	stream.indirect_vreg.gather [hbm4b:s2+s3], $0x80, v4, vm0, $0xb8;
	[tilespmem:$0x18100] =	vst v63  }
0x13a: {  	v3 =	vadd.s32 v1, v3;
	s12 =	simm.s32 $0x12900  }
0x13b: {  	[tilespmem:s12], [sflag:$0x2] =	stream.indirect_vreg.gather [hbm4b:s5+s3], $0x80, v4, vm0, $0xb8;
	[tilespmem:$0x18100] =	vst v63  }
0x13c: {  	s12 =	simm.s32 $0x13100  }
0x13d: {  	[tilespmem:s12], [sflag:$0x2] =	stream.indirect_vreg.gather [hbm4b:s6+s3], $0x80, v4, vm0, $0xb8;
	[tilespmem:$0x18100] =	vst v63  }
0x13e: {  	s12 =	simm.s32 $0x13900  }
0x13f: {  	[tilespmem:s12], [sflag:$0x2] =	stream.indirect_vreg.gather [hbm4b:s2+s3], $0x80, v3, vm0, $0xb8;
	[tilespmem:$0x18100] =	vst v63  }
0x140: {  	s12 =	simm.s32 $0x14100  }
0x141: {  	[tilespmem:s12], [sflag:$0x2] =	stream.indirect_vreg.gather [hbm4b:s5+s3], $0x80, v3, vm0, $0xb8;
	[tilespmem:$0x18100] =	vst v63  }
0x142: {  	s12 =	simm.s32 $0x14900  }
0x143: {  	[tilespmem:s12], [sflag:$0x2] =	stream.indirect_vreg.gather [hbm4b:s6+s3], $0x80, v3, vm0, $0xb8;
	[tilespmem:$0x18100] =	vst v63  }
0x144: {  	v3 =	vld [tilespmem:$0xF0];
	_ =	sdelay $0x4  }
0x145: {  	v63 =	vshrl.u32 v3, $0x3  }
0x146: {  	v4 =	vmul.u32 $0x30, v63  }
0x147: {  	v3 =	vand.u32 $0x7, v3  }
0x148: {  	v3 =	vor.u32 v3, v4  }
0x149: {  	v4 =	vperm.xlane v3, v0;
	_ =	sdelay $0x1  }
0x14a: {  	v4 =	vadd.s32 v1, v4;
	_ =	sdelay $0x3  }
0x14b: {  	s12 =	simm.s32 $0x15100;
	v3 =	vperm.xlane v3, v2  }
0x14c: {  	[tilespmem:s12], [sflag:$0x2] =	stream.indirect_vreg.gather [hbm4b:s2+s3], $0x80, v4, vm0, $0xb8;
	[tilespmem:$0x18100] =	vst v63  }
0x14d: {  	v3 =	vadd.s32 v1, v3;
	s12 =	simm.s32 $0x15900  }
0x14e: {  	[tilespmem:s12], [sflag:$0x2] =	stream.indirect_vreg.gather [hbm4b:s5+s3], $0x80, v4, vm0, $0xb8;
	[tilespmem:$0x18100] =	vst v63  }
0x14f: {  	s12 =	simm.s32 $0x16100  }
0x150: {  	[tilespmem:s12], [sflag:$0x2] =	stream.indirect_vreg.gather [hbm4b:s6+s3], $0x80, v4, vm0, $0xb8;
	[tilespmem:$0x18100] =	vst v63  }
0x151: {  	s12 =	simm.s32 $0x16900  }
0x152: {  	[tilespmem:s12], [sflag:$0x2] =	stream.indirect_vreg.gather [hbm4b:s2+s3], $0x80, v3, vm0, $0xb8;
	[tilespmem:$0x18100] =	vst v63  }
0x153: {  	s12 =	simm.s32 $0x17100  }
0x154: {  	[tilespmem:s12], [sflag:$0x2] =	stream.indirect_vreg.gather [hbm4b:s5+s3], $0x80, v3, vm0, $0xb8;
	[tilespmem:$0x18100] =	vst v63  }
0x155: {  	s12 =	simm.s32 $0x17900  }
0x156: {  	[tilespmem:s12], [sflag:$0x2] =	stream.indirect_vreg.gather [hbm4b:s6+s3], $0x80, v3, vm0, $0xb8;
	[tilespmem:$0x18100] =	vst v63  }
0x157: {  	_ =	swait.ge [sflag:s0], $0xC000  }
0x158: {  	[sflag:s0] =	ssyncset.done $0x0  }
0x159: {  	s7 =	simm.s32 $0x100;
	s12 =	rddreg [dreg:$0x5];
	[sflag:s0] =	ssyncadd.s32 $0xFFFF4000  }
0x15a: {  	[hbm4b:s12+s3] =	stream.linear.scatter [tilespmem:s7], [sflag:$0x3], $0xC000, $0x38;
	[tilespmem:$0x18100] =	vst v63  }
0x15b: {  	_ =	swait.ge [sflag:s8], $0xC000  }
0x15c: {  	[sflag:s8] =	ssyncset.done $0x0  }
0x15d: {  	[sflag:s8] =	ssyncadd.s32 $0xFFFF4000  }
0x15e: {  	_ =	swait.ge [sflag:s1], $0xC000  }
0x15f: {  	p0 =	sne.s32 s4, $0x1;
	[sflag:s1] =	ssyncset.done $0x0  }
.Ltmp0:
0x160: {  	s7 =	rddreg [dreg:$0x6];
	[sflag:s1] =	ssyncadd.s32 $0xFFFF4000;
	(pc) =	sbr.rel @p0 .LBB2_1-.Ltmp0, $4  }
0x161: {  	[hbm4b:s7+s3] =	stream.linear.scatter [tilespmem:s11], [sflag:$0x3], $0xC000, $0x38;
	[tilespmem:$0x18100] =	vst v63  }
0x162: {  	_ =	swait.ge [sflag:s8], $0xC000  }
0x163: {  	[sflag:s8] =	ssyncset.done $0x0  }
0x164: {  	s4 =	sadd.s32 $0xFFFFFFFF, s4;
	[sflag:s8] =	ssyncadd.s32 $0xFFFF4000  }
0x165: {  	_ =	sfence.sel $0x180000  }
0x166: {  	[bflag:$0x0] =	sbarrier.arrive $0xFFFF  }
0x167: {  	_ =	strace $0x9000004A  }
0x168: {  	s0 =	stileid.u32;
	[bflag:$0x2] =	sbarrier.arrive $0xFFFF  }
0x169: {  	p0 =	sne.s32 s0, $0x0;
	s0 =	rddreg [dreg:$0x2]  }
0x16a: {  	s0 =	sadd.s32 @!p0 $0x100000, s0  }
0x16b: {  	[sflag:s0] =	ssyncadd.tile.s32 @!p0 $0x1;
	_ =	shalt  }
.Lfunc_end2:
_tile_overlayer_lowered:
.L_overlay_start_2:
0x16c: {  	(tag) =	ssettag $0x2  }
0x16d: {  	s0 =	rddreg [dreg:$0x0];
	s2 =	stileid.u32  }
0x16e: {  	s1 =	rddreg [dreg:$0x1];
	p0 =	sne.s32 s2, $0x0  }
0x16f: {  	s3 =	rddreg [dreg:$0x2];
	[bflag:$0x3] =	sbarrier.arrive $0xFFFF;
	s2 =	simm.s32 @!p0 $0x1C03  }
0x170: {  	[timem:s3], [sflag:s2] =	dma.local @!p0 [hbm:s0], s1  }
0x171: {  	s0 =	simm.s32 @!p0 $0x3  }
0x172: {  	_ =	swait.ge @!p0 [sflag:s0], s1  }
0x173: {  	s1 =	ssub.s32 @!p0 $0x0, s1;
	[sflag:s0] =	ssyncset.done @!p0 $0x0  }
0x174: {  	[sflag:s0] =	ssyncadd.s32 @!p0 s1  }
0x175: {  	[bflag:$0x3] =	sbarrier.arrive $0xFFFF  }
0x176: {  	_ =	shalt  }

// kernel: kernel.16.cloned.1.call-start
scs
__scs_entry_jumppad:
0x0: {  	(pc) =	sbr.rel $0x88, $3  }
0x1: {  	(tag) =	ssettag $0x0;
	lr =	simm.s32 $0x1  }
0x2: {  	[smem:$0x3F98] =	sst lr;
	_ =	strace $0xD0000000  }
0x3: {  	_ = 	snop  }
0x4: {  	_ = 	snop  }
0x5: {  	_ = 	snop  }
0x6: {  	_ = 	snop  }
0x7: {  	_ = 	snop  }
__scs_overlays_trampoline_lowered:
0x8: {  	[smem:$0x3FA7] =	sst s0  }
0x9: {  	[smem:$0x3FA8] =	sst s1  }
0xa: {  	[smem:$0x3FA9] =	sst s2  }
0xb: {  	[smem:$0x3FAA] =	sst s3  }
0xc: {  	[smem:$0x3FAB] =	sst s4  }
0xd: {  	[smem:$0x3FAC] =	sst s5  }
0xe: {  	[smem:$0x3FAD] =	sst s6  }
0xf: {  	[smem:$0x3FAE] =	sst s7  }
0x10: {  	[smem:$0x3FAF] =	sst s8  }
0x11: {  	[smem:$0x3FB0] =	sst s9;
	s0 =	simm.s32 @!p0 $0x0  }
0x12: {  	s1 =	sld [smem:$0x3F96];
	s0 =	simm.s32 @p0 $0x1  }
0x13: {  	[smem:$0x3FB1] =	sst s0;
	s0 =	simm.s32 @!p1 $0x0  }
0x14: {  	s2 =	sld [smem:$0x3F95];
	s0 =	simm.s32 @p1 $0x1  }
0x15: {  	[smem:$0x3FB2] =	sst s0;
	s0 =	simm.s32 @!p2 $0x0  }
0x16: {  	s3 =	sld [smem:$0x3FDB];
	s0 =	simm.s32 @p2 $0x1  }
0x17: {  	s4 =	simm.s32 $0x1BF5;
	[smem:$0x3FB4] =	sst s0  }
0x18: {  	s0 =	sld [smem:$0x3F97];
	_ =	swait.ge [sflag:s4], $0x0  }
0x19: {  	s7 =	sld [smem:$0x3F98]  }
0x1a: {  	s8 =	sadd.s32 $0xFFFFE003, lr  }
0x1b: {  	s9 =	sadd.s32 $0xFFFFFEF7, lr;
	s5 =	simm.s32 $0xFFFFFFFF;
	p2 =	slt.u32 s8, $0xFFFFF086  }
0x1c: {  	p1 =	slt.u32 s9, $0xF7A;
	s5 =	simm.s32 @!p2 $0x0  }
0x1d: {  	s5 =	simm.s32 @p1 $0x1;
	p0 =	seq.s32 s7, s2  }
0x1e: {  	s7 =	smul.u32 @!p0 $0xF7A, s2;
	p2 =	seq.s32 @!p0 s5, $0x0  }
0x1f: {  	s9 =	smul.u32 $0xF7A, s1;
	s8 =	simm.s32 @!p0 $0x1BF5;
	p2 =	por !p2, p0  }
0x20: {  	[sflag:s8] =	ssyncset.s32 @!p0 $0xFFFFF086;
	s6 =	sadd.s32 @!p0 s3, s7;
	s7 =	simm.s32 @!p0 $0x108  }
0x21: {  	s3 =	sadd.s32 s3, s9;
	s6 =	sadd.s32 @!p0 $0x88, s6;
	s7 =	simm.s32 @p2 $0x1082  }
0x22: {  	[simem:s7], [sflag:s8] =	dma.local @!p0 [hbm:s6], $0xF7A  }
0x23: {  	s9 =	sor.u32 $0xD0000000, s2;
	s6 =	simm.s32 $0x108;
	_ =	swait.ge @!p0 [sflag:s8], $0x0  }
0x24: {  	s3 =	sadd.s32 $0x88, s3;
	s6 =	simm.s32 @!p1 $0x1082;
	[sflag:s4] =	ssyncset.s32 $0xFFFFF086  }
0x25: {  	[simem:s6], [sflag:s4] =	dma.local [hbm:s3], $0xF7A  }
0x26: {  	[smem:$0x3F98] =	sst s1;
	(tag) =	ssettag s2;
	_ =	strace s9  }
0x27: {  	s1 =	sld [smem:$0x3FA8]  }
0x28: {  	s2 =	sld [smem:$0x3FA9]  }
0x29: {  	s4 =	sld [smem:$0x3FAB]  }
0x2a: {  	p0 =	seq.s32 s5, $0x0;
	s5 =	sld [smem:$0x3FAC]  }
0x2b: {  	s6 =	sld [smem:$0x3FAD]  }
0x2c: {  	s7 =	sld [smem:$0x3FAE]  }
0x2d: {  	s3 =	simm.s32 $0x108;
	s8 =	sld [smem:$0x3FAF]  }
0x2e: {  	s3 =	simm.s32 @!p0 $0x1082;
	s9 =	sld [smem:$0x3FB0]  }
0x2f: {  	lr =	sadd.s32 s0, s3;
	s0 =	sld [smem:$0x3FA7]  }
0x30: {  	s3 =	sld [smem:$0x3FAA]  }
0x31: {  	[smem:$0x3FB3] =	sst s10  }
0x32: {  	s10 =	sld [smem:$0x3FB1];
	_ =	sdelay $0x3  }
0x33: {  	p0 =	seq.s32 s10, $0x1;
	s10 =	sld [smem:$0x3FB3];
	_ =	sdelay $0x3  }
0x34: {  	[smem:$0x3FB3] =	sst s10  }
0x35: {  	s10 =	sld [smem:$0x3FB2];
	_ =	sdelay $0x3  }
0x36: {  	p1 =	seq.s32 s10, $0x1;
	s10 =	sld [smem:$0x3FB3];
	_ =	sdelay $0x3  }
0x37: {  	[smem:$0x3FB3] =	sst s10  }
0x38: {  	s10 =	sld [smem:$0x3FB4]  }
0x39: {  	_ = 	snop;
	(pc) =	sbr.ind lr, $3  }
0x3a: {  	_ = 	snop  }
0x3b: {  	_ = 	snop  }
0x3c: {  	p2 =	seq.s32 s10, $0x1;
	s10 =	sld [smem:$0x3FB3]  }
0x3d: {  	_ =	shalt  }
0x3e: {  	_ =	shalt  }
0x3f: {  	_ =	shalt  }
0x40: {  	_ =	shalt  }
0x41: {  	_ =	shalt  }
0x42: {  	_ =	shalt  }
0x43: {  	_ =	shalt  }
0x44: {  	_ =	shalt  }
0x45: {  	_ =	shalt  }
0x46: {  	_ =	shalt  }
0x47: {  	_ =	shalt  }
0x48: {  	_ =	shalt  }
0x49: {  	_ =	shalt  }
0x4a: {  	_ =	shalt  }
0x4b: {  	_ =	shalt  }
0x4c: {  	_ =	shalt  }
0x4d: {  	_ =	shalt  }
0x4e: {  	_ =	shalt  }
0x4f: {  	_ =	shalt  }
0x50: {  	_ =	shalt  }
0x51: {  	_ =	shalt  }
0x52: {  	_ =	shalt  }
0x53: {  	_ =	shalt  }
0x54: {  	_ =	shalt  }
0x55: {  	_ =	shalt  }
0x56: {  	_ =	shalt  }
0x57: {  	_ =	shalt  }
0x58: {  	_ =	shalt  }
0x59: {  	_ =	shalt  }
0x5a: {  	_ =	shalt  }
0x5b: {  	_ =	shalt  }
0x5c: {  	_ =	shalt  }
0x5d: {  	_ =	shalt  }
0x5e: {  	_ =	shalt  }
0x5f: {  	_ =	shalt  }
0x60: {  	_ =	shalt  }
0x61: {  	_ =	shalt  }
0x62: {  	_ =	shalt  }
0x63: {  	_ =	shalt  }
0x64: {  	_ =	shalt  }
0x65: {  	_ =	shalt  }
0x66: {  	_ =	shalt  }
0x67: {  	_ =	shalt  }
0x68: {  	_ =	shalt  }
0x69: {  	_ =	shalt  }
0x6a: {  	_ =	shalt  }
0x6b: {  	_ =	shalt  }
0x6c: {  	_ =	shalt  }
0x6d: {  	_ =	shalt  }
0x6e: {  	_ =	shalt  }
0x6f: {  	_ =	shalt  }
0x70: {  	_ =	shalt  }
0x71: {  	_ =	shalt  }
0x72: {  	_ =	shalt  }
0x73: {  	_ =	shalt  }
0x74: {  	_ =	shalt  }
0x75: {  	_ =	shalt  }
0x76: {  	_ =	shalt  }
0x77: {  	_ =	shalt  }
0x78: {  	_ =	shalt  }
0x79: {  	_ =	shalt  }
0x7a: {  	_ =	shalt  }
0x7b: {  	_ =	shalt  }
0x7c: {  	_ =	shalt  }
0x7d: {  	_ =	shalt  }
0x7e: {  	_ =	shalt  }
0x7f: {  	_ =	shalt  }
0x80: {  	_ =	shalt  }
0x81: {  	_ =	shalt  }
0x82: {  	_ =	shalt  }
0x83: {  	_ =	shalt  }
0x84: {  	_ =	shalt  }
0x85: {  	_ =	shalt  }
0x86: {  	_ =	shalt  }
0x87: {  	_ =	shalt  }
.Lfunc_end0:
.L_simem_size_0:
called_computation.2_lowered:
.L_overlay_start_0:
0x88: {  	s2 =	sld [smem:$0x3FD9]  }
0x89: {  	s3 =	sld [smem:$0x3FFE];
	_ =	sdelay $0x1  }
0x8a: {  	s1 =	srdreg.scid  }
0x8b: {  	s0 =	sand.u32 $0x1, s1  }
0x8c: {  	s17 =	sshll.u32 s0, $0xA;
	s2 =	sadd.s32 s3, s2  }
0x8d: {  	s2 =	sadd.s32 s2, s17  }
0x8e: {  	[smem:$0x3FBF] =	sst s2  }
0x8f: {  	_ = 	snop  }
0x90: {  	s18 =	sld [smem:$0x3FC7];
	(tm) =	ssettm $0x1  }
0x91: {  	s19 =	sld [smem:$0x3FFB];
	_ =	sdelay $0x3  }
0x92: {  	_ =	strace s19  }
0x93: {  	s2 =	sld [smem:$0x3FFC];
	_ =	sdelay $0x3  }
0x94: {  	_ =	strace s2  }
0x95: {  	s2 =	sld [smem:$0x3FFD];
	_ =	sdelay $0x3  }
0x96: {  	_ =	strace s2  }
0x97: {  	_ =	strace $0x8FFFFFFF  }
0x98: {  	s20 =	sld [smem:$0x3FDB];
	_ =	sdelay $0x1  }
0x99: {  	s4 =	simm.s32 $_scs_section_size  }
0x9a: {  	s5 =	simm.s32 $_size__tile_overlayer_lowered;
	s6 =	simm.s32 $_tile_overlayer_lowered  }
0x9b: {  	s7 =	simm.s32 $0x1BFF;
	s21 =	sshll.u32 s6, $0x1;
	s4 =	sadd.s32 s4, s20  }
0x9c: {  	s22 =	simm.s32 $0x0;
	s5 =	sshll.u32 s5, $0x1;
	s6 =	sadd.s32 s21, s4  }
0x9d: {  	[timem:s22], [sflag:s7] =	dma.local [hbm:s6], s5  }
0x9e: {  	_ =	swait.ge [sflag:s7], s5  }
0x9f: {  	s5 =	ssub.s32 $0x0, s5;
	[sflag:s7] =	ssyncset.done $0x0  }
0xa0: {  	[sflag:s7] =	ssyncadd.s32 s5;
	_ =	sdelay $0x1  }
0xa1: {  	s23 =	simm.s32 $0x1B8B  }
0xa2: {  	_ =	swait.ge [sflag:s23], $0x1  }
0xa3: {  	[sflag:s23] =	ssyncset.done $0x0  }
0xa4: {  	[sflag:s23] =	ssyncadd.s32 $0xFFFFFFFF  }
0xa5: {  	s5 =	sld [smem:$0x0]  }
0xa6: {  	s6 =	sand.u32 $0xFFFFFFFE, s1  }
0xa7: {  	p0 =	sne.s32 s1, s6  }
0xa8: {  	s6 =	sshll.u32 @p0 s6, $0xE  }
0xa9: {  	s6 =	sadd.s32 @p0 $0x11B8D, s6;
	s7 =	sshll.u32 @p0 s5, $0x11  }
0xaa: {  	s6 =	sor.u32 @p0 s7, s6  }
0xab: {  	[sflag:s6] =	ssyncadd.remote.s32 @p0 $0x1;
	_ =	sdelay $0x1  }
0xac: {  	s6 =	simm.s32 @p0 $0x1B8D  }
0xad: {  	_ =	swait.eq @p0 [sflag:s6], $0x1  }
0xae: {  	[sflag:s6] =	ssyncadd.s32 @p0 $0xFFFFFFFF  }
0xaf: {  	s7 =	sshll.u32 @!p0 s1, $0xE  }
0xb0: {  	s7 =	sor.u32 @!p0 $0x4000, s7;
	s6 =	simm.s32 @!p0 $0x1B8D  }
0xb1: {  	s5 =	sshll.u32 @!p0 s5, $0x11;
	s7 =	sadd.s32 @!p0 $0x11B8D, s7;
	_ =	swait.eq @!p0 [sflag:s6], $0x1  }
0xb2: {  	s5 =	sor.u32 @!p0 s5, s7;
	[sflag:s6] =	ssyncadd.s32 @!p0 $0xFFFFFFFF  }
0xb3: {  	s25 =	simm.s32 $0x1B8E;
	s24 =	sld [smem:$0x3FFE];
	[sflag:s5] =	ssyncadd.remote.s32 @!p0 $0x1  }
0xb4: {  	s26 =	simm.s32 $execute0_lowered;
	[smem:$0x3FD2] =	sst s25  }
0xb5: {  	s6 =	sshll.u32 s26, $0x1;
	_ =	strace $0x8000004C;
	[dreg:$0x1] =	wrdreg $0xFFFFFFFF  }
0xb6: {  	s28 =	simm.s32 $_size_execute0_lowered;
	s4 =	sadd.s32 s4, s6;
	[dreg:$0x0] =	wrdreg $0x0  }
0xb7: {  	s6 =	sshll.u32 s28, $0x1;
	[dreg:$0x2] =	wrdreg s4  }
0xb8: {  	[dreg:$0x3] =	wrdreg s6  }
0xb9: {  	[dreg:$0x4] =	wrdreg $0xC0  }
0xba: {  	_ =	task [dreg:s22], $0x5FFFF  }
0xbb: {  	[dreg:$0x1] =	wrdreg $0xFFFFFFFF  }
0xbc: {  	[dreg:$0x0] =	wrdreg $0x60  }
0xbd: {  	[dreg:$0x2] =	wrdreg s24  }
0xbe: {  	[dreg:$0x3] =	wrdreg s18  }
0xbf: {  	[dreg:$0x4] =	wrdreg $0xB  }
0xc0: {  	_ =	task.clear_ibuf [dreg:s22], $0x5FFFF;
	_ =	strace $0x9000004C  }
0xc1: {  	s29 =	simm.s32 $0xB;
	_ =	strace $0x8000004E  }
0xc2: {  	_ =	swait.ge [sflag:s29], $0x1  }
0xc3: {  	[sflag:s29] =	ssyncadd.s32 $0xFFFFFFFF  }
0xc4: {  	_ =	strace $0x9000004E  }
0xc5: {  	_ =	sfence  }
0xc6: {  	s30 =	sld [smem:$0x0];
	_ =	sdelay $0x2  }
0xc7: {  	s31 =	sshll.u32 s1, $0xD;
	s1 =	sshrl.u32 s1, $0x2  }
0xc8: {  	s4 =	sand.u32 $0x4000, s31;
	s1 =	sadd.s32 s1, s30  }
0xc9: {  	s0 =	sor.u32 s4, s0;
	s1 =	sshll.u32 s1, $0x11  }
0xca: {  	s0 =	sor.u32 s1, s0  }
0xcb: {  	s0 =	sadd.s32 $0x8F2B, s0  }
0xcc: {  	[sflag:s0] =	ssyncadd.remote.s32 $0x1  }
0xcd: {  	_ =	sfence.sel $0xFFFF  }
0xce: {  	[dreg:$0x0] =	wrdreg $0xFFFFFFFF;
	(pc) =	sbr.abs _section_cstart, $3  }
0xcf: {  	[dreg:$0x1] =	wrdreg $0xFFFFFFFF  }
0xd0: {  	_ =	task.clear_ibuf [dreg:s22], $0x2FFFF;
	_ =	strace $0x9FFFFFFF  }
0xd1: {  	(tm) =	ssettm $0x7FFFFFFF  }
tec
execute0_lowered:
.L_overlay_start_1:
0x0: {  	(tag) =	ssettag $0x1  }
0x1: {  	s0 =	srdreg.scid;
	s4 =	rddreg [dreg:$0x0]  }
0x2: {  	s1 =	stileid.u32;
	s2 =	rddreg [dreg:$0x1];
	s3 =	simm.s32 $0x0  }
0x3: {  	s7 =	simm.s32 $0x3;
	s28 =	simm.s32 $0x2180;
	s29 =	simm.s32 $0x2980  }
0x4: {  	s30 =	simm.s32 $0x3180;
	s31 =	simm.s32 $0x3980;
	s9 =	simm.s32 $0x5180  }
0x5: {  	s10 =	simm.s32 $0x5980;
	s0 =	sand.u32 $0x1, s0;
	s1 =	sshll.u32 s1, $0x1  }
0x6: {  	s11 =	simm.s32 $0x6180;
	s12 =	simm.s32 $0x6980;
	s1 =	sor.u32 s0, s1  }
0x7: {  	s13 =	simm.s32 $0x7180;
	s15 =	simm.s32 $0x7980;
	s1 =	smul.u32 $0x140, s1  }
0x8: {  	s16 =	simm.s32 $0x8180;
	s17 =	simm.s32 $0x8980;
	s18 =	simm.s32 $0x9180  }
0x9: {  	s19 =	simm.s32 $0x9980;
	s20 =	simm.s32 $0xA180;
	s1 =	sshrl.u32 s1, $0x3  }
0xa: {  	s14 =	simm.s32 $0xB180;
	[smem:$0x7FF] =	sst s3;
	s5 =	smul.u32 $0x300, s1  }
0xb: {  	_ =	strace $0x8000004D;
	s0 =	ssub.s32 $0x2, s0;
	s1 =	sadd.s32 s1, s4  }
0xc: {  	s23 =	sshrl.u32 s0, $0x1;
	s1 =	sadd.s32 $0xC2E00, s1;
	s5 =	sadd.s32 s5, s4  }
0xd: {  	s0 =	ssub.s32 s0, s23;
	[dreg:$0x3] =	wrdreg s1;
	s22 =	sadd.s32 $0xC3A00, s5  }
0xe: {  	s6 =	smax.u32 s0, $0x1;
	s24 =	sadd.s32 $0xC5800, s5;
	[dreg:$0x4] =	wrdreg s22  }
0xf: {  	s4 =	sadd.s32 $0x100, s2;
	s25 =	sadd.s32 $0xC7600, s5;
	[dreg:$0x5] =	wrdreg s24  }
0x10: {  	v2 =	vlaneseq.u32;
	s1 =	simm.s32 $0x1;
	s26 =	sadd.s32 $0xC9400, s5;
	[dreg:$0x6] =	wrdreg s25  }
0x11: {  	vm0 =	vmmov $0xffff;
	v1 =	vshrl.u32 v2, $0x3;
	s5 =	sadd.s32 $0x200, s2;
	[dreg:$0x7] =	wrdreg s26;
	s22 =	simm.s32 $0x2  }
0x12: {  	v0 =	vand.u32 $0x7, v2;
	v2 =	vor.u32 $0x8, v2;
	v1 =	vmul.u32 $0x8, v1;
	s24 =	simm.s32 $0x980;
	s25 =	simm.s32 $0x1180;
	s26 =	simm.s32 $0x1980  }
.LBB2_1:
0x13: {  	s23 =	rddreg [dreg:$0x3]  }
0x14: {  	[tilespmem:s3], [sflag:$0x3] =	stream.linear.gather [hbm4b:s23+s3], $0x140, $0x38;
	[tilespmem:$0x1E180] =	vst v63  }
0x15: {  	_ =	swait.ge [sflag:s7], $0x140  }
0x16: {  	[sflag:s7] =	ssyncset.done $0x0  }
0x17: {  	[sflag:s7] =	ssyncadd.s32 $0xFFFFFEC0  }
0x18: {  	v3 =	vld [tilespmem:$0x0];
	_ =	sdelay $0x4  }
0x19: {  	v4 =	vshrl.u32 v3, $0x3  }
0x1a: {  	v4 =	vmul.u32 $0x30, v4  }
0x1b: {  	v3 =	vand.u32 $0x7, v3  }
0x1c: {  	v3 =	vor.u32 v3, v4  }
0x1d: {  	v4 =	vperm.xlane v3, v0;
	_ =	sdelay $0x1  }
0x1e: {  	v4 =	vadd.s32 v1, v4;
	_ =	sdelay $0x3  }
0x1f: {  	s0 =	simm.s32 $0x180;
	v3 =	vperm.xlane v3, v2  }
0x20: {  	[tilespmem:s0], [sflag:$0x1] =	stream.indirect_vreg.gather [hbm4b:s2+s3], $0x80, v4, vm0, $0xb8;
	[tilespmem:$0x1E180] =	vst v63  }
0x21: {  	v3 =	vadd.s32 v1, v3  }
0x22: {  	[tilespmem:s24], [sflag:$0x1] =	stream.indirect_vreg.gather [hbm4b:s4+s3], $0x80, v4, vm0, $0xb8;
	[tilespmem:$0x1E180] =	vst v63  }
0x23: {  	_ = 	snop  }
0x24: {  	[tilespmem:s25], [sflag:$0x1] =	stream.indirect_vreg.gather [hbm4b:s5+s3], $0x80, v4, vm0, $0xb8;
	[tilespmem:$0x1E180] =	vst v63  }
0x25: {  	_ = 	snop  }
0x26: {  	[tilespmem:s26], [sflag:$0x1] =	stream.indirect_vreg.gather [hbm4b:s2+s3], $0x80, v3, vm0, $0xb8;
	[tilespmem:$0x1E180] =	vst v63  }
0x27: {  	_ = 	snop  }
0x28: {  	[tilespmem:s28], [sflag:$0x1] =	stream.indirect_vreg.gather [hbm4b:s4+s3], $0x80, v3, vm0, $0xb8;
	[tilespmem:$0x1E180] =	vst v63  }
0x29: {  	_ = 	snop  }
0x2a: {  	[tilespmem:s29], [sflag:$0x1] =	stream.indirect_vreg.gather [hbm4b:s5+s3], $0x80, v3, vm0, $0xb8;
	[tilespmem:$0x1E180] =	vst v63  }
0x2b: {  	v3 =	vld [tilespmem:$0x10];
	_ =	sdelay $0x4  }
0x2c: {  	v45 =	vshrl.u32 v3, $0x3  }
0x2d: {  	v4 =	vmul.u32 $0x30, v45  }
0x2e: {  	v3 =	vand.u32 $0x7, v3  }
0x2f: {  	v3 =	vor.u32 v3, v4  }
0x30: {  	v4 =	vperm.xlane v3, v0;
	_ =	sdelay $0x1  }
0x31: {  	v4 =	vadd.s32 v1, v4;
	_ =	sdelay $0x3  }
0x32: {  	v3 =	vperm.xlane v3, v2  }
0x33: {  	[tilespmem:s30], [sflag:$0x1] =	stream.indirect_vreg.gather [hbm4b:s2+s3], $0x80, v4, vm0, $0xb8;
	[tilespmem:$0x1E180] =	vst v63  }
0x34: {  	v3 =	vadd.s32 v1, v3  }
0x35: {  	[tilespmem:s31], [sflag:$0x1] =	stream.indirect_vreg.gather [hbm4b:s4+s3], $0x80, v4, vm0, $0xb8;
	[tilespmem:$0x1E180] =	vst v63  }
0x36: {  	s23 =	simm.s32 $0x4180  }
0x37: {  	[tilespmem:s23], [sflag:$0x1] =	stream.indirect_vreg.gather [hbm4b:s5+s3], $0x80, v4, vm0, $0xb8;
	[tilespmem:$0x1E180] =	vst v63  }
0x38: {  	s8 =	simm.s32 $0x4980  }
0x39: {  	[tilespmem:s8], [sflag:$0x1] =	stream.indirect_vreg.gather [hbm4b:s2+s3], $0x80, v3, vm0, $0xb8;
	[tilespmem:$0x1E180] =	vst v63  }
0x3a: {  	_ = 	snop  }
0x3b: {  	[tilespmem:s9], [sflag:$0x1] =	stream.indirect_vreg.gather [hbm4b:s4+s3], $0x80, v3, vm0, $0xb8;
	[tilespmem:$0x1E180] =	vst v63  }
0x3c: {  	_ = 	snop  }
0x3d: {  	[tilespmem:s10], [sflag:$0x1] =	stream.indirect_vreg.gather [hbm4b:s5+s3], $0x80, v3, vm0, $0xb8;
	[tilespmem:$0x1E180] =	vst v63  }
0x3e: {  	v3 =	vld [tilespmem:$0x20];
	_ =	sdelay $0x4  }
0x3f: {  	v46 =	vshrl.u32 v3, $0x3  }
0x40: {  	v4 =	vmul.u32 $0x30, v46  }
0x41: {  	v3 =	vand.u32 $0x7, v3  }
0x42: {  	v3 =	vor.u32 v3, v4  }
0x43: {  	v4 =	vperm.xlane v3, v0;
	_ =	sdelay $0x1  }
0x44: {  	v4 =	vadd.s32 v1, v4;
	_ =	sdelay $0x3  }
0x45: {  	v3 =	vperm.xlane v3, v2  }
0x46: {  	[tilespmem:s11], [sflag:$0x1] =	stream.indirect_vreg.gather [hbm4b:s2+s3], $0x80, v4, vm0, $0xb8;
	[tilespmem:$0x1E180] =	vst v63  }
0x47: {  	v3 =	vadd.s32 v1, v3  }
0x48: {  	[tilespmem:s12], [sflag:$0x1] =	stream.indirect_vreg.gather [hbm4b:s4+s3], $0x80, v4, vm0, $0xb8;
	[tilespmem:$0x1E180] =	vst v63  }
0x49: {  	_ = 	snop  }
0x4a: {  	[tilespmem:s13], [sflag:$0x1] =	stream.indirect_vreg.gather [hbm4b:s5+s3], $0x80, v4, vm0, $0xb8;
	[tilespmem:$0x1E180] =	vst v63  }
0x4b: {  	_ = 	snop  }
0x4c: {  	[tilespmem:s15], [sflag:$0x1] =	stream.indirect_vreg.gather [hbm4b:s2+s3], $0x80, v3, vm0, $0xb8;
	[tilespmem:$0x1E180] =	vst v63  }
0x4d: {  	_ = 	snop  }
0x4e: {  	[tilespmem:s16], [sflag:$0x1] =	stream.indirect_vreg.gather [hbm4b:s4+s3], $0x80, v3, vm0, $0xb8;
	[tilespmem:$0x1E180] =	vst v63  }
0x4f: {  	_ = 	snop  }
0x50: {  	[tilespmem:s17], [sflag:$0x1] =	stream.indirect_vreg.gather [hbm4b:s5+s3], $0x80, v3, vm0, $0xb8;
	[tilespmem:$0x1E180] =	vst v63  }
0x51: {  	v3 =	vld [tilespmem:$0x30];
	_ =	sdelay $0x4  }
0x52: {  	v47 =	vshrl.u32 v3, $0x3  }
0x53: {  	v4 =	vmul.u32 $0x30, v47  }
0x54: {  	v3 =	vand.u32 $0x7, v3  }
0x55: {  	v3 =	vor.u32 v3, v4  }
0x56: {  	v4 =	vperm.xlane v3, v0;
	_ =	sdelay $0x1  }
0x57: {  	v4 =	vadd.s32 v1, v4;
	_ =	sdelay $0x3  }
0x58: {  	v3 =	vperm.xlane v3, v2  }
0x59: {  	[tilespmem:s18], [sflag:$0x1] =	stream.indirect_vreg.gather [hbm4b:s2+s3], $0x80, v4, vm0, $0xb8;
	[tilespmem:$0x1E180] =	vst v63  }
0x5a: {  	v3 =	vadd.s32 v1, v3  }
0x5b: {  	[tilespmem:s19], [sflag:$0x1] =	stream.indirect_vreg.gather [hbm4b:s4+s3], $0x80, v4, vm0, $0xb8;
	[tilespmem:$0x1E180] =	vst v63  }
0x5c: {  	_ = 	snop  }
0x5d: {  	[tilespmem:s20], [sflag:$0x1] =	stream.indirect_vreg.gather [hbm4b:s5+s3], $0x80, v4, vm0, $0xb8;
	[tilespmem:$0x1E180] =	vst v63  }
0x5e: {  	s8 =	simm.s32 $0xA980  }
0x5f: {  	[tilespmem:s8], [sflag:$0x1] =	stream.indirect_vreg.gather [hbm4b:s2+s3], $0x80, v3, vm0, $0xb8;
	[tilespmem:$0x1E180] =	vst v63  }
0x60: {  	_ = 	snop  }
0x61: {  	[tilespmem:s14], [sflag:$0x1] =	stream.indirect_vreg.gather [hbm4b:s4+s3], $0x80, v3, vm0, $0xb8;
	[tilespmem:$0x1E180] =	vst v63  }
0x62: {  	s21 =	simm.s32 $0xB980  }
0x63: {  	[tilespmem:s21], [sflag:$0x1] =	stream.indirect_vreg.gather [hbm4b:s5+s3], $0x80, v3, vm0, $0xb8;
	[tilespmem:$0x1E180] =	vst v63  }
0x64: {  	v3 =	vld [tilespmem:$0x40];
	_ =	sdelay $0x4  }
0x65: {  	v48 =	vshrl.u32 v3, $0x3  }
0x66: {  	v4 =	vmul.u32 $0x30, v48  }
0x67: {  	v3 =	vand.u32 $0x7, v3  }
0x68: {  	v3 =	vor.u32 v3, v4  }
0x69: {  	v4 =	vperm.xlane v3, v0;
	_ =	sdelay $0x1  }
0x6a: {  	v4 =	vadd.s32 v1, v4;
	_ =	sdelay $0x3  }
0x6b: {  	s23 =	simm.s32 $0xC180;
	v3 =	vperm.xlane v3, v2  }
0x6c: {  	[tilespmem:s23], [sflag:$0x1] =	stream.indirect_vreg.gather [hbm4b:s2+s3], $0x80, v4, vm0, $0xb8;
	[tilespmem:$0x1E180] =	vst v63  }
0x6d: {  	s21 =	simm.s32 $0xC980;
	v3 =	vadd.s32 v1, v3  }
0x6e: {  	[tilespmem:s21], [sflag:$0x1] =	stream.indirect_vreg.gather [hbm4b:s4+s3], $0x80, v4, vm0, $0xb8;
	[tilespmem:$0x1E180] =	vst v63  }
0x6f: {  	s23 =	simm.s32 $0xD180  }
0x70: {  	[tilespmem:s23], [sflag:$0x1] =	stream.indirect_vreg.gather [hbm4b:s5+s3], $0x80, v4, vm0, $0xb8;
	[tilespmem:$0x1E180] =	vst v63  }
0x71: {  	s21 =	simm.s32 $0xD980  }
0x72: {  	[tilespmem:s21], [sflag:$0x1] =	stream.indirect_vreg.gather [hbm4b:s2+s3], $0x80, v3, vm0, $0xb8;
	[tilespmem:$0x1E180] =	vst v63  }
0x73: {  	s23 =	simm.s32 $0xE180  }
0x74: {  	[tilespmem:s23], [sflag:$0x1] =	stream.indirect_vreg.gather [hbm4b:s4+s3], $0x80, v3, vm0, $0xb8;
	[tilespmem:$0x1E180] =	vst v63  }
0x75: {  	s21 =	simm.s32 $0xE980  }
0x76: {  	[tilespmem:s21], [sflag:$0x1] =	stream.indirect_vreg.gather [hbm4b:s5+s3], $0x80, v3, vm0, $0xb8;
	[tilespmem:$0x1E180] =	vst v63  }
0x77: {  	v3 =	vld [tilespmem:$0x50];
	_ =	sdelay $0x4  }
0x78: {  	v49 =	vshrl.u32 v3, $0x3  }
0x79: {  	v4 =	vmul.u32 $0x30, v49  }
0x7a: {  	v3 =	vand.u32 $0x7, v3  }
0x7b: {  	v3 =	vor.u32 v3, v4  }
0x7c: {  	v4 =	vperm.xlane v3, v0;
	_ =	sdelay $0x1  }
0x7d: {  	v4 =	vadd.s32 v1, v4;
	_ =	sdelay $0x3  }
0x7e: {  	s0 =	simm.s32 $0xF180;
	v3 =	vperm.xlane v3, v2  }
0x7f: {  	[tilespmem:s0], [sflag:$0x2] =	stream.indirect_vreg.gather [hbm4b:s2+s3], $0x80, v4, vm0, $0xb8;
	[tilespmem:$0x1E180] =	vst v63  }
0x80: {  	s21 =	simm.s32 $0xF980;
	v3 =	vadd.s32 v1, v3  }
0x81: {  	[tilespmem:s21], [sflag:$0x2] =	stream.indirect_vreg.gather [hbm4b:s4+s3], $0x80, v4, vm0, $0xb8;
	[tilespmem:$0x1E180] =	vst v63  }
0x82: {  	s23 =	simm.s32 $0x10180  }
0x83: {  	[tilespmem:s23], [sflag:$0x2] =	stream.indirect_vreg.gather [hbm4b:s5+s3], $0x80, v4, vm0, $0xb8;
	[tilespmem:$0x1E180] =	vst v63  }
0x84: {  	s23 =	simm.s32 $0x10980  }
0x85: {  	[tilespmem:s23], [sflag:$0x2] =	stream.indirect_vreg.gather [hbm4b:s2+s3], $0x80, v3, vm0, $0xb8;
	[tilespmem:$0x1E180] =	vst v63  }
0x86: {  	s23 =	simm.s32 $0x11180  }
0x87: {  	[tilespmem:s23], [sflag:$0x2] =	stream.indirect_vreg.gather [hbm4b:s4+s3], $0x80, v3, vm0, $0xb8;
	[tilespmem:$0x1E180] =	vst v63  }
0x88: {  	s23 =	simm.s32 $0x11980  }
0x89: {  	[tilespmem:s23], [sflag:$0x2] =	stream.indirect_vreg.gather [hbm4b:s5+s3], $0x80, v3, vm0, $0xb8;
	[tilespmem:$0x1E180] =	vst v63  }
0x8a: {  	v3 =	vld [tilespmem:$0x60];
	_ =	sdelay $0x4  }
0x8b: {  	v50 =	vshrl.u32 v3, $0x3  }
0x8c: {  	v4 =	vmul.u32 $0x30, v50  }
0x8d: {  	v3 =	vand.u32 $0x7, v3  }
0x8e: {  	v3 =	vor.u32 v3, v4  }
0x8f: {  	v4 =	vperm.xlane v3, v0;
	_ =	sdelay $0x1  }
0x90: {  	v4 =	vadd.s32 v1, v4;
	_ =	sdelay $0x3  }
0x91: {  	s23 =	simm.s32 $0x12180;
	v3 =	vperm.xlane v3, v2  }
0x92: {  	[tilespmem:s23], [sflag:$0x2] =	stream.indirect_vreg.gather [hbm4b:s2+s3], $0x80, v4, vm0, $0xb8;
	[tilespmem:$0x1E180] =	vst v63  }
0x93: {  	v3 =	vadd.s32 v1, v3;
	s23 =	simm.s32 $0x12980  }
0x94: {  	[tilespmem:s23], [sflag:$0x2] =	stream.indirect_vreg.gather [hbm4b:s4+s3], $0x80, v4, vm0, $0xb8;
	[tilespmem:$0x1E180] =	vst v63  }
0x95: {  	s23 =	simm.s32 $0x13180  }
0x96: {  	[tilespmem:s23], [sflag:$0x2] =	stream.indirect_vreg.gather [hbm4b:s5+s3], $0x80, v4, vm0, $0xb8;
	[tilespmem:$0x1E180] =	vst v63  }
0x97: {  	s23 =	simm.s32 $0x13980  }
0x98: {  	[tilespmem:s23], [sflag:$0x2] =	stream.indirect_vreg.gather [hbm4b:s2+s3], $0x80, v3, vm0, $0xb8;
	[tilespmem:$0x1E180] =	vst v63  }
0x99: {  	s23 =	simm.s32 $0x14180  }
0x9a: {  	[tilespmem:s23], [sflag:$0x2] =	stream.indirect_vreg.gather [hbm4b:s4+s3], $0x80, v3, vm0, $0xb8;
	[tilespmem:$0x1E180] =	vst v63  }
0x9b: {  	s23 =	simm.s32 $0x14980  }
0x9c: {  	[tilespmem:s23], [sflag:$0x2] =	stream.indirect_vreg.gather [hbm4b:s5+s3], $0x80, v3, vm0, $0xb8;
	[tilespmem:$0x1E180] =	vst v63  }
0x9d: {  	v3 =	vld [tilespmem:$0x70];
	_ =	sdelay $0x4  }
0x9e: {  	v51 =	vshrl.u32 v3, $0x3  }
0x9f: {  	v4 =	vmul.u32 $0x30, v51  }
0xa0: {  	v3 =	vand.u32 $0x7, v3  }
0xa1: {  	v3 =	vor.u32 v3, v4  }
0xa2: {  	v4 =	vperm.xlane v3, v0;
	_ =	sdelay $0x1  }
0xa3: {  	v4 =	vadd.s32 v1, v4;
	_ =	sdelay $0x3  }
0xa4: {  	s23 =	simm.s32 $0x15180;
	v3 =	vperm.xlane v3, v2  }
0xa5: {  	[tilespmem:s23], [sflag:$0x2] =	stream.indirect_vreg.gather [hbm4b:s2+s3], $0x80, v4, vm0, $0xb8;
	[tilespmem:$0x1E180] =	vst v63  }
0xa6: {  	v3 =	vadd.s32 v1, v3;
	s23 =	simm.s32 $0x15980  }
0xa7: {  	[tilespmem:s23], [sflag:$0x2] =	stream.indirect_vreg.gather [hbm4b:s4+s3], $0x80, v4, vm0, $0xb8;
	[tilespmem:$0x1E180] =	vst v63  }
0xa8: {  	s23 =	simm.s32 $0x16180  }
0xa9: {  	[tilespmem:s23], [sflag:$0x2] =	stream.indirect_vreg.gather [hbm4b:s5+s3], $0x80, v4, vm0, $0xb8;
	[tilespmem:$0x1E180] =	vst v63  }
0xaa: {  	s23 =	simm.s32 $0x16980  }
0xab: {  	[tilespmem:s23], [sflag:$0x2] =	stream.indirect_vreg.gather [hbm4b:s2+s3], $0x80, v3, vm0, $0xb8;
	[tilespmem:$0x1E180] =	vst v63  }
0xac: {  	s23 =	simm.s32 $0x17180  }
0xad: {  	[tilespmem:s23], [sflag:$0x2] =	stream.indirect_vreg.gather [hbm4b:s4+s3], $0x80, v3, vm0, $0xb8;
	[tilespmem:$0x1E180] =	vst v63  }
0xae: {  	s23 =	simm.s32 $0x17980  }
0xaf: {  	[tilespmem:s23], [sflag:$0x2] =	stream.indirect_vreg.gather [hbm4b:s5+s3], $0x80, v3, vm0, $0xb8;
	[tilespmem:$0x1E180] =	vst v63  }
0xb0: {  	v3 =	vld [tilespmem:$0x80];
	_ =	sdelay $0x4  }
0xb1: {  	v52 =	vshrl.u32 v3, $0x3  }
0xb2: {  	v4 =	vmul.u32 $0x30, v52  }
0xb3: {  	v3 =	vand.u32 $0x7, v3  }
0xb4: {  	v3 =	vor.u32 v3, v4  }
0xb5: {  	v4 =	vperm.xlane v3, v0;
	_ =	sdelay $0x1  }
0xb6: {  	v4 =	vadd.s32 v1, v4;
	_ =	sdelay $0x3  }
0xb7: {  	s23 =	simm.s32 $0x18180;
	v3 =	vperm.xlane v3, v2  }
0xb8: {  	[tilespmem:s23], [sflag:$0x2] =	stream.indirect_vreg.gather [hbm4b:s2+s3], $0x80, v4, vm0, $0xb8;
	[tilespmem:$0x1E180] =	vst v63  }
0xb9: {  	v3 =	vadd.s32 v1, v3;
	s23 =	simm.s32 $0x18980  }
0xba: {  	[tilespmem:s23], [sflag:$0x2] =	stream.indirect_vreg.gather [hbm4b:s4+s3], $0x80, v4, vm0, $0xb8;
	[tilespmem:$0x1E180] =	vst v63  }
0xbb: {  	s23 =	simm.s32 $0x19180  }
0xbc: {  	[tilespmem:s23], [sflag:$0x2] =	stream.indirect_vreg.gather [hbm4b:s5+s3], $0x80, v4, vm0, $0xb8;
	[tilespmem:$0x1E180] =	vst v63  }
0xbd: {  	s23 =	simm.s32 $0x19980  }
0xbe: {  	[tilespmem:s23], [sflag:$0x2] =	stream.indirect_vreg.gather [hbm4b:s2+s3], $0x80, v3, vm0, $0xb8;
	[tilespmem:$0x1E180] =	vst v63  }
0xbf: {  	s23 =	simm.s32 $0x1A180  }
0xc0: {  	[tilespmem:s23], [sflag:$0x2] =	stream.indirect_vreg.gather [hbm4b:s4+s3], $0x80, v3, vm0, $0xb8;
	[tilespmem:$0x1E180] =	vst v63  }
0xc1: {  	s23 =	simm.s32 $0x1A980  }
0xc2: {  	[tilespmem:s23], [sflag:$0x2] =	stream.indirect_vreg.gather [hbm4b:s5+s3], $0x80, v3, vm0, $0xb8;
	[tilespmem:$0x1E180] =	vst v63  }
0xc3: {  	v3 =	vld [tilespmem:$0x90];
	_ =	sdelay $0x4  }
0xc4: {  	v53 =	vshrl.u32 v3, $0x3  }
0xc5: {  	v4 =	vmul.u32 $0x30, v53  }
0xc6: {  	v3 =	vand.u32 $0x7, v3  }
0xc7: {  	v3 =	vor.u32 v3, v4  }
0xc8: {  	v4 =	vperm.xlane v3, v0;
	_ =	sdelay $0x1  }
0xc9: {  	v4 =	vadd.s32 v1, v4;
	_ =	sdelay $0x3  }
0xca: {  	s23 =	simm.s32 $0x1B180;
	v3 =	vperm.xlane v3, v2  }
0xcb: {  	[tilespmem:s23], [sflag:$0x2] =	stream.indirect_vreg.gather [hbm4b:s2+s3], $0x80, v4, vm0, $0xb8;
	[tilespmem:$0x1E180] =	vst v63  }
0xcc: {  	v3 =	vadd.s32 v1, v3;
	s23 =	simm.s32 $0x1B980  }
0xcd: {  	[tilespmem:s23], [sflag:$0x2] =	stream.indirect_vreg.gather [hbm4b:s4+s3], $0x80, v4, vm0, $0xb8;
	[tilespmem:$0x1E180] =	vst v63  }
0xce: {  	s23 =	simm.s32 $0x1C180  }
0xcf: {  	[tilespmem:s23], [sflag:$0x2] =	stream.indirect_vreg.gather [hbm4b:s5+s3], $0x80, v4, vm0, $0xb8;
	[tilespmem:$0x1E180] =	vst v63  }
0xd0: {  	s23 =	simm.s32 $0x1C980  }
0xd1: {  	[tilespmem:s23], [sflag:$0x2] =	stream.indirect_vreg.gather [hbm4b:s2+s3], $0x80, v3, vm0, $0xb8;
	[tilespmem:$0x1E180] =	vst v63  }
0xd2: {  	s23 =	simm.s32 $0x1D180  }
0xd3: {  	[tilespmem:s23], [sflag:$0x2] =	stream.indirect_vreg.gather [hbm4b:s4+s3], $0x80, v3, vm0, $0xb8;
	[tilespmem:$0x1E180] =	vst v63  }
0xd4: {  	s23 =	simm.s32 $0x1D980  }
0xd5: {  	[tilespmem:s23], [sflag:$0x2] =	stream.indirect_vreg.gather [hbm4b:s5+s3], $0x80, v3, vm0, $0xb8;
	[tilespmem:$0x1E180] =	vst v63  }
0xd6: {  	_ =	swait.ge [sflag:s1], $0xF000  }
0xd7: {  	[sflag:s1] =	ssyncset.done $0x0  }
0xd8: {  	s21 =	simm.s32 $0x180;
	s23 =	rddreg [dreg:$0x4];
	[sflag:s1] =	ssyncadd.s32 $0xFFFF1000  }
0xd9: {  	[hbm4b:s23+s3] =	stream.linear.scatter [tilespmem:s21], [sflag:$0x3], $0xF000, $0x38;
	[tilespmem:$0x1E180] =	vst v63  }
0xda: {  	_ =	swait.ge [sflag:s7], $0xF000  }
0xdb: {  	[sflag:s7] =	ssyncset.done $0x0  }
0xdc: {  	[sflag:s7] =	ssyncadd.s32 $0xFFFF1000  }
0xdd: {  	v3 =	vld [tilespmem:$0xA0];
	_ =	sdelay $0x4  }
0xde: {  	v54 =	vshrl.u32 v3, $0x3  }
0xdf: {  	v4 =	vmul.u32 $0x30, v54  }
0xe0: {  	v3 =	vand.u32 $0x7, v3  }
0xe1: {  	v3 =	vor.u32 v3, v4  }
0xe2: {  	v4 =	vperm.xlane v3, v0;
	_ =	sdelay $0x1  }
0xe3: {  	v4 =	vadd.s32 v1, v4;
	_ =	sdelay $0x3  }
0xe4: {  	v3 =	vperm.xlane v3, v2  }
0xe5: {  	[tilespmem:s21], [sflag:$0x1] =	stream.indirect_vreg.gather [hbm4b:s2+s3], $0x80, v4, vm0, $0xb8;
	[tilespmem:$0x1E180] =	vst v63  }
0xe6: {  	v3 =	vadd.s32 v1, v3  }
0xe7: {  	[tilespmem:s24], [sflag:$0x1] =	stream.indirect_vreg.gather [hbm4b:s4+s3], $0x80, v4, vm0, $0xb8;
	[tilespmem:$0x1E180] =	vst v63  }
0xe8: {  	_ = 	snop  }
0xe9: {  	[tilespmem:s25], [sflag:$0x1] =	stream.indirect_vreg.gather [hbm4b:s5+s3], $0x80, v4, vm0, $0xb8;
	[tilespmem:$0x1E180] =	vst v63  }
0xea: {  	_ = 	snop  }
0xeb: {  	[tilespmem:s26], [sflag:$0x1] =	stream.indirect_vreg.gather [hbm4b:s2+s3], $0x80, v3, vm0, $0xb8;
	[tilespmem:$0x1E180] =	vst v63  }
0xec: {  	_ = 	snop  }
0xed: {  	[tilespmem:s28], [sflag:$0x1] =	stream.indirect_vreg.gather [hbm4b:s4+s3], $0x80, v3, vm0, $0xb8;
	[tilespmem:$0x1E180] =	vst v63  }
0xee: {  	_ = 	snop  }
0xef: {  	[tilespmem:s29], [sflag:$0x1] =	stream.indirect_vreg.gather [hbm4b:s5+s3], $0x80, v3, vm0, $0xb8;
	[tilespmem:$0x1E180] =	vst v63  }
0xf0: {  	v3 =	vld [tilespmem:$0xB0];
	_ =	sdelay $0x4  }
0xf1: {  	v55 =	vshrl.u32 v3, $0x3  }
0xf2: {  	v4 =	vmul.u32 $0x30, v55  }
0xf3: {  	v3 =	vand.u32 $0x7, v3  }
0xf4: {  	v3 =	vor.u32 v3, v4  }
0xf5: {  	v4 =	vperm.xlane v3, v0;
	_ =	sdelay $0x1  }
0xf6: {  	v4 =	vadd.s32 v1, v4;
	_ =	sdelay $0x3  }
0xf7: {  	v3 =	vperm.xlane v3, v2  }
0xf8: {  	[tilespmem:s30], [sflag:$0x1] =	stream.indirect_vreg.gather [hbm4b:s2+s3], $0x80, v4, vm0, $0xb8;
	[tilespmem:$0x1E180] =	vst v63  }
0xf9: {  	v3 =	vadd.s32 v1, v3  }
0xfa: {  	[tilespmem:s31], [sflag:$0x1] =	stream.indirect_vreg.gather [hbm4b:s4+s3], $0x80, v4, vm0, $0xb8;
	[tilespmem:$0x1E180] =	vst v63  }
0xfb: {  	s23 =	simm.s32 $0x4180  }
0xfc: {  	[tilespmem:s23], [sflag:$0x1] =	stream.indirect_vreg.gather [hbm4b:s5+s3], $0x80, v4, vm0, $0xb8;
	[tilespmem:$0x1E180] =	vst v63  }
0xfd: {  	s23 =	simm.s32 $0x4980  }
0xfe: {  	[tilespmem:s23], [sflag:$0x1] =	stream.indirect_vreg.gather [hbm4b:s2+s3], $0x80, v3, vm0, $0xb8;
	[tilespmem:$0x1E180] =	vst v63  }
0xff: {  	_ = 	snop  }
0x100: {  	[tilespmem:s9], [sflag:$0x1] =	stream.indirect_vreg.gather [hbm4b:s4+s3], $0x80, v3, vm0, $0xb8;
	[tilespmem:$0x1E180] =	vst v63  }
0x101: {  	_ = 	snop  }
0x102: {  	[tilespmem:s10], [sflag:$0x1] =	stream.indirect_vreg.gather [hbm4b:s5+s3], $0x80, v3, vm0, $0xb8;
	[tilespmem:$0x1E180] =	vst v63  }
0x103: {  	v3 =	vld [tilespmem:$0xC0];
	_ =	sdelay $0x4  }
0x104: {  	v56 =	vshrl.u32 v3, $0x3  }
0x105: {  	v4 =	vmul.u32 $0x30, v56  }
0x106: {  	v3 =	vand.u32 $0x7, v3  }
0x107: {  	v3 =	vor.u32 v3, v4  }
0x108: {  	v4 =	vperm.xlane v3, v0;
	_ =	sdelay $0x1  }
0x109: {  	v4 =	vadd.s32 v1, v4;
	_ =	sdelay $0x3  }
0x10a: {  	v3 =	vperm.xlane v3, v2  }
0x10b: {  	[tilespmem:s11], [sflag:$0x1] =	stream.indirect_vreg.gather [hbm4b:s2+s3], $0x80, v4, vm0, $0xb8;
	[tilespmem:$0x1E180] =	vst v63  }
0x10c: {  	v3 =	vadd.s32 v1, v3  }
0x10d: {  	[tilespmem:s12], [sflag:$0x1] =	stream.indirect_vreg.gather [hbm4b:s4+s3], $0x80, v4, vm0, $0xb8;
	[tilespmem:$0x1E180] =	vst v63  }
0x10e: {  	_ = 	snop  }
0x10f: {  	[tilespmem:s13], [sflag:$0x1] =	stream.indirect_vreg.gather [hbm4b:s5+s3], $0x80, v4, vm0, $0xb8;
	[tilespmem:$0x1E180] =	vst v63  }
0x110: {  	_ = 	snop  }
0x111: {  	[tilespmem:s15], [sflag:$0x1] =	stream.indirect_vreg.gather [hbm4b:s2+s3], $0x80, v3, vm0, $0xb8;
	[tilespmem:$0x1E180] =	vst v63  }
0x112: {  	_ = 	snop  }
0x113: {  	[tilespmem:s16], [sflag:$0x1] =	stream.indirect_vreg.gather [hbm4b:s4+s3], $0x80, v3, vm0, $0xb8;
	[tilespmem:$0x1E180] =	vst v63  }
0x114: {  	_ = 	snop  }
0x115: {  	[tilespmem:s17], [sflag:$0x1] =	stream.indirect_vreg.gather [hbm4b:s5+s3], $0x80, v3, vm0, $0xb8;
	[tilespmem:$0x1E180] =	vst v63  }
0x116: {  	v3 =	vld [tilespmem:$0xD0];
	_ =	sdelay $0x4  }
0x117: {  	v57 =	vshrl.u32 v3, $0x3  }
0x118: {  	v4 =	vmul.u32 $0x30, v57  }
0x119: {  	v3 =	vand.u32 $0x7, v3  }
0x11a: {  	v3 =	vor.u32 v3, v4  }
0x11b: {  	v4 =	vperm.xlane v3, v0;
	_ =	sdelay $0x1  }
0x11c: {  	v4 =	vadd.s32 v1, v4;
	_ =	sdelay $0x3  }
0x11d: {  	v3 =	vperm.xlane v3, v2  }
0x11e: {  	[tilespmem:s18], [sflag:$0x1] =	stream.indirect_vreg.gather [hbm4b:s2+s3], $0x80, v4, vm0, $0xb8;
	[tilespmem:$0x1E180] =	vst v63  }
0x11f: {  	v3 =	vadd.s32 v1, v3  }
0x120: {  	[tilespmem:s19], [sflag:$0x1] =	stream.indirect_vreg.gather [hbm4b:s4+s3], $0x80, v4, vm0, $0xb8;
	[tilespmem:$0x1E180] =	vst v63  }
0x121: {  	_ = 	snop  }
0x122: {  	[tilespmem:s20], [sflag:$0x1] =	stream.indirect_vreg.gather [hbm4b:s5+s3], $0x80, v4, vm0, $0xb8;
	[tilespmem:$0x1E180] =	vst v63  }
0x123: {  	_ = 	snop  }
0x124: {  	[tilespmem:s8], [sflag:$0x1] =	stream.indirect_vreg.gather [hbm4b:s2+s3], $0x80, v3, vm0, $0xb8;
	[tilespmem:$0x1E180] =	vst v63  }
0x125: {  	_ = 	snop  }
0x126: {  	[tilespmem:s14], [sflag:$0x1] =	stream.indirect_vreg.gather [hbm4b:s4+s3], $0x80, v3, vm0, $0xb8;
	[tilespmem:$0x1E180] =	vst v63  }
0x127: {  	s23 =	simm.s32 $0xB980  }
0x128: {  	[tilespmem:s23], [sflag:$0x1] =	stream.indirect_vreg.gather [hbm4b:s5+s3], $0x80, v3, vm0, $0xb8;
	[tilespmem:$0x1E180] =	vst v63  }
0x129: {  	v3 =	vld [tilespmem:$0xE0];
	_ =	sdelay $0x4  }
0x12a: {  	v58 =	vshrl.u32 v3, $0x3  }
0x12b: {  	v4 =	vmul.u32 $0x30, v58  }
0x12c: {  	v3 =	vand.u32 $0x7, v3  }
0x12d: {  	v3 =	vor.u32 v3, v4  }
0x12e: {  	v4 =	vperm.xlane v3, v0;
	_ =	sdelay $0x1  }
0x12f: {  	v4 =	vadd.s32 v1, v4;
	_ =	sdelay $0x3  }
0x130: {  	s21 =	simm.s32 $0xC180;
	v3 =	vperm.xlane v3, v2  }
0x131: {  	[tilespmem:s21], [sflag:$0x1] =	stream.indirect_vreg.gather [hbm4b:s2+s3], $0x80, v4, vm0, $0xb8;
	[tilespmem:$0x1E180] =	vst v63  }
0x132: {  	s23 =	simm.s32 $0xC980;
	v3 =	vadd.s32 v1, v3  }
0x133: {  	[tilespmem:s23], [sflag:$0x1] =	stream.indirect_vreg.gather [hbm4b:s4+s3], $0x80, v4, vm0, $0xb8;
	[tilespmem:$0x1E180] =	vst v63  }
0x134: {  	s21 =	simm.s32 $0xD180  }
0x135: {  	[tilespmem:s21], [sflag:$0x1] =	stream.indirect_vreg.gather [hbm4b:s5+s3], $0x80, v4, vm0, $0xb8;
	[tilespmem:$0x1E180] =	vst v63  }
0x136: {  	s23 =	simm.s32 $0xD980  }
0x137: {  	[tilespmem:s23], [sflag:$0x1] =	stream.indirect_vreg.gather [hbm4b:s2+s3], $0x80, v3, vm0, $0xb8;
	[tilespmem:$0x1E180] =	vst v63  }
0x138: {  	s21 =	simm.s32 $0xE180  }
0x139: {  	[tilespmem:s21], [sflag:$0x1] =	stream.indirect_vreg.gather [hbm4b:s4+s3], $0x80, v3, vm0, $0xb8;
	[tilespmem:$0x1E180] =	vst v63  }
0x13a: {  	s23 =	simm.s32 $0xE980  }
0x13b: {  	[tilespmem:s23], [sflag:$0x1] =	stream.indirect_vreg.gather [hbm4b:s5+s3], $0x80, v3, vm0, $0xb8;
	[tilespmem:$0x1E180] =	vst v63  }
0x13c: {  	_ =	swait.ge [sflag:s22], $0xF000  }
0x13d: {  	[sflag:s22] =	ssyncset.done $0x0  }
0x13e: {  	s21 =	rddreg [dreg:$0x5];
	[sflag:s22] =	ssyncadd.s32 $0xFFFF1000  }
0x13f: {  	[hbm4b:s21+s3] =	stream.linear.scatter [tilespmem:s0], [sflag:$0x3], $0xF000, $0x38;
	[tilespmem:$0x1E180] =	vst v63  }
0x140: {  	_ =	swait.ge [sflag:s7], $0xF000  }
0x141: {  	[sflag:s7] =	ssyncset.done $0x0  }
0x142: {  	[sflag:s7] =	ssyncadd.s32 $0xFFFF1000  }
0x143: {  	v3 =	vld [tilespmem:$0xF0];
	_ =	sdelay $0x4  }
0x144: {  	v59 =	vshrl.u32 v3, $0x3  }
0x145: {  	v4 =	vmul.u32 $0x30, v59  }
0x146: {  	v3 =	vand.u32 $0x7, v3  }
0x147: {  	v3 =	vor.u32 v3, v4  }
0x148: {  	v4 =	vperm.xlane v3, v0;
	_ =	sdelay $0x1  }
0x149: {  	v4 =	vadd.s32 v1, v4;
	_ =	sdelay $0x3  }
0x14a: {  	v3 =	vperm.xlane v3, v2  }
0x14b: {  	[tilespmem:s0], [sflag:$0x2] =	stream.indirect_vreg.gather [hbm4b:s2+s3], $0x80, v4, vm0, $0xb8;
	[tilespmem:$0x1E180] =	vst v63  }
0x14c: {  	s23 =	simm.s32 $0xF980;
	v3 =	vadd.s32 v1, v3  }
0x14d: {  	[tilespmem:s23], [sflag:$0x2] =	stream.indirect_vreg.gather [hbm4b:s4+s3], $0x80, v4, vm0, $0xb8;
	[tilespmem:$0x1E180] =	vst v63  }
0x14e: {  	s21 =	simm.s32 $0x10180  }
0x14f: {  	[tilespmem:s21], [sflag:$0x2] =	stream.indirect_vreg.gather [hbm4b:s5+s3], $0x80, v4, vm0, $0xb8;
	[tilespmem:$0x1E180] =	vst v63  }
0x150: {  	s23 =	simm.s32 $0x10980  }
0x151: {  	[tilespmem:s23], [sflag:$0x2] =	stream.indirect_vreg.gather [hbm4b:s2+s3], $0x80, v3, vm0, $0xb8;
	[tilespmem:$0x1E180] =	vst v63  }
0x152: {  	s21 =	simm.s32 $0x11180  }
0x153: {  	[tilespmem:s21], [sflag:$0x2] =	stream.indirect_vreg.gather [hbm4b:s4+s3], $0x80, v3, vm0, $0xb8;
	[tilespmem:$0x1E180] =	vst v63  }
0x154: {  	s23 =	simm.s32 $0x11980  }
0x155: {  	[tilespmem:s23], [sflag:$0x2] =	stream.indirect_vreg.gather [hbm4b:s5+s3], $0x80, v3, vm0, $0xb8;
	[tilespmem:$0x1E180] =	vst v63  }
0x156: {  	v3 =	vld [tilespmem:$0x100];
	_ =	sdelay $0x4  }
0x157: {  	v60 =	vshrl.u32 v3, $0x3  }
0x158: {  	v4 =	vmul.u32 $0x30, v60  }
0x159: {  	v3 =	vand.u32 $0x7, v3  }
0x15a: {  	v3 =	vor.u32 v3, v4  }
0x15b: {  	v4 =	vperm.xlane v3, v0;
	_ =	sdelay $0x1  }
0x15c: {  	v4 =	vadd.s32 v1, v4;
	_ =	sdelay $0x3  }
0x15d: {  	s21 =	simm.s32 $0x12180;
	v3 =	vperm.xlane v3, v2  }
0x15e: {  	[tilespmem:s21], [sflag:$0x2] =	stream.indirect_vreg.gather [hbm4b:s2+s3], $0x80, v4, vm0, $0xb8;
	[tilespmem:$0x1E180] =	vst v63  }
0x15f: {  	s23 =	simm.s32 $0x12980;
	v3 =	vadd.s32 v1, v3  }
0x160: {  	[tilespmem:s23], [sflag:$0x2] =	stream.indirect_vreg.gather [hbm4b:s4+s3], $0x80, v4, vm0, $0xb8;
	[tilespmem:$0x1E180] =	vst v63  }
0x161: {  	s21 =	simm.s32 $0x13180  }
0x162: {  	[tilespmem:s21], [sflag:$0x2] =	stream.indirect_vreg.gather [hbm4b:s5+s3], $0x80, v4, vm0, $0xb8;
	[tilespmem:$0x1E180] =	vst v63  }
0x163: {  	s23 =	simm.s32 $0x13980  }
0x164: {  	[tilespmem:s23], [sflag:$0x2] =	stream.indirect_vreg.gather [hbm4b:s2+s3], $0x80, v3, vm0, $0xb8;
	[tilespmem:$0x1E180] =	vst v63  }
0x165: {  	s21 =	simm.s32 $0x14180  }
0x166: {  	[tilespmem:s21], [sflag:$0x2] =	stream.indirect_vreg.gather [hbm4b:s4+s3], $0x80, v3, vm0, $0xb8;
	[tilespmem:$0x1E180] =	vst v63  }
0x167: {  	s23 =	simm.s32 $0x14980  }
0x168: {  	[tilespmem:s23], [sflag:$0x2] =	stream.indirect_vreg.gather [hbm4b:s5+s3], $0x80, v3, vm0, $0xb8;
	[tilespmem:$0x1E180] =	vst v63  }
0x169: {  	v3 =	vld [tilespmem:$0x110];
	_ =	sdelay $0x4  }
0x16a: {  	v61 =	vshrl.u32 v3, $0x3  }
0x16b: {  	v4 =	vmul.u32 $0x30, v61  }
0x16c: {  	v3 =	vand.u32 $0x7, v3  }
0x16d: {  	v3 =	vor.u32 v3, v4  }
0x16e: {  	v4 =	vperm.xlane v3, v0;
	_ =	sdelay $0x1  }
0x16f: {  	v4 =	vadd.s32 v1, v4;
	_ =	sdelay $0x3  }
0x170: {  	s21 =	simm.s32 $0x15180;
	v3 =	vperm.xlane v3, v2  }
0x171: {  	[tilespmem:s21], [sflag:$0x2] =	stream.indirect_vreg.gather [hbm4b:s2+s3], $0x80, v4, vm0, $0xb8;
	[tilespmem:$0x1E180] =	vst v63  }
0x172: {  	s23 =	simm.s32 $0x15980;
	v3 =	vadd.s32 v1, v3  }
0x173: {  	[tilespmem:s23], [sflag:$0x2] =	stream.indirect_vreg.gather [hbm4b:s4+s3], $0x80, v4, vm0, $0xb8;
	[tilespmem:$0x1E180] =	vst v63  }
0x174: {  	s21 =	simm.s32 $0x16180  }
0x175: {  	[tilespmem:s21], [sflag:$0x2] =	stream.indirect_vreg.gather [hbm4b:s5+s3], $0x80, v4, vm0, $0xb8;
	[tilespmem:$0x1E180] =	vst v63  }
0x176: {  	s23 =	simm.s32 $0x16980  }
0x177: {  	[tilespmem:s23], [sflag:$0x2] =	stream.indirect_vreg.gather [hbm4b:s2+s3], $0x80, v3, vm0, $0xb8;
	[tilespmem:$0x1E180] =	vst v63  }
0x178: {  	s21 =	simm.s32 $0x17180  }
0x179: {  	[tilespmem:s21], [sflag:$0x2] =	stream.indirect_vreg.gather [hbm4b:s4+s3], $0x80, v3, vm0, $0xb8;
	[tilespmem:$0x1E180] =	vst v63  }
0x17a: {  	s23 =	simm.s32 $0x17980  }
0x17b: {  	[tilespmem:s23], [sflag:$0x2] =	stream.indirect_vreg.gather [hbm4b:s5+s3], $0x80, v3, vm0, $0xb8;
	[tilespmem:$0x1E180] =	vst v63  }
0x17c: {  	v3 =	vld [tilespmem:$0x120];
	_ =	sdelay $0x4  }
0x17d: {  	v62 =	vshrl.u32 v3, $0x3  }
0x17e: {  	v4 =	vmul.u32 $0x30, v62  }
0x17f: {  	v3 =	vand.u32 $0x7, v3  }
0x180: {  	v3 =	vor.u32 v3, v4  }
0x181: {  	v4 =	vperm.xlane v3, v0;
	_ =	sdelay $0x1  }
0x182: {  	v4 =	vadd.s32 v1, v4;
	_ =	sdelay $0x3  }
0x183: {  	s21 =	simm.s32 $0x18180;
	v3 =	vperm.xlane v3, v2  }
0x184: {  	[tilespmem:s21], [sflag:$0x2] =	stream.indirect_vreg.gather [hbm4b:s2+s3], $0x80, v4, vm0, $0xb8;
	[tilespmem:$0x1E180] =	vst v63  }
0x185: {  	s23 =	simm.s32 $0x18980;
	v3 =	vadd.s32 v1, v3  }
0x186: {  	[tilespmem:s23], [sflag:$0x2] =	stream.indirect_vreg.gather [hbm4b:s4+s3], $0x80, v4, vm0, $0xb8;
	[tilespmem:$0x1E180] =	vst v63  }
0x187: {  	s21 =	simm.s32 $0x19180  }
0x188: {  	[tilespmem:s21], [sflag:$0x2] =	stream.indirect_vreg.gather [hbm4b:s5+s3], $0x80, v4, vm0, $0xb8;
	[tilespmem:$0x1E180] =	vst v63  }
0x189: {  	s23 =	simm.s32 $0x19980  }
0x18a: {  	[tilespmem:s23], [sflag:$0x2] =	stream.indirect_vreg.gather [hbm4b:s2+s3], $0x80, v3, vm0, $0xb8;
	[tilespmem:$0x1E180] =	vst v63  }
0x18b: {  	s21 =	simm.s32 $0x1A180  }
0x18c: {  	[tilespmem:s21], [sflag:$0x2] =	stream.indirect_vreg.gather [hbm4b:s4+s3], $0x80, v3, vm0, $0xb8;
	[tilespmem:$0x1E180] =	vst v63  }
0x18d: {  	s23 =	simm.s32 $0x1A980  }
0x18e: {  	[tilespmem:s23], [sflag:$0x2] =	stream.indirect_vreg.gather [hbm4b:s5+s3], $0x80, v3, vm0, $0xb8;
	[tilespmem:$0x1E180] =	vst v63  }
0x18f: {  	v3 =	vld [tilespmem:$0x130];
	_ =	sdelay $0x4  }
0x190: {  	v63 =	vshrl.u32 v3, $0x3  }
0x191: {  	v4 =	vmul.u32 $0x30, v63  }
0x192: {  	v3 =	vand.u32 $0x7, v3  }
0x193: {  	v3 =	vor.u32 v3, v4  }
0x194: {  	v4 =	vperm.xlane v3, v0;
	_ =	sdelay $0x1  }
0x195: {  	v4 =	vadd.s32 v1, v4;
	_ =	sdelay $0x3  }
0x196: {  	s21 =	simm.s32 $0x1B180;
	v3 =	vperm.xlane v3, v2  }
0x197: {  	[tilespmem:s21], [sflag:$0x2] =	stream.indirect_vreg.gather [hbm4b:s2+s3], $0x80, v4, vm0, $0xb8;
	[tilespmem:$0x1E180] =	vst v63  }
0x198: {  	s23 =	simm.s32 $0x1B980;
	v3 =	vadd.s32 v1, v3  }
0x199: {  	[tilespmem:s23], [sflag:$0x2] =	stream.indirect_vreg.gather [hbm4b:s4+s3], $0x80, v4, vm0, $0xb8;
	[tilespmem:$0x1E180] =	vst v63  }
0x19a: {  	s21 =	simm.s32 $0x1C180  }
0x19b: {  	[tilespmem:s21], [sflag:$0x2] =	stream.indirect_vreg.gather [hbm4b:s5+s3], $0x80, v4, vm0, $0xb8;
	[tilespmem:$0x1E180] =	vst v63  }
0x19c: {  	s23 =	simm.s32 $0x1C980  }
0x19d: {  	[tilespmem:s23], [sflag:$0x2] =	stream.indirect_vreg.gather [hbm4b:s2+s3], $0x80, v3, vm0, $0xb8;
	[tilespmem:$0x1E180] =	vst v63  }
0x19e: {  	s21 =	simm.s32 $0x1D180  }
0x19f: {  	[tilespmem:s21], [sflag:$0x2] =	stream.indirect_vreg.gather [hbm4b:s4+s3], $0x80, v3, vm0, $0xb8;
	[tilespmem:$0x1E180] =	vst v63  }
0x1a0: {  	s23 =	simm.s32 $0x1D980  }
0x1a1: {  	[tilespmem:s23], [sflag:$0x2] =	stream.indirect_vreg.gather [hbm4b:s5+s3], $0x80, v3, vm0, $0xb8;
	[tilespmem:$0x1E180] =	vst v63  }
0x1a2: {  	_ =	swait.ge [sflag:s1], $0xF000  }
0x1a3: {  	[sflag:s1] =	ssyncset.done $0x0  }
0x1a4: {  	s21 =	simm.s32 $0x180;
	s8 =	rddreg [dreg:$0x6];
	[sflag:s1] =	ssyncadd.s32 $0xFFFF1000  }
0x1a5: {  	[hbm4b:s8+s3] =	stream.linear.scatter [tilespmem:s21], [sflag:$0x3], $0xF000, $0x38;
	[tilespmem:$0x1E180] =	vst v63  }
0x1a6: {  	_ =	swait.ge [sflag:s7], $0xF000  }
0x1a7: {  	[sflag:s7] =	ssyncset.done $0x0  }
0x1a8: {  	[sflag:s7] =	ssyncadd.s32 $0xFFFF1000  }
0x1a9: {  	_ =	swait.ge [sflag:s22], $0xF000  }
0x1aa: {  	p0 =	sne.s32 s6, $0x1;
	[sflag:s22] =	ssyncset.done $0x0  }
.Ltmp0:
0x1ab: {  	s21 =	rddreg [dreg:$0x7];
	[sflag:s22] =	ssyncadd.s32 $0xFFFF1000;
	(pc) =	sbr.rel @p0 .LBB2_1-.Ltmp0, $4  }
0x1ac: {  	[hbm4b:s21+s3] =	stream.linear.scatter [tilespmem:s0], [sflag:$0x3], $0xF000, $0x38;
	[tilespmem:$0x1E180] =	vst v63  }
0x1ad: {  	_ =	swait.ge [sflag:s7], $0xF000  }
0x1ae: {  	[sflag:s7] =	ssyncset.done $0x0  }
0x1af: {  	s6 =	sadd.s32 $0xFFFFFFFF, s6;
	[sflag:s7] =	ssyncadd.s32 $0xFFFF1000  }
0x1b0: {  	_ =	sfence.sel $0x180000  }
0x1b1: {  	[bflag:$0x0] =	sbarrier.arrive $0xFFFF  }
0x1b2: {  	_ =	strace $0x9000004D  }
0x1b3: {  	s0 =	stileid.u32;
	[bflag:$0x2] =	sbarrier.arrive $0xFFFF  }
0x1b4: {  	p0 =	sne.s32 s0, $0x0;
	s0 =	rddreg [dreg:$0x2]  }
0x1b5: {  	s0 =	sadd.s32 @!p0 $0x100000, s0  }
0x1b6: {  	[sflag:s0] =	ssyncadd.tile.s32 @!p0 $0x1;
	_ =	shalt  }
.Lfunc_end2:
_tile_overlayer_lowered:
.L_overlay_start_2:
0x1b7: {  	(tag) =	ssettag $0x2  }
0x1b8: {  	s0 =	rddreg [dreg:$0x0];
	s2 =	stileid.u32  }
0x1b9: {  	s1 =	rddreg [dreg:$0x1];
	p0 =	sne.s32 s2, $0x0  }
0x1ba: {  	s3 =	rddreg [dreg:$0x2];
	[bflag:$0x3] =	sbarrier.arrive $0xFFFF;
	s2 =	simm.s32 @!p0 $0x1C03  }
0x1bb: {  	[timem:s3], [sflag:s2] =	dma.local @!p0 [hbm:s0], s1  }
0x1bc: {  	s0 =	simm.s32 @!p0 $0x3  }
0x1bd: {  	_ =	swait.ge @!p0 [sflag:s0], s1  }
0x1be: {  	s1 =	ssub.s32 @!p0 $0x0, s1;
	[sflag:s0] =	ssyncset.done @!p0 $0x0  }
0x1bf: {  	[sflag:s0] =	ssyncadd.s32 @!p0 s1  }
0x1c0: {  	[bflag:$0x3] =	sbarrier.arrive $0xFFFF  }
0x1c1: {  	_ =	shalt  }

// kernel: kernel.19.cloned.1.call-start
scs
__scs_entry_jumppad:
0x0: {  	(pc) =	sbr.rel $0x88, $3  }
0x1: {  	(tag) =	ssettag $0x0;
	lr =	simm.s32 $0x1  }
0x2: {  	[smem:$0x3F98] =	sst lr;
	_ =	strace $0xD0000000  }
0x3: {  	_ = 	snop  }
0x4: {  	_ = 	snop  }
0x5: {  	_ = 	snop  }
0x6: {  	_ = 	snop  }
0x7: {  	_ = 	snop  }
__scs_overlays_trampoline_lowered:
0x8: {  	[smem:$0x3FA7] =	sst s0  }
0x9: {  	[smem:$0x3FA8] =	sst s1  }
0xa: {  	[smem:$0x3FA9] =	sst s2  }
0xb: {  	[smem:$0x3FAA] =	sst s3  }
0xc: {  	[smem:$0x3FAB] =	sst s4  }
0xd: {  	[smem:$0x3FAC] =	sst s5  }
0xe: {  	[smem:$0x3FAD] =	sst s6  }
0xf: {  	[smem:$0x3FAE] =	sst s7  }
0x10: {  	[smem:$0x3FAF] =	sst s8  }
0x11: {  	[smem:$0x3FB0] =	sst s9;
	s0 =	simm.s32 @!p0 $0x0  }
0x12: {  	s1 =	sld [smem:$0x3F96];
	s0 =	simm.s32 @p0 $0x1  }
0x13: {  	[smem:$0x3FB1] =	sst s0;
	s0 =	simm.s32 @!p1 $0x0  }
0x14: {  	s2 =	sld [smem:$0x3F95];
	s0 =	simm.s32 @p1 $0x1  }
0x15: {  	[smem:$0x3FB2] =	sst s0;
	s0 =	simm.s32 @!p2 $0x0  }
0x16: {  	s3 =	sld [smem:$0x3FDB];
	s0 =	simm.s32 @p2 $0x1  }
0x17: {  	s4 =	simm.s32 $0x1BF5;
	[smem:$0x3FB4] =	sst s0  }
0x18: {  	s0 =	sld [smem:$0x3F97];
	_ =	swait.ge [sflag:s4], $0x0  }
0x19: {  	s7 =	sld [smem:$0x3F98]  }
0x1a: {  	s8 =	sadd.s32 $0xFFFFE003, lr  }
0x1b: {  	s9 =	sadd.s32 $0xFFFFFEF7, lr;
	s5 =	simm.s32 $0xFFFFFFFF;
	p2 =	slt.u32 s8, $0xFFFFF086  }
0x1c: {  	p1 =	slt.u32 s9, $0xF7A;
	s5 =	simm.s32 @!p2 $0x0  }
0x1d: {  	s5 =	simm.s32 @p1 $0x1;
	p0 =	seq.s32 s7, s2  }
0x1e: {  	s7 =	smul.u32 @!p0 $0xF7A, s2;
	p2 =	seq.s32 @!p0 s5, $0x0  }
0x1f: {  	s9 =	smul.u32 $0xF7A, s1;
	s8 =	simm.s32 @!p0 $0x1BF5;
	p2 =	por !p2, p0  }
0x20: {  	[sflag:s8] =	ssyncset.s32 @!p0 $0xFFFFF086;
	s6 =	sadd.s32 @!p0 s3, s7;
	s7 =	simm.s32 @!p0 $0x108  }
0x21: {  	s3 =	sadd.s32 s3, s9;
	s6 =	sadd.s32 @!p0 $0x88, s6;
	s7 =	simm.s32 @p2 $0x1082  }
0x22: {  	[simem:s7], [sflag:s8] =	dma.local @!p0 [hbm:s6], $0xF7A  }
0x23: {  	s9 =	sor.u32 $0xD0000000, s2;
	s6 =	simm.s32 $0x108;
	_ =	swait.ge @!p0 [sflag:s8], $0x0  }
0x24: {  	s3 =	sadd.s32 $0x88, s3;
	s6 =	simm.s32 @!p1 $0x1082;
	[sflag:s4] =	ssyncset.s32 $0xFFFFF086  }
0x25: {  	[simem:s6], [sflag:s4] =	dma.local [hbm:s3], $0xF7A  }
0x26: {  	[smem:$0x3F98] =	sst s1;
	(tag) =	ssettag s2;
	_ =	strace s9  }
0x27: {  	s1 =	sld [smem:$0x3FA8]  }
0x28: {  	s2 =	sld [smem:$0x3FA9]  }
0x29: {  	s4 =	sld [smem:$0x3FAB]  }
0x2a: {  	p0 =	seq.s32 s5, $0x0;
	s5 =	sld [smem:$0x3FAC]  }
0x2b: {  	s6 =	sld [smem:$0x3FAD]  }
0x2c: {  	s7 =	sld [smem:$0x3FAE]  }
0x2d: {  	s3 =	simm.s32 $0x108;
	s8 =	sld [smem:$0x3FAF]  }
0x2e: {  	s3 =	simm.s32 @!p0 $0x1082;
	s9 =	sld [smem:$0x3FB0]  }
0x2f: {  	lr =	sadd.s32 s0, s3;
	s0 =	sld [smem:$0x3FA7]  }
0x30: {  	s3 =	sld [smem:$0x3FAA]  }
0x31: {  	[smem:$0x3FB3] =	sst s10  }
0x32: {  	s10 =	sld [smem:$0x3FB1];
	_ =	sdelay $0x3  }
0x33: {  	p0 =	seq.s32 s10, $0x1;
	s10 =	sld [smem:$0x3FB3];
	_ =	sdelay $0x3  }
0x34: {  	[smem:$0x3FB3] =	sst s10  }
0x35: {  	s10 =	sld [smem:$0x3FB2];
	_ =	sdelay $0x3  }
0x36: {  	p1 =	seq.s32 s10, $0x1;
	s10 =	sld [smem:$0x3FB3];
	_ =	sdelay $0x3  }
0x37: {  	[smem:$0x3FB3] =	sst s10  }
0x38: {  	s10 =	sld [smem:$0x3FB4]  }
0x39: {  	_ = 	snop;
	(pc) =	sbr.ind lr, $3  }
0x3a: {  	_ = 	snop  }
0x3b: {  	_ = 	snop  }
0x3c: {  	p2 =	seq.s32 s10, $0x1;
	s10 =	sld [smem:$0x3FB3]  }
0x3d: {  	_ =	shalt  }
0x3e: {  	_ =	shalt  }
0x3f: {  	_ =	shalt  }
0x40: {  	_ =	shalt  }
0x41: {  	_ =	shalt  }
0x42: {  	_ =	shalt  }
0x43: {  	_ =	shalt  }
0x44: {  	_ =	shalt  }
0x45: {  	_ =	shalt  }
0x46: {  	_ =	shalt  }
0x47: {  	_ =	shalt  }
0x48: {  	_ =	shalt  }
0x49: {  	_ =	shalt  }
0x4a: {  	_ =	shalt  }
0x4b: {  	_ =	shalt  }
0x4c: {  	_ =	shalt  }
0x4d: {  	_ =	shalt  }
0x4e: {  	_ =	shalt  }
0x4f: {  	_ =	shalt  }
0x50: {  	_ =	shalt  }
0x51: {  	_ =	shalt  }
0x52: {  	_ =	shalt  }
0x53: {  	_ =	shalt  }
0x54: {  	_ =	shalt  }
0x55: {  	_ =	shalt  }
0x56: {  	_ =	shalt  }
0x57: {  	_ =	shalt  }
0x58: {  	_ =	shalt  }
0x59: {  	_ =	shalt  }
0x5a: {  	_ =	shalt  }
0x5b: {  	_ =	shalt  }
0x5c: {  	_ =	shalt  }
0x5d: {  	_ =	shalt  }
0x5e: {  	_ =	shalt  }
0x5f: {  	_ =	shalt  }
0x60: {  	_ =	shalt  }
0x61: {  	_ =	shalt  }
0x62: {  	_ =	shalt  }
0x63: {  	_ =	shalt  }
0x64: {  	_ =	shalt  }
0x65: {  	_ =	shalt  }
0x66: {  	_ =	shalt  }
0x67: {  	_ =	shalt  }
0x68: {  	_ =	shalt  }
0x69: {  	_ =	shalt  }
0x6a: {  	_ =	shalt  }
0x6b: {  	_ =	shalt  }
0x6c: {  	_ =	shalt  }
0x6d: {  	_ =	shalt  }
0x6e: {  	_ =	shalt  }
0x6f: {  	_ =	shalt  }
0x70: {  	_ =	shalt  }
0x71: {  	_ =	shalt  }
0x72: {  	_ =	shalt  }
0x73: {  	_ =	shalt  }
0x74: {  	_ =	shalt  }
0x75: {  	_ =	shalt  }
0x76: {  	_ =	shalt  }
0x77: {  	_ =	shalt  }
0x78: {  	_ =	shalt  }
0x79: {  	_ =	shalt  }
0x7a: {  	_ =	shalt  }
0x7b: {  	_ =	shalt  }
0x7c: {  	_ =	shalt  }
0x7d: {  	_ =	shalt  }
0x7e: {  	_ =	shalt  }
0x7f: {  	_ =	shalt  }
0x80: {  	_ =	shalt  }
0x81: {  	_ =	shalt  }
0x82: {  	_ =	shalt  }
0x83: {  	_ =	shalt  }
0x84: {  	_ =	shalt  }
0x85: {  	_ =	shalt  }
0x86: {  	_ =	shalt  }
0x87: {  	_ =	shalt  }
.Lfunc_end0:
.L_simem_size_0:
called_computation.3_lowered:
.L_overlay_start_0:
0x88: {  	s2 =	sld [smem:$0x3FD9]  }
0x89: {  	s3 =	sld [smem:$0x3FFE];
	_ =	sdelay $0x1  }
0x8a: {  	s1 =	srdreg.scid  }
0x8b: {  	s0 =	sand.u32 $0x1, s1  }
0x8c: {  	s17 =	sshll.u32 s0, $0xA;
	s2 =	sadd.s32 s3, s2  }
0x8d: {  	s2 =	sadd.s32 s2, s17  }
0x8e: {  	[smem:$0x3FBF] =	sst s2  }
0x8f: {  	_ = 	snop  }
0x90: {  	s18 =	sld [smem:$0x3FC7];
	(tm) =	ssettm $0x1  }
0x91: {  	s19 =	sld [smem:$0x3FFB];
	_ =	sdelay $0x3  }
0x92: {  	_ =	strace s19  }
0x93: {  	s2 =	sld [smem:$0x3FFC];
	_ =	sdelay $0x3  }
0x94: {  	_ =	strace s2  }
0x95: {  	s2 =	sld [smem:$0x3FFD];
	_ =	sdelay $0x3  }
0x96: {  	_ =	strace s2  }
0x97: {  	_ =	strace $0x8FFFFFFF  }
0x98: {  	s20 =	sld [smem:$0x3FDB];
	_ =	sdelay $0x1  }
0x99: {  	s4 =	simm.s32 $_scs_section_size  }
0x9a: {  	s5 =	simm.s32 $_size__tile_overlayer_lowered;
	s6 =	simm.s32 $_tile_overlayer_lowered  }
0x9b: {  	s7 =	simm.s32 $0x1BFF;
	s21 =	sshll.u32 s6, $0x1;
	s4 =	sadd.s32 s4, s20  }
0x9c: {  	s22 =	simm.s32 $0x0;
	s5 =	sshll.u32 s5, $0x1;
	s6 =	sadd.s32 s21, s4  }
0x9d: {  	[timem:s22], [sflag:s7] =	dma.local [hbm:s6], s5  }
0x9e: {  	_ =	swait.ge [sflag:s7], s5  }
0x9f: {  	s5 =	ssub.s32 $0x0, s5;
	[sflag:s7] =	ssyncset.done $0x0  }
0xa0: {  	[sflag:s7] =	ssyncadd.s32 s5;
	_ =	sdelay $0x1  }
0xa1: {  	s23 =	simm.s32 $0x1B8B  }
0xa2: {  	_ =	swait.ge [sflag:s23], $0x1  }
0xa3: {  	[sflag:s23] =	ssyncset.done $0x0  }
0xa4: {  	[sflag:s23] =	ssyncadd.s32 $0xFFFFFFFF  }
0xa5: {  	s5 =	sld [smem:$0x0]  }
0xa6: {  	s6 =	sand.u32 $0xFFFFFFFE, s1  }
0xa7: {  	p0 =	sne.s32 s1, s6  }
0xa8: {  	s6 =	sshll.u32 @p0 s6, $0xE  }
0xa9: {  	s6 =	sadd.s32 @p0 $0x11B8D, s6;
	s7 =	sshll.u32 @p0 s5, $0x11  }
0xaa: {  	s6 =	sor.u32 @p0 s7, s6  }
0xab: {  	[sflag:s6] =	ssyncadd.remote.s32 @p0 $0x1;
	_ =	sdelay $0x1  }
0xac: {  	s6 =	simm.s32 @p0 $0x1B8D  }
0xad: {  	_ =	swait.eq @p0 [sflag:s6], $0x1  }
0xae: {  	[sflag:s6] =	ssyncadd.s32 @p0 $0xFFFFFFFF  }
0xaf: {  	s7 =	sshll.u32 @!p0 s1, $0xE  }
0xb0: {  	s7 =	sor.u32 @!p0 $0x4000, s7;
	s6 =	simm.s32 @!p0 $0x1B8D  }
0xb1: {  	s5 =	sshll.u32 @!p0 s5, $0x11;
	s7 =	sadd.s32 @!p0 $0x11B8D, s7;
	_ =	swait.eq @!p0 [sflag:s6], $0x1  }
0xb2: {  	s5 =	sor.u32 @!p0 s5, s7;
	[sflag:s6] =	ssyncadd.s32 @!p0 $0xFFFFFFFF  }
0xb3: {  	s25 =	simm.s32 $0x1B8E;
	s24 =	sld [smem:$0x3FFE];
	[sflag:s5] =	ssyncadd.remote.s32 @!p0 $0x1  }
0xb4: {  	s26 =	simm.s32 $execute0_lowered;
	[smem:$0x3FD2] =	sst s25  }
0xb5: {  	s6 =	sshll.u32 s26, $0x1;
	_ =	strace $0x8000004F;
	[dreg:$0x1] =	wrdreg $0xFFFFFFFF  }
0xb6: {  	s28 =	simm.s32 $_size_execute0_lowered;
	s4 =	sadd.s32 s4, s6;
	[dreg:$0x0] =	wrdreg $0x0  }
0xb7: {  	s6 =	sshll.u32 s28, $0x1;
	[dreg:$0x2] =	wrdreg s4  }
0xb8: {  	[dreg:$0x3] =	wrdreg s6  }
0xb9: {  	[dreg:$0x4] =	wrdreg $0xC0  }
0xba: {  	_ =	task [dreg:s22], $0x5FFFF  }
0xbb: {  	[dreg:$0x1] =	wrdreg $0xFFFFFFFF  }
0xbc: {  	[dreg:$0x0] =	wrdreg $0x60  }
0xbd: {  	[dreg:$0x2] =	wrdreg s24  }
0xbe: {  	[dreg:$0x3] =	wrdreg s18  }
0xbf: {  	[dreg:$0x4] =	wrdreg $0xC  }
0xc0: {  	_ =	task.clear_ibuf [dreg:s22], $0x5FFFF;
	_ =	strace $0x9000004F  }
0xc1: {  	s29 =	simm.s32 $0xC;
	_ =	strace $0x80000051  }
0xc2: {  	_ =	swait.ge [sflag:s29], $0x1  }
0xc3: {  	[sflag:s29] =	ssyncadd.s32 $0xFFFFFFFF  }
0xc4: {  	_ =	strace $0x90000051  }
0xc5: {  	_ =	sfence  }
0xc6: {  	s30 =	sld [smem:$0x0];
	_ =	sdelay $0x2  }
0xc7: {  	s31 =	sshll.u32 s1, $0xD;
	s1 =	sshrl.u32 s1, $0x2  }
0xc8: {  	s4 =	sand.u32 $0x4000, s31;
	s1 =	sadd.s32 s1, s30  }
0xc9: {  	s0 =	sor.u32 s4, s0;
	s1 =	sshll.u32 s1, $0x11  }
0xca: {  	s0 =	sor.u32 s1, s0  }
0xcb: {  	s0 =	sadd.s32 $0x8F2B, s0  }
0xcc: {  	[sflag:s0] =	ssyncadd.remote.s32 $0x1  }
0xcd: {  	_ =	sfence.sel $0xFFFF  }
0xce: {  	[dreg:$0x0] =	wrdreg $0xFFFFFFFF;
	(pc) =	sbr.abs _section_cstart, $3  }
0xcf: {  	[dreg:$0x1] =	wrdreg $0xFFFFFFFF  }
0xd0: {  	_ =	task.clear_ibuf [dreg:s22], $0x2FFFF;
	_ =	strace $0x9FFFFFFF  }
0xd1: {  	(tm) =	ssettm $0x7FFFFFFF  }
tec
execute0_lowered:
.L_overlay_start_1:
0x0: {  	(tag) =	ssettag $0x1  }
0x1: {  	s0 =	srdreg.scid;
	s4 =	rddreg [dreg:$0x0]  }
0x2: {  	s1 =	stileid.u32;
	s2 =	rddreg [dreg:$0x1];
	s3 =	simm.s32 $0x0  }
0x3: {  	s7 =	simm.s32 $0x3;
	s28 =	simm.s32 $0x2180;
	s29 =	simm.s32 $0x2980  }
0x4: {  	s30 =	simm.s32 $0x3180;
	s31 =	simm.s32 $0x3980;
	s9 =	simm.s32 $0x5180  }
0x5: {  	s10 =	simm.s32 $0x5980;
	s0 =	sand.u32 $0x1, s0;
	s1 =	sshll.u32 s1, $0x1  }
0x6: {  	s11 =	simm.s32 $0x6180;
	s12 =	simm.s32 $0x6980;
	s1 =	sor.u32 s0, s1  }
0x7: {  	s13 =	simm.s32 $0x7180;
	s15 =	simm.s32 $0x7980;
	s1 =	smul.u32 $0x140, s1  }
0x8: {  	s16 =	simm.s32 $0x8180;
	s17 =	simm.s32 $0x8980;
	s18 =	simm.s32 $0x9180  }
0x9: {  	s19 =	simm.s32 $0x9980;
	s20 =	simm.s32 $0xA180;
	s1 =	sshrl.u32 s1, $0x3  }
0xa: {  	s14 =	simm.s32 $0xB180;
	[smem:$0x7FF] =	sst s3;
	s5 =	smul.u32 $0x300, s1  }
0xb: {  	_ =	strace $0x80000050;
	s0 =	ssub.s32 $0x2, s0;
	s1 =	sadd.s32 s1, s4  }
0xc: {  	s23 =	sshrl.u32 s0, $0x1;
	s1 =	sadd.s32 $0xC3400, s1;
	s5 =	sadd.s32 s5, s4  }
0xd: {  	s0 =	ssub.s32 s0, s23;
	[dreg:$0x3] =	wrdreg s1;
	s22 =	sadd.s32 $0x1B3A00, s5  }
0xe: {  	s6 =	smax.u32 s0, $0x1;
	s24 =	sadd.s32 $0x1B5800, s5;
	[dreg:$0x4] =	wrdreg s22  }
0xf: {  	s4 =	sadd.s32 $0x100, s2;
	s25 =	sadd.s32 $0x1B7600, s5;
	[dreg:$0x5] =	wrdreg s24  }
0x10: {  	v2 =	vlaneseq.u32;
	s1 =	simm.s32 $0x1;
	s26 =	sadd.s32 $0x1B9400, s5;
	[dreg:$0x6] =	wrdreg s25  }
0x11: {  	vm0 =	vmmov $0xffff;
	v1 =	vshrl.u32 v2, $0x3;
	s5 =	sadd.s32 $0x200, s2;
	[dreg:$0x7] =	wrdreg s26;
	s22 =	simm.s32 $0x2  }
0x12: {  	v0 =	vand.u32 $0x7, v2;
	v2 =	vor.u32 $0x8, v2;
	v1 =	vmul.u32 $0x8, v1;
	s24 =	simm.s32 $0x980;
	s25 =	simm.s32 $0x1180;
	s26 =	simm.s32 $0x1980  }
.LBB2_1:
0x13: {  	s23 =	rddreg [dreg:$0x3]  }
0x14: {  	[tilespmem:s3], [sflag:$0x3] =	stream.linear.gather [hbm4b:s23+s3], $0x140, $0x38;
	[tilespmem:$0x1E180] =	vst v63  }
0x15: {  	_ =	swait.ge [sflag:s7], $0x140  }
0x16: {  	[sflag:s7] =	ssyncset.done $0x0  }
0x17: {  	[sflag:s7] =	ssyncadd.s32 $0xFFFFFEC0  }
0x18: {  	v3 =	vld [tilespmem:$0x0];
	_ =	sdelay $0x4  }
0x19: {  	v4 =	vshrl.u32 v3, $0x3  }
0x1a: {  	v4 =	vmul.u32 $0x30, v4  }
0x1b: {  	v3 =	vand.u32 $0x7, v3  }
0x1c: {  	v3 =	vor.u32 v3, v4  }
0x1d: {  	v4 =	vperm.xlane v3, v0;
	_ =	sdelay $0x1  }
0x1e: {  	v4 =	vadd.s32 v1, v4;
	_ =	sdelay $0x3  }
0x1f: {  	s0 =	simm.s32 $0x180;
	v3 =	vperm.xlane v3, v2  }
0x20: {  	[tilespmem:s0], [sflag:$0x1] =	stream.indirect_vreg.gather [hbm4b:s2+s3], $0x80, v4, vm0, $0xb8;
	[tilespmem:$0x1E180] =	vst v63  }
0x21: {  	v3 =	vadd.s32 v1, v3  }
0x22: {  	[tilespmem:s24], [sflag:$0x1] =	stream.indirect_vreg.gather [hbm4b:s4+s3], $0x80, v4, vm0, $0xb8;
	[tilespmem:$0x1E180] =	vst v63  }
0x23: {  	_ = 	snop  }
0x24: {  	[tilespmem:s25], [sflag:$0x1] =	stream.indirect_vreg.gather [hbm4b:s5+s3], $0x80, v4, vm0, $0xb8;
	[tilespmem:$0x1E180] =	vst v63  }
0x25: {  	_ = 	snop  }
0x26: {  	[tilespmem:s26], [sflag:$0x1] =	stream.indirect_vreg.gather [hbm4b:s2+s3], $0x80, v3, vm0, $0xb8;
	[tilespmem:$0x1E180] =	vst v63  }
0x27: {  	_ = 	snop  }
0x28: {  	[tilespmem:s28], [sflag:$0x1] =	stream.indirect_vreg.gather [hbm4b:s4+s3], $0x80, v3, vm0, $0xb8;
	[tilespmem:$0x1E180] =	vst v63  }
0x29: {  	_ = 	snop  }
0x2a: {  	[tilespmem:s29], [sflag:$0x1] =	stream.indirect_vreg.gather [hbm4b:s5+s3], $0x80, v3, vm0, $0xb8;
	[tilespmem:$0x1E180] =	vst v63  }
0x2b: {  	v3 =	vld [tilespmem:$0x10];
	_ =	sdelay $0x4  }
0x2c: {  	v45 =	vshrl.u32 v3, $0x3  }
0x2d: {  	v4 =	vmul.u32 $0x30, v45  }
0x2e: {  	v3 =	vand.u32 $0x7, v3  }
0x2f: {  	v3 =	vor.u32 v3, v4  }
0x30: {  	v4 =	vperm.xlane v3, v0;
	_ =	sdelay $0x1  }
0x31: {  	v4 =	vadd.s32 v1, v4;
	_ =	sdelay $0x3  }
0x32: {  	v3 =	vperm.xlane v3, v2  }
0x33: {  	[tilespmem:s30], [sflag:$0x1] =	stream.indirect_vreg.gather [hbm4b:s2+s3], $0x80, v4, vm0, $0xb8;
	[tilespmem:$0x1E180] =	vst v63  }
0x34: {  	v3 =	vadd.s32 v1, v3  }
0x35: {  	[tilespmem:s31], [sflag:$0x1] =	stream.indirect_vreg.gather [hbm4b:s4+s3], $0x80, v4, vm0, $0xb8;
	[tilespmem:$0x1E180] =	vst v63  }
0x36: {  	s23 =	simm.s32 $0x4180  }
0x37: {  	[tilespmem:s23], [sflag:$0x1] =	stream.indirect_vreg.gather [hbm4b:s5+s3], $0x80, v4, vm0, $0xb8;
	[tilespmem:$0x1E180] =	vst v63  }
0x38: {  	s8 =	simm.s32 $0x4980  }
0x39: {  	[tilespmem:s8], [sflag:$0x1] =	stream.indirect_vreg.gather [hbm4b:s2+s3], $0x80, v3, vm0, $0xb8;
	[tilespmem:$0x1E180] =	vst v63  }
0x3a: {  	_ = 	snop  }
0x3b: {  	[tilespmem:s9], [sflag:$0x1] =	stream.indirect_vreg.gather [hbm4b:s4+s3], $0x80, v3, vm0, $0xb8;
	[tilespmem:$0x1E180] =	vst v63  }
0x3c: {  	_ = 	snop  }
0x3d: {  	[tilespmem:s10], [sflag:$0x1] =	stream.indirect_vreg.gather [hbm4b:s5+s3], $0x80, v3, vm0, $0xb8;
	[tilespmem:$0x1E180] =	vst v63  }
0x3e: {  	v3 =	vld [tilespmem:$0x20];
	_ =	sdelay $0x4  }
0x3f: {  	v46 =	vshrl.u32 v3, $0x3  }
0x40: {  	v4 =	vmul.u32 $0x30, v46  }
0x41: {  	v3 =	vand.u32 $0x7, v3  }
0x42: {  	v3 =	vor.u32 v3, v4  }
0x43: {  	v4 =	vperm.xlane v3, v0;
	_ =	sdelay $0x1  }
0x44: {  	v4 =	vadd.s32 v1, v4;
	_ =	sdelay $0x3  }
0x45: {  	v3 =	vperm.xlane v3, v2  }
0x46: {  	[tilespmem:s11], [sflag:$0x1] =	stream.indirect_vreg.gather [hbm4b:s2+s3], $0x80, v4, vm0, $0xb8;
	[tilespmem:$0x1E180] =	vst v63  }
0x47: {  	v3 =	vadd.s32 v1, v3  }
0x48: {  	[tilespmem:s12], [sflag:$0x1] =	stream.indirect_vreg.gather [hbm4b:s4+s3], $0x80, v4, vm0, $0xb8;
	[tilespmem:$0x1E180] =	vst v63  }
0x49: {  	_ = 	snop  }
0x4a: {  	[tilespmem:s13], [sflag:$0x1] =	stream.indirect_vreg.gather [hbm4b:s5+s3], $0x80, v4, vm0, $0xb8;
	[tilespmem:$0x1E180] =	vst v63  }
0x4b: {  	_ = 	snop  }
0x4c: {  	[tilespmem:s15], [sflag:$0x1] =	stream.indirect_vreg.gather [hbm4b:s2+s3], $0x80, v3, vm0, $0xb8;
	[tilespmem:$0x1E180] =	vst v63  }
0x4d: {  	_ = 	snop  }
0x4e: {  	[tilespmem:s16], [sflag:$0x1] =	stream.indirect_vreg.gather [hbm4b:s4+s3], $0x80, v3, vm0, $0xb8;
	[tilespmem:$0x1E180] =	vst v63  }
0x4f: {  	_ = 	snop  }
0x50: {  	[tilespmem:s17], [sflag:$0x1] =	stream.indirect_vreg.gather [hbm4b:s5+s3], $0x80, v3, vm0, $0xb8;
	[tilespmem:$0x1E180] =	vst v63  }
0x51: {  	v3 =	vld [tilespmem:$0x30];
	_ =	sdelay $0x4  }
0x52: {  	v47 =	vshrl.u32 v3, $0x3  }
0x53: {  	v4 =	vmul.u32 $0x30, v47  }
0x54: {  	v3 =	vand.u32 $0x7, v3  }
0x55: {  	v3 =	vor.u32 v3, v4  }
0x56: {  	v4 =	vperm.xlane v3, v0;
	_ =	sdelay $0x1  }
0x57: {  	v4 =	vadd.s32 v1, v4;
	_ =	sdelay $0x3  }
0x58: {  	v3 =	vperm.xlane v3, v2  }
0x59: {  	[tilespmem:s18], [sflag:$0x1] =	stream.indirect_vreg.gather [hbm4b:s2+s3], $0x80, v4, vm0, $0xb8;
	[tilespmem:$0x1E180] =	vst v63  }
0x5a: {  	v3 =	vadd.s32 v1, v3  }
0x5b: {  	[tilespmem:s19], [sflag:$0x1] =	stream.indirect_vreg.gather [hbm4b:s4+s3], $0x80, v4, vm0, $0xb8;
	[tilespmem:$0x1E180] =	vst v63  }
0x5c: {  	_ = 	snop  }
0x5d: {  	[tilespmem:s20], [sflag:$0x1] =	stream.indirect_vreg.gather [hbm4b:s5+s3], $0x80, v4, vm0, $0xb8;
	[tilespmem:$0x1E180] =	vst v63  }
0x5e: {  	s8 =	simm.s32 $0xA980  }
0x5f: {  	[tilespmem:s8], [sflag:$0x1] =	stream.indirect_vreg.gather [hbm4b:s2+s3], $0x80, v3, vm0, $0xb8;
	[tilespmem:$0x1E180] =	vst v63  }
0x60: {  	_ = 	snop  }
0x61: {  	[tilespmem:s14], [sflag:$0x1] =	stream.indirect_vreg.gather [hbm4b:s4+s3], $0x80, v3, vm0, $0xb8;
	[tilespmem:$0x1E180] =	vst v63  }
0x62: {  	s21 =	simm.s32 $0xB980  }
0x63: {  	[tilespmem:s21], [sflag:$0x1] =	stream.indirect_vreg.gather [hbm4b:s5+s3], $0x80, v3, vm0, $0xb8;
	[tilespmem:$0x1E180] =	vst v63  }
0x64: {  	v3 =	vld [tilespmem:$0x40];
	_ =	sdelay $0x4  }
0x65: {  	v48 =	vshrl.u32 v3, $0x3  }
0x66: {  	v4 =	vmul.u32 $0x30, v48  }
0x67: {  	v3 =	vand.u32 $0x7, v3  }
0x68: {  	v3 =	vor.u32 v3, v4  }
0x69: {  	v4 =	vperm.xlane v3, v0;
	_ =	sdelay $0x1  }
0x6a: {  	v4 =	vadd.s32 v1, v4;
	_ =	sdelay $0x3  }
0x6b: {  	s23 =	simm.s32 $0xC180;
	v3 =	vperm.xlane v3, v2  }
0x6c: {  	[tilespmem:s23], [sflag:$0x1] =	stream.indirect_vreg.gather [hbm4b:s2+s3], $0x80, v4, vm0, $0xb8;
	[tilespmem:$0x1E180] =	vst v63  }
0x6d: {  	s21 =	simm.s32 $0xC980;
	v3 =	vadd.s32 v1, v3  }
0x6e: {  	[tilespmem:s21], [sflag:$0x1] =	stream.indirect_vreg.gather [hbm4b:s4+s3], $0x80, v4, vm0, $0xb8;
	[tilespmem:$0x1E180] =	vst v63  }
0x6f: {  	s23 =	simm.s32 $0xD180  }
0x70: {  	[tilespmem:s23], [sflag:$0x1] =	stream.indirect_vreg.gather [hbm4b:s5+s3], $0x80, v4, vm0, $0xb8;
	[tilespmem:$0x1E180] =	vst v63  }
0x71: {  	s21 =	simm.s32 $0xD980  }
0x72: {  	[tilespmem:s21], [sflag:$0x1] =	stream.indirect_vreg.gather [hbm4b:s2+s3], $0x80, v3, vm0, $0xb8;
	[tilespmem:$0x1E180] =	vst v63  }
0x73: {  	s23 =	simm.s32 $0xE180  }
0x74: {  	[tilespmem:s23], [sflag:$0x1] =	stream.indirect_vreg.gather [hbm4b:s4+s3], $0x80, v3, vm0, $0xb8;
	[tilespmem:$0x1E180] =	vst v63  }
0x75: {  	s21 =	simm.s32 $0xE980  }
0x76: {  	[tilespmem:s21], [sflag:$0x1] =	stream.indirect_vreg.gather [hbm4b:s5+s3], $0x80, v3, vm0, $0xb8;
	[tilespmem:$0x1E180] =	vst v63  }
0x77: {  	v3 =	vld [tilespmem:$0x50];
	_ =	sdelay $0x4  }
0x78: {  	v49 =	vshrl.u32 v3, $0x3  }
0x79: {  	v4 =	vmul.u32 $0x30, v49  }
0x7a: {  	v3 =	vand.u32 $0x7, v3  }
0x7b: {  	v3 =	vor.u32 v3, v4  }
0x7c: {  	v4 =	vperm.xlane v3, v0;
	_ =	sdelay $0x1  }
0x7d: {  	v4 =	vadd.s32 v1, v4;
	_ =	sdelay $0x3  }
0x7e: {  	s0 =	simm.s32 $0xF180;
	v3 =	vperm.xlane v3, v2  }
0x7f: {  	[tilespmem:s0], [sflag:$0x2] =	stream.indirect_vreg.gather [hbm4b:s2+s3], $0x80, v4, vm0, $0xb8;
	[tilespmem:$0x1E180] =	vst v63  }
0x80: {  	s21 =	simm.s32 $0xF980;
	v3 =	vadd.s32 v1, v3  }
0x81: {  	[tilespmem:s21], [sflag:$0x2] =	stream.indirect_vreg.gather [hbm4b:s4+s3], $0x80, v4, vm0, $0xb8;
	[tilespmem:$0x1E180] =	vst v63  }
0x82: {  	s23 =	simm.s32 $0x10180  }
0x83: {  	[tilespmem:s23], [sflag:$0x2] =	stream.indirect_vreg.gather [hbm4b:s5+s3], $0x80, v4, vm0, $0xb8;
	[tilespmem:$0x1E180] =	vst v63  }
0x84: {  	s23 =	simm.s32 $0x10980  }
0x85: {  	[tilespmem:s23], [sflag:$0x2] =	stream.indirect_vreg.gather [hbm4b:s2+s3], $0x80, v3, vm0, $0xb8;
	[tilespmem:$0x1E180] =	vst v63  }
0x86: {  	s23 =	simm.s32 $0x11180  }
0x87: {  	[tilespmem:s23], [sflag:$0x2] =	stream.indirect_vreg.gather [hbm4b:s4+s3], $0x80, v3, vm0, $0xb8;
	[tilespmem:$0x1E180] =	vst v63  }
0x88: {  	s23 =	simm.s32 $0x11980  }
0x89: {  	[tilespmem:s23], [sflag:$0x2] =	stream.indirect_vreg.gather [hbm4b:s5+s3], $0x80, v3, vm0, $0xb8;
	[tilespmem:$0x1E180] =	vst v63  }
0x8a: {  	v3 =	vld [tilespmem:$0x60];
	_ =	sdelay $0x4  }
0x8b: {  	v50 =	vshrl.u32 v3, $0x3  }
0x8c: {  	v4 =	vmul.u32 $0x30, v50  }
0x8d: {  	v3 =	vand.u32 $0x7, v3  }
0x8e: {  	v3 =	vor.u32 v3, v4  }
0x8f: {  	v4 =	vperm.xlane v3, v0;
	_ =	sdelay $0x1  }
0x90: {  	v4 =	vadd.s32 v1, v4;
	_ =	sdelay $0x3  }
0x91: {  	s23 =	simm.s32 $0x12180;
	v3 =	vperm.xlane v3, v2  }
0x92: {  	[tilespmem:s23], [sflag:$0x2] =	stream.indirect_vreg.gather [hbm4b:s2+s3], $0x80, v4, vm0, $0xb8;
	[tilespmem:$0x1E180] =	vst v63  }
0x93: {  	v3 =	vadd.s32 v1, v3;
	s23 =	simm.s32 $0x12980  }
0x94: {  	[tilespmem:s23], [sflag:$0x2] =	stream.indirect_vreg.gather [hbm4b:s4+s3], $0x80, v4, vm0, $0xb8;
	[tilespmem:$0x1E180] =	vst v63  }
0x95: {  	s23 =	simm.s32 $0x13180  }
0x96: {  	[tilespmem:s23], [sflag:$0x2] =	stream.indirect_vreg.gather [hbm4b:s5+s3], $0x80, v4, vm0, $0xb8;
	[tilespmem:$0x1E180] =	vst v63  }
0x97: {  	s23 =	simm.s32 $0x13980  }
0x98: {  	[tilespmem:s23], [sflag:$0x2] =	stream.indirect_vreg.gather [hbm4b:s2+s3], $0x80, v3, vm0, $0xb8;
	[tilespmem:$0x1E180] =	vst v63  }
0x99: {  	s23 =	simm.s32 $0x14180  }
0x9a: {  	[tilespmem:s23], [sflag:$0x2] =	stream.indirect_vreg.gather [hbm4b:s4+s3], $0x80, v3, vm0, $0xb8;
	[tilespmem:$0x1E180] =	vst v63  }
0x9b: {  	s23 =	simm.s32 $0x14980  }
0x9c: {  	[tilespmem:s23], [sflag:$0x2] =	stream.indirect_vreg.gather [hbm4b:s5+s3], $0x80, v3, vm0, $0xb8;
	[tilespmem:$0x1E180] =	vst v63  }
0x9d: {  	v3 =	vld [tilespmem:$0x70];
	_ =	sdelay $0x4  }
0x9e: {  	v51 =	vshrl.u32 v3, $0x3  }
0x9f: {  	v4 =	vmul.u32 $0x30, v51  }
0xa0: {  	v3 =	vand.u32 $0x7, v3  }
0xa1: {  	v3 =	vor.u32 v3, v4  }
0xa2: {  	v4 =	vperm.xlane v3, v0;
	_ =	sdelay $0x1  }
0xa3: {  	v4 =	vadd.s32 v1, v4;
	_ =	sdelay $0x3  }
0xa4: {  	s23 =	simm.s32 $0x15180;
	v3 =	vperm.xlane v3, v2  }
0xa5: {  	[tilespmem:s23], [sflag:$0x2] =	stream.indirect_vreg.gather [hbm4b:s2+s3], $0x80, v4, vm0, $0xb8;
	[tilespmem:$0x1E180] =	vst v63  }
0xa6: {  	v3 =	vadd.s32 v1, v3;
	s23 =	simm.s32 $0x15980  }
0xa7: {  	[tilespmem:s23], [sflag:$0x2] =	stream.indirect_vreg.gather [hbm4b:s4+s3], $0x80, v4, vm0, $0xb8;
	[tilespmem:$0x1E180] =	vst v63  }
0xa8: {  	s23 =	simm.s32 $0x16180  }
0xa9: {  	[tilespmem:s23], [sflag:$0x2] =	stream.indirect_vreg.gather [hbm4b:s5+s3], $0x80, v4, vm0, $0xb8;
	[tilespmem:$0x1E180] =	vst v63  }
0xaa: {  	s23 =	simm.s32 $0x16980  }
0xab: {  	[tilespmem:s23], [sflag:$0x2] =	stream.indirect_vreg.gather [hbm4b:s2+s3], $0x80, v3, vm0, $0xb8;
	[tilespmem:$0x1E180] =	vst v63  }
0xac: {  	s23 =	simm.s32 $0x17180  }
0xad: {  	[tilespmem:s23], [sflag:$0x2] =	stream.indirect_vreg.gather [hbm4b:s4+s3], $0x80, v3, vm0, $0xb8;
	[tilespmem:$0x1E180] =	vst v63  }
0xae: {  	s23 =	simm.s32 $0x17980  }
0xaf: {  	[tilespmem:s23], [sflag:$0x2] =	stream.indirect_vreg.gather [hbm4b:s5+s3], $0x80, v3, vm0, $0xb8;
	[tilespmem:$0x1E180] =	vst v63  }
0xb0: {  	v3 =	vld [tilespmem:$0x80];
	_ =	sdelay $0x4  }
0xb1: {  	v52 =	vshrl.u32 v3, $0x3  }
0xb2: {  	v4 =	vmul.u32 $0x30, v52  }
0xb3: {  	v3 =	vand.u32 $0x7, v3  }
0xb4: {  	v3 =	vor.u32 v3, v4  }
0xb5: {  	v4 =	vperm.xlane v3, v0;
	_ =	sdelay $0x1  }
0xb6: {  	v4 =	vadd.s32 v1, v4;
	_ =	sdelay $0x3  }
0xb7: {  	s23 =	simm.s32 $0x18180;
	v3 =	vperm.xlane v3, v2  }
0xb8: {  	[tilespmem:s23], [sflag:$0x2] =	stream.indirect_vreg.gather [hbm4b:s2+s3], $0x80, v4, vm0, $0xb8;
	[tilespmem:$0x1E180] =	vst v63  }
0xb9: {  	v3 =	vadd.s32 v1, v3;
	s23 =	simm.s32 $0x18980  }
0xba: {  	[tilespmem:s23], [sflag:$0x2] =	stream.indirect_vreg.gather [hbm4b:s4+s3], $0x80, v4, vm0, $0xb8;
	[tilespmem:$0x1E180] =	vst v63  }
0xbb: {  	s23 =	simm.s32 $0x19180  }
0xbc: {  	[tilespmem:s23], [sflag:$0x2] =	stream.indirect_vreg.gather [hbm4b:s5+s3], $0x80, v4, vm0, $0xb8;
	[tilespmem:$0x1E180] =	vst v63  }
0xbd: {  	s23 =	simm.s32 $0x19980  }
0xbe: {  	[tilespmem:s23], [sflag:$0x2] =	stream.indirect_vreg.gather [hbm4b:s2+s3], $0x80, v3, vm0, $0xb8;
	[tilespmem:$0x1E180] =	vst v63  }
0xbf: {  	s23 =	simm.s32 $0x1A180  }
0xc0: {  	[tilespmem:s23], [sflag:$0x2] =	stream.indirect_vreg.gather [hbm4b:s4+s3], $0x80, v3, vm0, $0xb8;
	[tilespmem:$0x1E180] =	vst v63  }
0xc1: {  	s23 =	simm.s32 $0x1A980  }
0xc2: {  	[tilespmem:s23], [sflag:$0x2] =	stream.indirect_vreg.gather [hbm4b:s5+s3], $0x80, v3, vm0, $0xb8;
	[tilespmem:$0x1E180] =	vst v63  }
0xc3: {  	v3 =	vld [tilespmem:$0x90];
	_ =	sdelay $0x4  }
0xc4: {  	v53 =	vshrl.u32 v3, $0x3  }
0xc5: {  	v4 =	vmul.u32 $0x30, v53  }
0xc6: {  	v3 =	vand.u32 $0x7, v3  }
0xc7: {  	v3 =	vor.u32 v3, v4  }
0xc8: {  	v4 =	vperm.xlane v3, v0;
	_ =	sdelay $0x1  }
0xc9: {  	v4 =	vadd.s32 v1, v4;
	_ =	sdelay $0x3  }
0xca: {  	s23 =	simm.s32 $0x1B180;
	v3 =	vperm.xlane v3, v2  }
0xcb: {  	[tilespmem:s23], [sflag:$0x2] =	stream.indirect_vreg.gather [hbm4b:s2+s3], $0x80, v4, vm0, $0xb8;
	[tilespmem:$0x1E180] =	vst v63  }
0xcc: {  	v3 =	vadd.s32 v1, v3;
	s23 =	simm.s32 $0x1B980  }
0xcd: {  	[tilespmem:s23], [sflag:$0x2] =	stream.indirect_vreg.gather [hbm4b:s4+s3], $0x80, v4, vm0, $0xb8;
	[tilespmem:$0x1E180] =	vst v63  }
0xce: {  	s23 =	simm.s32 $0x1C180  }
0xcf: {  	[tilespmem:s23], [sflag:$0x2] =	stream.indirect_vreg.gather [hbm4b:s5+s3], $0x80, v4, vm0, $0xb8;
	[tilespmem:$0x1E180] =	vst v63  }
0xd0: {  	s23 =	simm.s32 $0x1C980  }
0xd1: {  	[tilespmem:s23], [sflag:$0x2] =	stream.indirect_vreg.gather [hbm4b:s2+s3], $0x80, v3, vm0, $0xb8;
	[tilespmem:$0x1E180] =	vst v63  }
0xd2: {  	s23 =	simm.s32 $0x1D180  }
0xd3: {  	[tilespmem:s23], [sflag:$0x2] =	stream.indirect_vreg.gather [hbm4b:s4+s3], $0x80, v3, vm0, $0xb8;
	[tilespmem:$0x1E180] =	vst v63  }
0xd4: {  	s23 =	simm.s32 $0x1D980  }
0xd5: {  	[tilespmem:s23], [sflag:$0x2] =	stream.indirect_vreg.gather [hbm4b:s5+s3], $0x80, v3, vm0, $0xb8;
	[tilespmem:$0x1E180] =	vst v63  }
0xd6: {  	_ =	swait.ge [sflag:s1], $0xF000  }
0xd7: {  	[sflag:s1] =	ssyncset.done $0x0  }
0xd8: {  	s21 =	simm.s32 $0x180;
	s23 =	rddreg [dreg:$0x4];
	[sflag:s1] =	ssyncadd.s32 $0xFFFF1000  }
0xd9: {  	[hbm4b:s23+s3] =	stream.linear.scatter [tilespmem:s21], [sflag:$0x3], $0xF000, $0x38;
	[tilespmem:$0x1E180] =	vst v63  }
0xda: {  	_ =	swait.ge [sflag:s7], $0xF000  }
0xdb: {  	[sflag:s7] =	ssyncset.done $0x0  }
0xdc: {  	[sflag:s7] =	ssyncadd.s32 $0xFFFF1000  }
0xdd: {  	v3 =	vld [tilespmem:$0xA0];
	_ =	sdelay $0x4  }
0xde: {  	v54 =	vshrl.u32 v3, $0x3  }
0xdf: {  	v4 =	vmul.u32 $0x30, v54  }
0xe0: {  	v3 =	vand.u32 $0x7, v3  }
0xe1: {  	v3 =	vor.u32 v3, v4  }
0xe2: {  	v4 =	vperm.xlane v3, v0;
	_ =	sdelay $0x1  }
0xe3: {  	v4 =	vadd.s32 v1, v4;
	_ =	sdelay $0x3  }
0xe4: {  	v3 =	vperm.xlane v3, v2  }
0xe5: {  	[tilespmem:s21], [sflag:$0x1] =	stream.indirect_vreg.gather [hbm4b:s2+s3], $0x80, v4, vm0, $0xb8;
	[tilespmem:$0x1E180] =	vst v63  }
0xe6: {  	v3 =	vadd.s32 v1, v3  }
0xe7: {  	[tilespmem:s24], [sflag:$0x1] =	stream.indirect_vreg.gather [hbm4b:s4+s3], $0x80, v4, vm0, $0xb8;
	[tilespmem:$0x1E180] =	vst v63  }
0xe8: {  	_ = 	snop  }
0xe9: {  	[tilespmem:s25], [sflag:$0x1] =	stream.indirect_vreg.gather [hbm4b:s5+s3], $0x80, v4, vm0, $0xb8;
	[tilespmem:$0x1E180] =	vst v63  }
0xea: {  	_ = 	snop  }
0xeb: {  	[tilespmem:s26], [sflag:$0x1] =	stream.indirect_vreg.gather [hbm4b:s2+s3], $0x80, v3, vm0, $0xb8;
	[tilespmem:$0x1E180] =	vst v63  }
0xec: {  	_ = 	snop  }
0xed: {  	[tilespmem:s28], [sflag:$0x1] =	stream.indirect_vreg.gather [hbm4b:s4+s3], $0x80, v3, vm0, $0xb8;
	[tilespmem:$0x1E180] =	vst v63  }
0xee: {  	_ = 	snop  }
0xef: {  	[tilespmem:s29], [sflag:$0x1] =	stream.indirect_vreg.gather [hbm4b:s5+s3], $0x80, v3, vm0, $0xb8;
	[tilespmem:$0x1E180] =	vst v63  }
0xf0: {  	v3 =	vld [tilespmem:$0xB0];
	_ =	sdelay $0x4  }
0xf1: {  	v55 =	vshrl.u32 v3, $0x3  }
0xf2: {  	v4 =	vmul.u32 $0x30, v55  }
0xf3: {  	v3 =	vand.u32 $0x7, v3  }
0xf4: {  	v3 =	vor.u32 v3, v4  }
0xf5: {  	v4 =	vperm.xlane v3, v0;
	_ =	sdelay $0x1  }
0xf6: {  	v4 =	vadd.s32 v1, v4;
	_ =	sdelay $0x3  }
0xf7: {  	v3 =	vperm.xlane v3, v2  }
0xf8: {  	[tilespmem:s30], [sflag:$0x1] =	stream.indirect_vreg.gather [hbm4b:s2+s3], $0x80, v4, vm0, $0xb8;
	[tilespmem:$0x1E180] =	vst v63  }
0xf9: {  	v3 =	vadd.s32 v1, v3  }
0xfa: {  	[tilespmem:s31], [sflag:$0x1] =	stream.indirect_vreg.gather [hbm4b:s4+s3], $0x80, v4, vm0, $0xb8;
	[tilespmem:$0x1E180] =	vst v63  }
0xfb: {  	s23 =	simm.s32 $0x4180  }
0xfc: {  	[tilespmem:s23], [sflag:$0x1] =	stream.indirect_vreg.gather [hbm4b:s5+s3], $0x80, v4, vm0, $0xb8;
	[tilespmem:$0x1E180] =	vst v63  }
0xfd: {  	s23 =	simm.s32 $0x4980  }
0xfe: {  	[tilespmem:s23], [sflag:$0x1] =	stream.indirect_vreg.gather [hbm4b:s2+s3], $0x80, v3, vm0, $0xb8;
	[tilespmem:$0x1E180] =	vst v63  }
0xff: {  	_ = 	snop  }
0x100: {  	[tilespmem:s9], [sflag:$0x1] =	stream.indirect_vreg.gather [hbm4b:s4+s3], $0x80, v3, vm0, $0xb8;
	[tilespmem:$0x1E180] =	vst v63  }
0x101: {  	_ = 	snop  }
0x102: {  	[tilespmem:s10], [sflag:$0x1] =	stream.indirect_vreg.gather [hbm4b:s5+s3], $0x80, v3, vm0, $0xb8;
	[tilespmem:$0x1E180] =	vst v63  }
0x103: {  	v3 =	vld [tilespmem:$0xC0];
	_ =	sdelay $0x4  }
0x104: {  	v56 =	vshrl.u32 v3, $0x3  }
0x105: {  	v4 =	vmul.u32 $0x30, v56  }
0x106: {  	v3 =	vand.u32 $0x7, v3  }
0x107: {  	v3 =	vor.u32 v3, v4  }
0x108: {  	v4 =	vperm.xlane v3, v0;
	_ =	sdelay $0x1  }
0x109: {  	v4 =	vadd.s32 v1, v4;
	_ =	sdelay $0x3  }
0x10a: {  	v3 =	vperm.xlane v3, v2  }
0x10b: {  	[tilespmem:s11], [sflag:$0x1] =	stream.indirect_vreg.gather [hbm4b:s2+s3], $0x80, v4, vm0, $0xb8;
	[tilespmem:$0x1E180] =	vst v63  }
0x10c: {  	v3 =	vadd.s32 v1, v3  }
0x10d: {  	[tilespmem:s12], [sflag:$0x1] =	stream.indirect_vreg.gather [hbm4b:s4+s3], $0x80, v4, vm0, $0xb8;
	[tilespmem:$0x1E180] =	vst v63  }
0x10e: {  	_ = 	snop  }
0x10f: {  	[tilespmem:s13], [sflag:$0x1] =	stream.indirect_vreg.gather [hbm4b:s5+s3], $0x80, v4, vm0, $0xb8;
	[tilespmem:$0x1E180] =	vst v63  }
0x110: {  	_ = 	snop  }
0x111: {  	[tilespmem:s15], [sflag:$0x1] =	stream.indirect_vreg.gather [hbm4b:s2+s3], $0x80, v3, vm0, $0xb8;
	[tilespmem:$0x1E180] =	vst v63  }
0x112: {  	_ = 	snop  }
0x113: {  	[tilespmem:s16], [sflag:$0x1] =	stream.indirect_vreg.gather [hbm4b:s4+s3], $0x80, v3, vm0, $0xb8;
	[tilespmem:$0x1E180] =	vst v63  }
0x114: {  	_ = 	snop  }
0x115: {  	[tilespmem:s17], [sflag:$0x1] =	stream.indirect_vreg.gather [hbm4b:s5+s3], $0x80, v3, vm0, $0xb8;
	[tilespmem:$0x1E180] =	vst v63  }
0x116: {  	v3 =	vld [tilespmem:$0xD0];
	_ =	sdelay $0x4  }
0x117: {  	v57 =	vshrl.u32 v3, $0x3  }
0x118: {  	v4 =	vmul.u32 $0x30, v57  }
0x119: {  	v3 =	vand.u32 $0x7, v3  }
0x11a: {  	v3 =	vor.u32 v3, v4  }
0x11b: {  	v4 =	vperm.xlane v3, v0;
	_ =	sdelay $0x1  }
0x11c: {  	v4 =	vadd.s32 v1, v4;
	_ =	sdelay $0x3  }
0x11d: {  	v3 =	vperm.xlane v3, v2  }
0x11e: {  	[tilespmem:s18], [sflag:$0x1] =	stream.indirect_vreg.gather [hbm4b:s2+s3], $0x80, v4, vm0, $0xb8;
	[tilespmem:$0x1E180] =	vst v63  }
0x11f: {  	v3 =	vadd.s32 v1, v3  }
0x120: {  	[tilespmem:s19], [sflag:$0x1] =	stream.indirect_vreg.gather [hbm4b:s4+s3], $0x80, v4, vm0, $0xb8;
	[tilespmem:$0x1E180] =	vst v63  }
0x121: {  	_ = 	snop  }
0x122: {  	[tilespmem:s20], [sflag:$0x1] =	stream.indirect_vreg.gather [hbm4b:s5+s3], $0x80, v4, vm0, $0xb8;
	[tilespmem:$0x1E180] =	vst v63  }
0x123: {  	_ = 	snop  }
0x124: {  	[tilespmem:s8], [sflag:$0x1] =	stream.indirect_vreg.gather [hbm4b:s2+s3], $0x80, v3, vm0, $0xb8;
	[tilespmem:$0x1E180] =	vst v63  }
0x125: {  	_ = 	snop  }
0x126: {  	[tilespmem:s14], [sflag:$0x1] =	stream.indirect_vreg.gather [hbm4b:s4+s3], $0x80, v3, vm0, $0xb8;
	[tilespmem:$0x1E180] =	vst v63  }
0x127: {  	s23 =	simm.s32 $0xB980  }
0x128: {  	[tilespmem:s23], [sflag:$0x1] =	stream.indirect_vreg.gather [hbm4b:s5+s3], $0x80, v3, vm0, $0xb8;
	[tilespmem:$0x1E180] =	vst v63  }
0x129: {  	v3 =	vld [tilespmem:$0xE0];
	_ =	sdelay $0x4  }
0x12a: {  	v58 =	vshrl.u32 v3, $0x3  }
0x12b: {  	v4 =	vmul.u32 $0x30, v58  }
0x12c: {  	v3 =	vand.u32 $0x7, v3  }
0x12d: {  	v3 =	vor.u32 v3, v4  }
0x12e: {  	v4 =	vperm.xlane v3, v0;
	_ =	sdelay $0x1  }
0x12f: {  	v4 =	vadd.s32 v1, v4;
	_ =	sdelay $0x3  }
0x130: {  	s21 =	simm.s32 $0xC180;
	v3 =	vperm.xlane v3, v2  }
0x131: {  	[tilespmem:s21], [sflag:$0x1] =	stream.indirect_vreg.gather [hbm4b:s2+s3], $0x80, v4, vm0, $0xb8;
	[tilespmem:$0x1E180] =	vst v63  }
0x132: {  	s23 =	simm.s32 $0xC980;
	v3 =	vadd.s32 v1, v3  }
0x133: {  	[tilespmem:s23], [sflag:$0x1] =	stream.indirect_vreg.gather [hbm4b:s4+s3], $0x80, v4, vm0, $0xb8;
	[tilespmem:$0x1E180] =	vst v63  }
0x134: {  	s21 =	simm.s32 $0xD180  }
0x135: {  	[tilespmem:s21], [sflag:$0x1] =	stream.indirect_vreg.gather [hbm4b:s5+s3], $0x80, v4, vm0, $0xb8;
	[tilespmem:$0x1E180] =	vst v63  }
0x136: {  	s23 =	simm.s32 $0xD980  }
0x137: {  	[tilespmem:s23], [sflag:$0x1] =	stream.indirect_vreg.gather [hbm4b:s2+s3], $0x80, v3, vm0, $0xb8;
	[tilespmem:$0x1E180] =	vst v63  }
0x138: {  	s21 =	simm.s32 $0xE180  }
0x139: {  	[tilespmem:s21], [sflag:$0x1] =	stream.indirect_vreg.gather [hbm4b:s4+s3], $0x80, v3, vm0, $0xb8;
	[tilespmem:$0x1E180] =	vst v63  }
0x13a: {  	s23 =	simm.s32 $0xE980  }
0x13b: {  	[tilespmem:s23], [sflag:$0x1] =	stream.indirect_vreg.gather [hbm4b:s5+s3], $0x80, v3, vm0, $0xb8;
	[tilespmem:$0x1E180] =	vst v63  }
0x13c: {  	_ =	swait.ge [sflag:s22], $0xF000  }
0x13d: {  	[sflag:s22] =	ssyncset.done $0x0  }
0x13e: {  	s21 =	rddreg [dreg:$0x5];
	[sflag:s22] =	ssyncadd.s32 $0xFFFF1000  }
0x13f: {  	[hbm4b:s21+s3] =	stream.linear.scatter [tilespmem:s0], [sflag:$0x3], $0xF000, $0x38;
	[tilespmem:$0x1E180] =	vst v63  }
0x140: {  	_ =	swait.ge [sflag:s7], $0xF000  }
0x141: {  	[sflag:s7] =	ssyncset.done $0x0  }
0x142: {  	[sflag:s7] =	ssyncadd.s32 $0xFFFF1000  }
0x143: {  	v3 =	vld [tilespmem:$0xF0];
	_ =	sdelay $0x4  }
0x144: {  	v59 =	vshrl.u32 v3, $0x3  }
0x145: {  	v4 =	vmul.u32 $0x30, v59  }
0x146: {  	v3 =	vand.u32 $0x7, v3  }
0x147: {  	v3 =	vor.u32 v3, v4  }
0x148: {  	v4 =	vperm.xlane v3, v0;
	_ =	sdelay $0x1  }
0x149: {  	v4 =	vadd.s32 v1, v4;
	_ =	sdelay $0x3  }
0x14a: {  	v3 =	vperm.xlane v3, v2  }
0x14b: {  	[tilespmem:s0], [sflag:$0x2] =	stream.indirect_vreg.gather [hbm4b:s2+s3], $0x80, v4, vm0, $0xb8;
	[tilespmem:$0x1E180] =	vst v63  }
0x14c: {  	s23 =	simm.s32 $0xF980;
	v3 =	vadd.s32 v1, v3  }
0x14d: {  	[tilespmem:s23], [sflag:$0x2] =	stream.indirect_vreg.gather [hbm4b:s4+s3], $0x80, v4, vm0, $0xb8;
	[tilespmem:$0x1E180] =	vst v63  }
0x14e: {  	s21 =	simm.s32 $0x10180  }
0x14f: {  	[tilespmem:s21], [sflag:$0x2] =	stream.indirect_vreg.gather [hbm4b:s5+s3], $0x80, v4, vm0, $0xb8;
	[tilespmem:$0x1E180] =	vst v63  }
0x150: {  	s23 =	simm.s32 $0x10980  }
0x151: {  	[tilespmem:s23], [sflag:$0x2] =	stream.indirect_vreg.gather [hbm4b:s2+s3], $0x80, v3, vm0, $0xb8;
	[tilespmem:$0x1E180] =	vst v63  }
0x152: {  	s21 =	simm.s32 $0x11180  }
0x153: {  	[tilespmem:s21], [sflag:$0x2] =	stream.indirect_vreg.gather [hbm4b:s4+s3], $0x80, v3, vm0, $0xb8;
	[tilespmem:$0x1E180] =	vst v63  }
0x154: {  	s23 =	simm.s32 $0x11980  }
0x155: {  	[tilespmem:s23], [sflag:$0x2] =	stream.indirect_vreg.gather [hbm4b:s5+s3], $0x80, v3, vm0, $0xb8;
	[tilespmem:$0x1E180] =	vst v63  }
0x156: {  	v3 =	vld [tilespmem:$0x100];
	_ =	sdelay $0x4  }
0x157: {  	v60 =	vshrl.u32 v3, $0x3  }
0x158: {  	v4 =	vmul.u32 $0x30, v60  }
0x159: {  	v3 =	vand.u32 $0x7, v3  }
0x15a: {  	v3 =	vor.u32 v3, v4  }
0x15b: {  	v4 =	vperm.xlane v3, v0;
	_ =	sdelay $0x1  }
0x15c: {  	v4 =	vadd.s32 v1, v4;
	_ =	sdelay $0x3  }
0x15d: {  	s21 =	simm.s32 $0x12180;
	v3 =	vperm.xlane v3, v2  }
0x15e: {  	[tilespmem:s21], [sflag:$0x2] =	stream.indirect_vreg.gather [hbm4b:s2+s3], $0x80, v4, vm0, $0xb8;
	[tilespmem:$0x1E180] =	vst v63  }
0x15f: {  	s23 =	simm.s32 $0x12980;
	v3 =	vadd.s32 v1, v3  }
0x160: {  	[tilespmem:s23], [sflag:$0x2] =	stream.indirect_vreg.gather [hbm4b:s4+s3], $0x80, v4, vm0, $0xb8;
	[tilespmem:$0x1E180] =	vst v63  }
0x161: {  	s21 =	simm.s32 $0x13180  }
0x162: {  	[tilespmem:s21], [sflag:$0x2] =	stream.indirect_vreg.gather [hbm4b:s5+s3], $0x80, v4, vm0, $0xb8;
	[tilespmem:$0x1E180] =	vst v63  }
0x163: {  	s23 =	simm.s32 $0x13980  }
0x164: {  	[tilespmem:s23], [sflag:$0x2] =	stream.indirect_vreg.gather [hbm4b:s2+s3], $0x80, v3, vm0, $0xb8;
	[tilespmem:$0x1E180] =	vst v63  }
0x165: {  	s21 =	simm.s32 $0x14180  }
0x166: {  	[tilespmem:s21], [sflag:$0x2] =	stream.indirect_vreg.gather [hbm4b:s4+s3], $0x80, v3, vm0, $0xb8;
	[tilespmem:$0x1E180] =	vst v63  }
0x167: {  	s23 =	simm.s32 $0x14980  }
0x168: {  	[tilespmem:s23], [sflag:$0x2] =	stream.indirect_vreg.gather [hbm4b:s5+s3], $0x80, v3, vm0, $0xb8;
	[tilespmem:$0x1E180] =	vst v63  }
0x169: {  	v3 =	vld [tilespmem:$0x110];
	_ =	sdelay $0x4  }
0x16a: {  	v61 =	vshrl.u32 v3, $0x3  }
0x16b: {  	v4 =	vmul.u32 $0x30, v61  }
0x16c: {  	v3 =	vand.u32 $0x7, v3  }
0x16d: {  	v3 =	vor.u32 v3, v4  }
0x16e: {  	v4 =	vperm.xlane v3, v0;
	_ =	sdelay $0x1  }
0x16f: {  	v4 =	vadd.s32 v1, v4;
	_ =	sdelay $0x3  }
0x170: {  	s21 =	simm.s32 $0x15180;
	v3 =	vperm.xlane v3, v2  }
0x171: {  	[tilespmem:s21], [sflag:$0x2] =	stream.indirect_vreg.gather [hbm4b:s2+s3], $0x80, v4, vm0, $0xb8;
	[tilespmem:$0x1E180] =	vst v63  }
0x172: {  	s23 =	simm.s32 $0x15980;
	v3 =	vadd.s32 v1, v3  }
0x173: {  	[tilespmem:s23], [sflag:$0x2] =	stream.indirect_vreg.gather [hbm4b:s4+s3], $0x80, v4, vm0, $0xb8;
	[tilespmem:$0x1E180] =	vst v63  }
0x174: {  	s21 =	simm.s32 $0x16180  }
0x175: {  	[tilespmem:s21], [sflag:$0x2] =	stream.indirect_vreg.gather [hbm4b:s5+s3], $0x80, v4, vm0, $0xb8;
	[tilespmem:$0x1E180] =	vst v63  }
0x176: {  	s23 =	simm.s32 $0x16980  }
0x177: {  	[tilespmem:s23], [sflag:$0x2] =	stream.indirect_vreg.gather [hbm4b:s2+s3], $0x80, v3, vm0, $0xb8;
	[tilespmem:$0x1E180] =	vst v63  }
0x178: {  	s21 =	simm.s32 $0x17180  }
0x179: {  	[tilespmem:s21], [sflag:$0x2] =	stream.indirect_vreg.gather [hbm4b:s4+s3], $0x80, v3, vm0, $0xb8;
	[tilespmem:$0x1E180] =	vst v63  }
0x17a: {  	s23 =	simm.s32 $0x17980  }
0x17b: {  	[tilespmem:s23], [sflag:$0x2] =	stream.indirect_vreg.gather [hbm4b:s5+s3], $0x80, v3, vm0, $0xb8;
	[tilespmem:$0x1E180] =	vst v63  }
0x17c: {  	v3 =	vld [tilespmem:$0x120];
	_ =	sdelay $0x4  }
0x17d: {  	v62 =	vshrl.u32 v3, $0x3  }
0x17e: {  	v4 =	vmul.u32 $0x30, v62  }
0x17f: {  	v3 =	vand.u32 $0x7, v3  }
0x180: {  	v3 =	vor.u32 v3, v4  }
0x181: {  	v4 =	vperm.xlane v3, v0;
	_ =	sdelay $0x1  }
0x182: {  	v4 =	vadd.s32 v1, v4;
	_ =	sdelay $0x3  }
0x183: {  	s21 =	simm.s32 $0x18180;
	v3 =	vperm.xlane v3, v2  }
0x184: {  	[tilespmem:s21], [sflag:$0x2] =	stream.indirect_vreg.gather [hbm4b:s2+s3], $0x80, v4, vm0, $0xb8;
	[tilespmem:$0x1E180] =	vst v63  }
0x185: {  	s23 =	simm.s32 $0x18980;
	v3 =	vadd.s32 v1, v3  }
0x186: {  	[tilespmem:s23], [sflag:$0x2] =	stream.indirect_vreg.gather [hbm4b:s4+s3], $0x80, v4, vm0, $0xb8;
	[tilespmem:$0x1E180] =	vst v63  }
0x187: {  	s21 =	simm.s32 $0x19180  }
0x188: {  	[tilespmem:s21], [sflag:$0x2] =	stream.indirect_vreg.gather [hbm4b:s5+s3], $0x80, v4, vm0, $0xb8;
	[tilespmem:$0x1E180] =	vst v63  }
0x189: {  	s23 =	simm.s32 $0x19980  }
0x18a: {  	[tilespmem:s23], [sflag:$0x2] =	stream.indirect_vreg.gather [hbm4b:s2+s3], $0x80, v3, vm0, $0xb8;
	[tilespmem:$0x1E180] =	vst v63  }
0x18b: {  	s21 =	simm.s32 $0x1A180  }
0x18c: {  	[tilespmem:s21], [sflag:$0x2] =	stream.indirect_vreg.gather [hbm4b:s4+s3], $0x80, v3, vm0, $0xb8;
	[tilespmem:$0x1E180] =	vst v63  }
0x18d: {  	s23 =	simm.s32 $0x1A980  }
0x18e: {  	[tilespmem:s23], [sflag:$0x2] =	stream.indirect_vreg.gather [hbm4b:s5+s3], $0x80, v3, vm0, $0xb8;
	[tilespmem:$0x1E180] =	vst v63  }
0x18f: {  	v3 =	vld [tilespmem:$0x130];
	_ =	sdelay $0x4  }
0x190: {  	v63 =	vshrl.u32 v3, $0x3  }
0x191: {  	v4 =	vmul.u32 $0x30, v63  }
0x192: {  	v3 =	vand.u32 $0x7, v3  }
0x193: {  	v3 =	vor.u32 v3, v4  }
0x194: {  	v4 =	vperm.xlane v3, v0;
	_ =	sdelay $0x1  }
0x195: {  	v4 =	vadd.s32 v1, v4;
	_ =	sdelay $0x3  }
0x196: {  	s21 =	simm.s32 $0x1B180;
	v3 =	vperm.xlane v3, v2  }
0x197: {  	[tilespmem:s21], [sflag:$0x2] =	stream.indirect_vreg.gather [hbm4b:s2+s3], $0x80, v4, vm0, $0xb8;
	[tilespmem:$0x1E180] =	vst v63  }
0x198: {  	s23 =	simm.s32 $0x1B980;
	v3 =	vadd.s32 v1, v3  }
0x199: {  	[tilespmem:s23], [sflag:$0x2] =	stream.indirect_vreg.gather [hbm4b:s4+s3], $0x80, v4, vm0, $0xb8;
	[tilespmem:$0x1E180] =	vst v63  }
0x19a: {  	s21 =	simm.s32 $0x1C180  }
0x19b: {  	[tilespmem:s21], [sflag:$0x2] =	stream.indirect_vreg.gather [hbm4b:s5+s3], $0x80, v4, vm0, $0xb8;
	[tilespmem:$0x1E180] =	vst v63  }
0x19c: {  	s23 =	simm.s32 $0x1C980  }
0x19d: {  	[tilespmem:s23], [sflag:$0x2] =	stream.indirect_vreg.gather [hbm4b:s2+s3], $0x80, v3, vm0, $0xb8;
	[tilespmem:$0x1E180] =	vst v63  }
0x19e: {  	s21 =	simm.s32 $0x1D180  }
0x19f: {  	[tilespmem:s21], [sflag:$0x2] =	stream.indirect_vreg.gather [hbm4b:s4+s3], $0x80, v3, vm0, $0xb8;
	[tilespmem:$0x1E180] =	vst v63  }
0x1a0: {  	s23 =	simm.s32 $0x1D980  }
0x1a1: {  	[tilespmem:s23], [sflag:$0x2] =	stream.indirect_vreg.gather [hbm4b:s5+s3], $0x80, v3, vm0, $0xb8;
	[tilespmem:$0x1E180] =	vst v63  }
0x1a2: {  	_ =	swait.ge [sflag:s1], $0xF000  }
0x1a3: {  	[sflag:s1] =	ssyncset.done $0x0  }
0x1a4: {  	s21 =	simm.s32 $0x180;
	s8 =	rddreg [dreg:$0x6];
	[sflag:s1] =	ssyncadd.s32 $0xFFFF1000  }
0x1a5: {  	[hbm4b:s8+s3] =	stream.linear.scatter [tilespmem:s21], [sflag:$0x3], $0xF000, $0x38;
	[tilespmem:$0x1E180] =	vst v63  }
0x1a6: {  	_ =	swait.ge [sflag:s7], $0xF000  }
0x1a7: {  	[sflag:s7] =	ssyncset.done $0x0  }
0x1a8: {  	[sflag:s7] =	ssyncadd.s32 $0xFFFF1000  }
0x1a9: {  	_ =	swait.ge [sflag:s22], $0xF000  }
0x1aa: {  	p0 =	sne.s32 s6, $0x1;
	[sflag:s22] =	ssyncset.done $0x0  }
.Ltmp0:
0x1ab: {  	s21 =	rddreg [dreg:$0x7];
	[sflag:s22] =	ssyncadd.s32 $0xFFFF1000;
	(pc) =	sbr.rel @p0 .LBB2_1-.Ltmp0, $4  }
0x1ac: {  	[hbm4b:s21+s3] =	stream.linear.scatter [tilespmem:s0], [sflag:$0x3], $0xF000, $0x38;
	[tilespmem:$0x1E180] =	vst v63  }
0x1ad: {  	_ =	swait.ge [sflag:s7], $0xF000  }
0x1ae: {  	[sflag:s7] =	ssyncset.done $0x0  }
0x1af: {  	s6 =	sadd.s32 $0xFFFFFFFF, s6;
	[sflag:s7] =	ssyncadd.s32 $0xFFFF1000  }
0x1b0: {  	_ =	sfence.sel $0x180000  }
0x1b1: {  	[bflag:$0x0] =	sbarrier.arrive $0xFFFF  }
0x1b2: {  	_ =	strace $0x90000050  }
0x1b3: {  	s0 =	stileid.u32;
	[bflag:$0x2] =	sbarrier.arrive $0xFFFF  }
0x1b4: {  	p0 =	sne.s32 s0, $0x0;
	s0 =	rddreg [dreg:$0x2]  }
0x1b5: {  	s0 =	sadd.s32 @!p0 $0x100000, s0  }
0x1b6: {  	[sflag:s0] =	ssyncadd.tile.s32 @!p0 $0x1;
	_ =	shalt  }
.Lfunc_end2:
_tile_overlayer_lowered:
.L_overlay_start_2:
0x1b7: {  	(tag) =	ssettag $0x2  }
0x1b8: {  	s0 =	rddreg [dreg:$0x0];
	s2 =	stileid.u32  }
0x1b9: {  	s1 =	rddreg [dreg:$0x1];
	p0 =	sne.s32 s2, $0x0  }
0x1ba: {  	s3 =	rddreg [dreg:$0x2];
	[bflag:$0x3] =	sbarrier.arrive $0xFFFF;
	s2 =	simm.s32 @!p0 $0x1C03  }
0x1bb: {  	[timem:s3], [sflag:s2] =	dma.local @!p0 [hbm:s0], s1  }
0x1bc: {  	s0 =	simm.s32 @!p0 $0x3  }
0x1bd: {  	_ =	swait.ge @!p0 [sflag:s0], s1  }
0x1be: {  	s1 =	ssub.s32 @!p0 $0x0, s1;
	[sflag:s0] =	ssyncset.done @!p0 $0x0  }
0x1bf: {  	[sflag:s0] =	ssyncadd.s32 @!p0 s1  }
0x1c0: {  	[bflag:$0x3] =	sbarrier.arrive $0xFFFF  }
0x1c1: {  	_ =	shalt  }

</sc_bundles>
